<compile_context>
chip_gen: v7x
topology: tpu7x:2x2x1
jax: 0.10.2.dev20260603
libtpu: 0.0.44.dev20260713+nightly
codegen_flags: <defaults>
</compile_context>

<pallas_src>
import functools

import jax
import jax.numpy as jnp
from jax import lax
from jax.experimental import pallas as pl
from jax.experimental.pallas import tpu as pltpu
from jax.experimental.pallas import tpu_sc as plsc

_DIM = 768
_NUM_OUT = 64
_BM = 4096

_NEG_INF = float("-inf")

_NC = 2
_NS = 16
_L = 16


def _matmul_block(x_ref, w_ref, b_ref, logits_ref):
    logits_ref[...] = (
        jax.lax.dot_general(
            w_ref[...], x_ref[...], (((1,), (1,)), ((), ())),
            preferred_element_type=jnp.float32,
        )
        + b_ref[...]
    )


def _tc_logits(input, W, b2d):
    n_tok = input.shape[0]
    return pl.pallas_call(
        _matmul_block,
        grid=(n_tok // _BM,),
        in_specs=[
            pl.BlockSpec((_BM, _DIM), lambda i: (i, 0)),
            pl.BlockSpec((_NUM_OUT, _DIM), lambda i: (0, 0)),
            pl.BlockSpec((_NUM_OUT, 1), lambda i: (0, 0)),
        ],
        out_specs=pl.BlockSpec((_NUM_OUT, _BM), lambda i: (0, i)),
        out_shape=jax.ShapeDtypeStruct((_NUM_OUT, n_tok), jnp.float32),
        compiler_params=pltpu.CompilerParams(
            dimension_semantics=("parallel",),
        ),
    )(input, W, b2d)


def _sc_top2(logits_t):
    n_tok = logits_t.shape[1]
    chunk = n_tok // (_NC * _NS)
    mesh = plsc.VectorSubcoreMesh(core_axis_name="c", subcore_axis_name="s")

    @functools.partial(
        pl.kernel,
        mesh=mesh,
        out_type=[
            jax.ShapeDtypeStruct((2, n_tok), jnp.float32),
            jax.ShapeDtypeStruct((2, n_tok), jnp.int32),
        ],
        scratch_types=[
            pltpu.VMEM((_NUM_OUT, chunk), jnp.float32),
            pltpu.VMEM((2, chunk), jnp.float32),
            pltpu.VMEM((2, chunk), jnp.int32),
        ],
    )
    def sc_kernel(logits_hbm, probs_hbm, idx_hbm, buf, pbuf, ibuf):
        wid = lax.axis_index("s") * _NC + lax.axis_index("c")
        base = wid * chunk
        pltpu.sync_copy(logits_hbm.at[:, pl.ds(base, chunk)], buf)

        def tloop(ti, carry):
            t = ti * _L
            neg = jnp.full((_L,), _NEG_INF, jnp.float32)
            zero = jnp.zeros((_L,), jnp.int32)

            m1, i1, m2, i2 = neg, zero, neg, zero
            for e in range(_NUM_OUT):
                v = buf[e, pl.ds(t, _L)]
                ev = jnp.full((_L,), e, jnp.int32)
                gt1 = v > m1
                gt2 = v > m2
                m2, i2 = (
                    jnp.where(gt1, m1, jnp.where(gt2, v, m2)),
                    jnp.where(gt1, i1, jnp.where(gt2, ev, i2)),
                )
                m1 = jnp.where(gt1, v, m1)
                i1 = jnp.where(gt1, ev, i1)
            u = jnp.exp(m2 - m1)
            denom = 1.0 + u
            pbuf[0, pl.ds(t, _L)] = 1.0 / denom
            pbuf[1, pl.ds(t, _L)] = u / denom
            ibuf[0, pl.ds(t, _L)] = i1
            ibuf[1, pl.ds(t, _L)] = i2
            return carry

        lax.fori_loop(0, chunk // _L, tloop, 0)
        pltpu.sync_copy(pbuf, probs_hbm.at[:, pl.ds(base, chunk)])
        pltpu.sync_copy(ibuf, idx_hbm.at[:, pl.ds(base, chunk)])

    return sc_kernel(logits_t)


def kernel(input, W, b):
    b2d = b.reshape(_NUM_OUT, 1)
    logits_t = _tc_logits(input, W, b2d)
    probs_t, idx_t = _sc_top2(logits_t)
    return probs_t.T, idx_t.T

# --- scband reference (transcript-rebuilt; emitter-appended) ---
"""Pipeline reference for scband-router-9912784519338 (READ-ONLY COPY).

The authoritative reference and input builder live on the scoring server;
editing this copy changes nothing except your own understanding.
"""

import jax, jax.numpy as jnp
import numpy as np

DIM = 768
NUM_OUT = 64
TOP_K = 2
N_TOK = 32768


def setup_inputs(seed: int = 0) -> dict:
    key = jax.random.key(seed)
    k1, k2, k3 = jax.random.split(key, 3)
    x = jax.random.normal(k1, (N_TOK, DIM), dtype=jnp.float32)
    # nn.Linear(dim, num_out) parameters: W [num_out, dim], b [num_out]
    bound = 1.0 / np.sqrt(DIM)
    W = jax.random.uniform(k2, (NUM_OUT, DIM), dtype=jnp.float32, minval=-bound, maxval=bound)
    b = jax.random.uniform(k3, (NUM_OUT,), dtype=jnp.float32, minval=-bound, maxval=bound)
    return {"input": x, "W": W, "b": b}


def reference(input, W, b):
    # x = self.L1(input)
    logits = input @ W.T + b
    # y = torch.topk(x, self.topk)  -> (values, indices); softmax applied to top-k values
    vals, idx = jax.lax.top_k(logits, TOP_K)
    # z = torch.softmax(y, dim=-1)
    probs = jax.nn.softmax(vals, axis=-1)
    return probs, idx

if __name__ == "__main__":
    import jax
    _d = setup_inputs()
    print(jax.jit(kernel)(*tuple(_d.values())))

</pallas_src>

<mosaic_0001>
#map = affine_map<(d0, d1) -> (0, 0)>
module attributes {stable_mosaic.version = 14 : i64} {
  func.func @sc_kernel(%arg0: i32, %arg1: i32, %arg2: memref<64x32768xf32, #tpu.memory_space<hbm>>, %arg3: memref<2x32768xf32, #tpu.memory_space<hbm>>, %arg4: memref<2x32768xi32, #tpu.memory_space<hbm>>, %arg5: memref<64x1024xf32, #tpu.memory_space<vmem>>, %arg6: memref<2x1024xf32, #tpu.memory_space<vmem>>, %arg7: memref<2x1024xi32, #tpu.memory_space<vmem>>) attributes {dimension_semantics = [#tpu.dimension_semantics<core_parallel>, #tpu.dimension_semantics<subcore_parallel>], iteration_bounds = array<i64: 2, 16>, scalar_prefetch = 0 : i64, scratch_operands = 3 : i64, tpu.core_type = #tpu.core_type<sc_vector_subcore>, window_params = [{transform_indices = #map}, {transform_indices = #map}, {transform_indices = #map}]} {
    %mul3A = arith.constant 2 : i32
    %mul3A_0 = arith.muli %arg1, %mul3A : i32
    %add3A = arith.addi %mul3A_0, %arg0 : i32
    %mul3A_1 = arith.constant 1024 : i32
    %mul3A_2 = arith.muli %add3A, %mul3A_1 : i32
    "tpu.region"() ({
      %run_scoped3A = tpu.sem_alloc : memref<!tpu.dma_semaphore, #tpu.memory_space<semaphore_mem>>
      %dma_start3A = arith.constant 0 : i32
      %dma_start3A_8 = tpu.memref_slice %arg2[%dma_start3A, %mul3A_2] : memref<64x32768xf32, #tpu.memory_space<hbm>> -> memref<64x1024xf32, #tpu.memory_space<hbm>>
      %dma_start3A_9 = arith.constant 0 : i32
      %dma_start3A_10 = tpu.memref_slice %arg2[%dma_start3A_9, %mul3A_2] : memref<64x32768xf32, #tpu.memory_space<hbm>> -> memref<64x1024xf32, #tpu.memory_space<hbm>>
      tpu.enqueue_dma source(%dma_start3A_10 : memref<64x1024xf32, #tpu.memory_space<hbm>>) target(%arg5 : memref<64x1024xf32, #tpu.memory_space<vmem>>) target_semaphore(%run_scoped3A : memref<!tpu.dma_semaphore, #tpu.memory_space<semaphore_mem>>)
      %dma_wait3A = arith.constant 0 : i32
      %dma_wait3A_11 = tpu.memref_slice %arg2[%dma_wait3A, %mul3A_2] : memref<64x32768xf32, #tpu.memory_space<hbm>> -> memref<64x1024xf32, #tpu.memory_space<hbm>>
      %dma_wait3A_12 = arith.constant 0 : i32
      %dma_wait3A_13 = tpu.memref_slice %arg2[%dma_wait3A_12, %mul3A_2] : memref<64x32768xf32, #tpu.memory_space<hbm>> -> memref<64x1024xf32, #tpu.memory_space<hbm>>
      tpu.wait_dma2 semaphore(%run_scoped3A : memref<!tpu.dma_semaphore, #tpu.memory_space<semaphore_mem>>) src(%dma_wait3A_13 : memref<64x1024xf32, #tpu.memory_space<hbm>>) dst(%arg5 : memref<64x1024xf32, #tpu.memory_space<vmem>>)
      tpu.yield
    }) : () -> ()
    %scan3A = arith.constant 0 : i32
    %scan3A_3 = arith.constant 0 : i32
    %scan3A_4 = arith.constant 64 : i32
    %scan3A_5 = arith.addi %scan3A_3, %scan3A_4 : i32
    %scan3A_6 = arith.constant 1 : i32
    scf.for %scan3A_8 = %scan3A_3 to %scan3A_5 step %scan3A_6  : i32 {
      %mul3A_9 = arith.constant 16 : i32
      %mul3A_10 = arith.muli %scan3A_8, %mul3A_9 : i32
      %broadcast_in_dim3A = arith.constant 0xFF800000 : f32
      %broadcast_in_dim3A_11 = vector.broadcast %broadcast_in_dim3A : f32 to vector<16xf32>
      %broadcast_in_dim3A_12 = arith.constant 0 : i32
      %broadcast_in_dim3A_13 = vector.broadcast %broadcast_in_dim3A_12 : i32 to vector<16xi32>
      %get3A = arith.constant 0 : i32
      %get3A_14 = arith.index_cast %get3A : i32 to index
      %get3A_15 = arith.index_cast %mul3A_10 : i32 to index
      %get3A_16 = tpu.vector_load %arg5[%get3A_14, %get3A_15] {strides = array<i32>} : memref<64x1024xf32, #tpu.memory_space<vmem>>, vector<1x16xf32>,
      %get3A_17 = vector.shape_cast %get3A_16 : vector<1x16xf32> to vector<16xf32>
      %broadcast_in_dim3A_18 = arith.constant 0 : i32
      %broadcast_in_dim3A_19 = vector.broadcast %broadcast_in_dim3A_18 : i32 to vector<16xi32>
      %gt3A = arith.cmpf ogt, %get3A_17, %broadcast_in_dim3A_11 : vector<16xf32>
      %gt3A_20 = arith.cmpf ogt, %get3A_17, %broadcast_in_dim3A_11 : vector<16xf32>
      %select_n3A = arith.select %gt3A_20, %get3A_17, %broadcast_in_dim3A_11 : vector<16xi1>, vector<16xf32>
      %select_n3A_21 = arith.select %gt3A, %broadcast_in_dim3A_11, %select_n3A : vector<16xi1>, vector<16xf32>
      %select_n3A_22 = arith.select %gt3A_20, %broadcast_in_dim3A_19, %broadcast_in_dim3A_13 : vector<16xi1>, vector<16xi32>
      %select_n3A_23 = arith.select %gt3A, %broadcast_in_dim3A_13, %select_n3A_22 : vector<16xi1>, vector<16xi32>
      %select_n3A_24 = arith.select %gt3A, %get3A_17, %broadcast_in_dim3A_11 : vector<16xi1>, vector<16xf32>
      %select_n3A_25 = arith.select %gt3A, %broadcast_in_dim3A_19, %broadcast_in_dim3A_13 : vector<16xi1>, vector<16xi32>
      %get3A_26 = arith.constant 1 : i32
      %get3A_27 = arith.index_cast %get3A_26 : i32 to index
      %get3A_28 = arith.index_cast %mul3A_10 : i32 to index
      %get3A_29 = tpu.vector_load %arg5[%get3A_27, %get3A_28] {strides = array<i32>} : memref<64x1024xf32, #tpu.memory_space<vmem>>, vector<1x16xf32>,
      %get3A_30 = vector.shape_cast %get3A_29 : vector<1x16xf32> to vector<16xf32>
      %broadcast_in_dim3A_31 = arith.constant 1 : i32
      %broadcast_in_dim3A_32 = vector.broadcast %broadcast_in_dim3A_31 : i32 to vector<16xi32>
      %gt3A_33 = arith.cmpf ogt, %get3A_30, %select_n3A_24 : vector<16xf32>
      %gt3A_34 = arith.cmpf ogt, %get3A_30, %select_n3A_21 : vector<16xf32>
      %select_n3A_35 = arith.select %gt3A_34, %get3A_30, %select_n3A_21 : vector<16xi1>, vector<16xf32>
      %select_n3A_36 = arith.select %gt3A_33, %select_n3A_24, %select_n3A_35 : vector<16xi1>, vector<16xf32>
      %select_n3A_37 = arith.select %gt3A_34, %broadcast_in_dim3A_32, %select_n3A_23 : vector<16xi1>, vector<16xi32>
      %select_n3A_38 = arith.select %gt3A_33, %select_n3A_25, %select_n3A_37 : vector<16xi1>, vector<16xi32>
      %select_n3A_39 = arith.select %gt3A_33, %get3A_30, %select_n3A_24 : vector<16xi1>, vector<16xf32>
      %select_n3A_40 = arith.select %gt3A_33, %broadcast_in_dim3A_32, %select_n3A_25 : vector<16xi1>, vector<16xi32>
      %get3A_41 = arith.constant 2 : i32
      %get3A_42 = arith.index_cast %get3A_41 : i32 to index
      %get3A_43 = arith.index_cast %mul3A_10 : i32 to index
      %get3A_44 = tpu.vector_load %arg5[%get3A_42, %get3A_43] {strides = array<i32>} : memref<64x1024xf32, #tpu.memory_space<vmem>>, vector<1x16xf32>,
      %get3A_45 = vector.shape_cast %get3A_44 : vector<1x16xf32> to vector<16xf32>
      %broadcast_in_dim3A_46 = arith.constant 2 : i32
      %broadcast_in_dim3A_47 = vector.broadcast %broadcast_in_dim3A_46 : i32 to vector<16xi32>
      %gt3A_48 = arith.cmpf ogt, %get3A_45, %select_n3A_39 : vector<16xf32>
      %gt3A_49 = arith.cmpf ogt, %get3A_45, %select_n3A_36 : vector<16xf32>
      %select_n3A_50 = arith.select %gt3A_49, %get3A_45, %select_n3A_36 : vector<16xi1>, vector<16xf32>
      %select_n3A_51 = arith.select %gt3A_48, %select_n3A_39, %select_n3A_50 : vector<16xi1>, vector<16xf32>
      %select_n3A_52 = arith.select %gt3A_49, %broadcast_in_dim3A_47, %select_n3A_38 : vector<16xi1>, vector<16xi32>
      %select_n3A_53 = arith.select %gt3A_48, %select_n3A_40, %select_n3A_52 : vector<16xi1>, vector<16xi32>
      %select_n3A_54 = arith.select %gt3A_48, %get3A_45, %select_n3A_39 : vector<16xi1>, vector<16xf32>
      %select_n3A_55 = arith.select %gt3A_48, %broadcast_in_dim3A_47, %select_n3A_40 : vector<16xi1>, vector<16xi32>
      %get3A_56 = arith.constant 3 : i32
      %get3A_57 = arith.index_cast %get3A_56 : i32 to index
      %get3A_58 = arith.index_cast %mul3A_10 : i32 to index
      %get3A_59 = tpu.vector_load %arg5[%get3A_57, %get3A_58] {strides = array<i32>} : memref<64x1024xf32, #tpu.memory_space<vmem>>, vector<1x16xf32>,
      %get3A_60 = vector.shape_cast %get3A_59 : vector<1x16xf32> to vector<16xf32>
      %broadcast_in_dim3A_61 = arith.constant 3 : i32
      %broadcast_in_dim3A_62 = vector.broadcast %broadcast_in_dim3A_61 : i32 to vector<16xi32>
      %gt3A_63 = arith.cmpf ogt, %get3A_60, %select_n3A_54 : vector<16xf32>
      %gt3A_64 = arith.cmpf ogt, %get3A_60, %select_n3A_51 : vector<16xf32>
      %select_n3A_65 = arith.select %gt3A_64, %get3A_60, %select_n3A_51 : vector<16xi1>, vector<16xf32>
      %select_n3A_66 = arith.select %gt3A_63, %select_n3A_54, %select_n3A_65 : vector<16xi1>, vector<16xf32>
      %select_n3A_67 = arith.select %gt3A_64, %broadcast_in_dim3A_62, %select_n3A_53 : vector<16xi1>, vector<16xi32>
      %select_n3A_68 = arith.select %gt3A_63, %select_n3A_55, %select_n3A_67 : vector<16xi1>, vector<16xi32>
      %select_n3A_69 = arith.select %gt3A_63, %get3A_60, %select_n3A_54 : vector<16xi1>, vector<16xf32>
      %select_n3A_70 = arith.select %gt3A_63, %broadcast_in_dim3A_62, %select_n3A_55 : vector<16xi1>, vector<16xi32>
      %get3A_71 = arith.constant 4 : i32
      %get3A_72 = arith.index_cast %get3A_71 : i32 to index
      %get3A_73 = arith.index_cast %mul3A_10 : i32 to index
      %get3A_74 = tpu.vector_load %arg5[%get3A_72, %get3A_73] {strides = array<i32>} : memref<64x1024xf32, #tpu.memory_space<vmem>>, vector<1x16xf32>,
      %get3A_75 = vector.shape_cast %get3A_74 : vector<1x16xf32> to vector<16xf32>
      %broadcast_in_dim3A_76 = arith.constant 4 : i32
      %broadcast_in_dim3A_77 = vector.broadcast %broadcast_in_dim3A_76 : i32 to vector<16xi32>
      %gt3A_78 = arith.cmpf ogt, %get3A_75, %select_n3A_69 : vector<16xf32>
      %gt3A_79 = arith.cmpf ogt, %get3A_75, %select_n3A_66 : vector<16xf32>
      %select_n3A_80 = arith.select %gt3A_79, %get3A_75, %select_n3A_66 : vector<16xi1>, vector<16xf32>
      %select_n3A_81 = arith.select %gt3A_78, %select_n3A_69, %select_n3A_80 : vector<16xi1>, vector<16xf32>
      %select_n3A_82 = arith.select %gt3A_79, %broadcast_in_dim3A_77, %select_n3A_68 : vector<16xi1>, vector<16xi32>
      %select_n3A_83 = arith.select %gt3A_78, %select_n3A_70, %select_n3A_82 : vector<16xi1>, vector<16xi32>
      %select_n3A_84 = arith.select %gt3A_78, %get3A_75, %select_n3A_69 : vector<16xi1>, vector<16xf32>
      %select_n3A_85 = arith.select %gt3A_78, %broadcast_in_dim3A_77, %select_n3A_70 : vector<16xi1>, vector<16xi32>
      %get3A_86 = arith.constant 5 : i32
      %get3A_87 = arith.index_cast %get3A_86 : i32 to index
      %get3A_88 = arith.index_cast %mul3A_10 : i32 to index
      %get3A_89 = tpu.vector_load %arg5[%get3A_87, %get3A_88] {strides = array<i32>} : memref<64x1024xf32, #tpu.memory_space<vmem>>, vector<1x16xf32>,
      %get3A_90 = vector.shape_cast %get3A_89 : vector<1x16xf32> to vector<16xf32>
      %broadcast_in_dim3A_91 = arith.constant 5 : i32
      %broadcast_in_dim3A_92 = vector.broadcast %broadcast_in_dim3A_91 : i32 to vector<16xi32>
      %gt3A_93 = arith.cmpf ogt, %get3A_90, %select_n3A_84 : vector<16xf32>
      %gt3A_94 = arith.cmpf ogt, %get3A_90, %select_n3A_81 : vector<16xf32>
      %select_n3A_95 = arith.select %gt3A_94, %get3A_90, %select_n3A_81 : vector<16xi1>, vector<16xf32>
      %select_n3A_96 = arith.select %gt3A_93, %select_n3A_84, %select_n3A_95 : vector<16xi1>, vector<16xf32>
      %select_n3A_97 = arith.select %gt3A_94, %broadcast_in_dim3A_92, %select_n3A_83 : vector<16xi1>, vector<16xi32>
      %select_n3A_98 = arith.select %gt3A_93, %select_n3A_85, %select_n3A_97 : vector<16xi1>, vector<16xi32>
      %select_n3A_99 = arith.select %gt3A_93, %get3A_90, %select_n3A_84 : vector<16xi1>, vector<16xf32>
      %select_n3A_100 = arith.select %gt3A_93, %broadcast_in_dim3A_92, %select_n3A_85 : vector<16xi1>, vector<16xi32>
      %get3A_101 = arith.constant 6 : i32
      %get3A_102 = arith.index_cast %get3A_101 : i32 to index
      %get3A_103 = arith.index_cast %mul3A_10 : i32 to index
      %get3A_104 = tpu.vector_load %arg5[%get3A_102, %get3A_103] {strides = array<i32>} : memref<64x1024xf32, #tpu.memory_space<vmem>>, vector<1x16xf32>,
      %get3A_105 = vector.shape_cast %get3A_104 : vector<1x16xf32> to vector<16xf32>
      %broadcast_in_dim3A_106 = arith.constant 6 : i32
      %broadcast_in_dim3A_107 = vector.broadcast %broadcast_in_dim3A_106 : i32 to vector<16xi32>
      %gt3A_108 = arith.cmpf ogt, %get3A_105, %select_n3A_99 : vector<16xf32>
      %gt3A_109 = arith.cmpf ogt, %get3A_105, %select_n3A_96 : vector<16xf32>
      %select_n3A_110 = arith.select %gt3A_109, %get3A_105, %select_n3A_96 : vector<16xi1>, vector<16xf32>
      %select_n3A_111 = arith.select %gt3A_108, %select_n3A_99, %select_n3A_110 : vector<16xi1>, vector<16xf32>
      %select_n3A_112 = arith.select %gt3A_109, %broadcast_in_dim3A_107, %select_n3A_98 : vector<16xi1>, vector<16xi32>
      %select_n3A_113 = arith.select %gt3A_108, %select_n3A_100, %select_n3A_112 : vector<16xi1>, vector<16xi32>
      %select_n3A_114 = arith.select %gt3A_108, %get3A_105, %select_n3A_99 : vector<16xi1>, vector<16xf32>
      %select_n3A_115 = arith.select %gt3A_108, %broadcast_in_dim3A_107, %select_n3A_100 : vector<16xi1>, vector<16xi32>
      %get3A_116 = arith.constant 7 : i32
      %get3A_117 = arith.index_cast %get3A_116 : i32 to index
      %get3A_118 = arith.index_cast %mul3A_10 : i32 to index
      %get3A_119 = tpu.vector_load %arg5[%get3A_117, %get3A_118] {strides = array<i32>} : memref<64x1024xf32, #tpu.memory_space<vmem>>, vector<1x16xf32>,
      %get3A_120 = vector.shape_cast %get3A_119 : vector<1x16xf32> to vector<16xf32>
      %broadcast_in_dim3A_121 = arith.constant 7 : i32
      %broadcast_in_dim3A_122 = vector.broadcast %broadcast_in_dim3A_121 : i32 to vector<16xi32>
      %gt3A_123 = arith.cmpf ogt, %get3A_120, %select_n3A_114 : vector<16xf32>
      %gt3A_124 = arith.cmpf ogt, %get3A_120, %select_n3A_111 : vector<16xf32>
      %select_n3A_125 = arith.select %gt3A_124, %get3A_120, %select_n3A_111 : vector<16xi1>, vector<16xf32>
      %select_n3A_126 = arith.select %gt3A_123, %select_n3A_114, %select_n3A_125 : vector<16xi1>, vector<16xf32>
      %select_n3A_127 = arith.select %gt3A_124, %broadcast_in_dim3A_122, %select_n3A_113 : vector<16xi1>, vector<16xi32>
      %select_n3A_128 = arith.select %gt3A_123, %select_n3A_115, %select_n3A_127 : vector<16xi1>, vector<16xi32>
      %select_n3A_129 = arith.select %gt3A_123, %get3A_120, %select_n3A_114 : vector<16xi1>, vector<16xf32>
      %select_n3A_130 = arith.select %gt3A_123, %broadcast_in_dim3A_122, %select_n3A_115 : vector<16xi1>, vector<16xi32>
      %get3A_131 = arith.constant 8 : i32
      %get3A_132 = arith.index_cast %get3A_131 : i32 to index
      %get3A_133 = arith.index_cast %mul3A_10 : i32 to index
      %get3A_134 = tpu.vector_load %arg5[%get3A_132, %get3A_133] {strides = array<i32>} : memref<64x1024xf32, #tpu.memory_space<vmem>>, vector<1x16xf32>,
      %get3A_135 = vector.shape_cast %get3A_134 : vector<1x16xf32> to vector<16xf32>
      %broadcast_in_dim3A_136 = arith.constant 8 : i32
      %broadcast_in_dim3A_137 = vector.broadcast %broadcast_in_dim3A_136 : i32 to vector<16xi32>
      %gt3A_138 = arith.cmpf ogt, %get3A_135, %select_n3A_129 : vector<16xf32>
      %gt3A_139 = arith.cmpf ogt, %get3A_135, %select_n3A_126 : vector<16xf32>
      %select_n3A_140 = arith.select %gt3A_139, %get3A_135, %select_n3A_126 : vector<16xi1>, vector<16xf32>
      %select_n3A_141 = arith.select %gt3A_138, %select_n3A_129, %select_n3A_140 : vector<16xi1>, vector<16xf32>
      %select_n3A_142 = arith.select %gt3A_139, %broadcast_in_dim3A_137, %select_n3A_128 : vector<16xi1>, vector<16xi32>
      %select_n3A_143 = arith.select %gt3A_138, %select_n3A_130, %select_n3A_142 : vector<16xi1>, vector<16xi32>
      %select_n3A_144 = arith.select %gt3A_138, %get3A_135, %select_n3A_129 : vector<16xi1>, vector<16xf32>
      %select_n3A_145 = arith.select %gt3A_138, %broadcast_in_dim3A_137, %select_n3A_130 : vector<16xi1>, vector<16xi32>
      %get3A_146 = arith.constant 9 : i32
      %get3A_147 = arith.index_cast %get3A_146 : i32 to index
      %get3A_148 = arith.index_cast %mul3A_10 : i32 to index
      %get3A_149 = tpu.vector_load %arg5[%get3A_147, %get3A_148] {strides = array<i32>} : memref<64x1024xf32, #tpu.memory_space<vmem>>, vector<1x16xf32>,
      %get3A_150 = vector.shape_cast %get3A_149 : vector<1x16xf32> to vector<16xf32>
      %broadcast_in_dim3A_151 = arith.constant 9 : i32
      %broadcast_in_dim3A_152 = vector.broadcast %broadcast_in_dim3A_151 : i32 to vector<16xi32>
      %gt3A_153 = arith.cmpf ogt, %get3A_150, %select_n3A_144 : vector<16xf32>
      %gt3A_154 = arith.cmpf ogt, %get3A_150, %select_n3A_141 : vector<16xf32>
      %select_n3A_155 = arith.select %gt3A_154, %get3A_150, %select_n3A_141 : vector<16xi1>, vector<16xf32>
      %select_n3A_156 = arith.select %gt3A_153, %select_n3A_144, %select_n3A_155 : vector<16xi1>, vector<16xf32>
      %select_n3A_157 = arith.select %gt3A_154, %broadcast_in_dim3A_152, %select_n3A_143 : vector<16xi1>, vector<16xi32>
      %select_n3A_158 = arith.select %gt3A_153, %select_n3A_145, %select_n3A_157 : vector<16xi1>, vector<16xi32>
      %select_n3A_159 = arith.select %gt3A_153, %get3A_150, %select_n3A_144 : vector<16xi1>, vector<16xf32>
      %select_n3A_160 = arith.select %gt3A_153, %broadcast_in_dim3A_152, %select_n3A_145 : vector<16xi1>, vector<16xi32>
      %get3A_161 = arith.constant 10 : i32
      %get3A_162 = arith.index_cast %get3A_161 : i32 to index
      %get3A_163 = arith.index_cast %mul3A_10 : i32 to index
      %get3A_164 = tpu.vector_load %arg5[%get3A_162, %get3A_163] {strides = array<i32>} : memref<64x1024xf32, #tpu.memory_space<vmem>>, vector<1x16xf32>,
      %get3A_165 = vector.shape_cast %get3A_164 : vector<1x16xf32> to vector<16xf32>
      %broadcast_in_dim3A_166 = arith.constant 10 : i32
      %broadcast_in_dim3A_167 = vector.broadcast %broadcast_in_dim3A_166 : i32 to vector<16xi32>
      %gt3A_168 = arith.cmpf ogt, %get3A_165, %select_n3A_159 : vector<16xf32>
      %gt3A_169 = arith.cmpf ogt, %get3A_165, %select_n3A_156 : vector<16xf32>
      %select_n3A_170 = arith.select %gt3A_169, %get3A_165, %select_n3A_156 : vector<16xi1>, vector<16xf32>
      %select_n3A_171 = arith.select %gt3A_168, %select_n3A_159, %select_n3A_170 : vector<16xi1>, vector<16xf32>
      %select_n3A_172 = arith.select %gt3A_169, %broadcast_in_dim3A_167, %select_n3A_158 : vector<16xi1>, vector<16xi32>
      %select_n3A_173 = arith.select %gt3A_168, %select_n3A_160, %select_n3A_172 : vector<16xi1>, vector<16xi32>
      %select_n3A_174 = arith.select %gt3A_168, %get3A_165, %select_n3A_159 : vector<16xi1>, vector<16xf32>
      %select_n3A_175 = arith.select %gt3A_168, %broadcast_in_dim3A_167, %select_n3A_160 : vector<16xi1>, vector<16xi32>
      %get3A_176 = arith.constant 11 : i32
      %get3A_177 = arith.index_cast %get3A_176 : i32 to index
      %get3A_178 = arith.index_cast %mul3A_10 : i32 to index
      %get3A_179 = tpu.vector_load %arg5[%get3A_177, %get3A_178] {strides = array<i32>} : memref<64x1024xf32, #tpu.memory_space<vmem>>, vector<1x16xf32>,
      %get3A_180 = vector.shape_cast %get3A_179 : vector<1x16xf32> to vector<16xf32>
      %broadcast_in_dim3A_181 = arith.constant 11 : i32
      %broadcast_in_dim3A_182 = vector.broadcast %broadcast_in_dim3A_181 : i32 to vector<16xi32>
      %gt3A_183 = arith.cmpf ogt, %get3A_180, %select_n3A_174 : vector<16xf32>
      %gt3A_184 = arith.cmpf ogt, %get3A_180, %select_n3A_171 : vector<16xf32>
      %select_n3A_185 = arith.select %gt3A_184, %get3A_180, %select_n3A_171 : vector<16xi1>, vector<16xf32>
      %select_n3A_186 = arith.select %gt3A_183, %select_n3A_174, %select_n3A_185 : vector<16xi1>, vector<16xf32>
      %select_n3A_187 = arith.select %gt3A_184, %broadcast_in_dim3A_182, %select_n3A_173 : vector<16xi1>, vector<16xi32>
      %select_n3A_188 = arith.select %gt3A_183, %select_n3A_175, %select_n3A_187 : vector<16xi1>, vector<16xi32>
      %select_n3A_189 = arith.select %gt3A_183, %get3A_180, %select_n3A_174 : vector<16xi1>, vector<16xf32>
      %select_n3A_190 = arith.select %gt3A_183, %broadcast_in_dim3A_182, %select_n3A_175 : vector<16xi1>, vector<16xi32>
      %get3A_191 = arith.constant 12 : i32
      %get3A_192 = arith.index_cast %get3A_191 : i32 to index
      %get3A_193 = arith.index_cast %mul3A_10 : i32 to index
      %get3A_194 = tpu.vector_load %arg5[%get3A_192, %get3A_193] {strides = array<i32>} : memref<64x1024xf32, #tpu.memory_space<vmem>>, vector<1x16xf32>,
      %get3A_195 = vector.shape_cast %get3A_194 : vector<1x16xf32> to vector<16xf32>
      %broadcast_in_dim3A_196 = arith.constant 12 : i32
      %broadcast_in_dim3A_197 = vector.broadcast %broadcast_in_dim3A_196 : i32 to vector<16xi32>
      %gt3A_198 = arith.cmpf ogt, %get3A_195, %select_n3A_189 : vector<16xf32>
      %gt3A_199 = arith.cmpf ogt, %get3A_195, %select_n3A_186 : vector<16xf32>
      %select_n3A_200 = arith.select %gt3A_199, %get3A_195, %select_n3A_186 : vector<16xi1>, vector<16xf32>
      %select_n3A_201 = arith.select %gt3A_198, %select_n3A_189, %select_n3A_200 : vector<16xi1>, vector<16xf32>
      %select_n3A_202 = arith.select %gt3A_199, %broadcast_in_dim3A_197, %select_n3A_188 : vector<16xi1>, vector<16xi32>
      %select_n3A_203 = arith.select %gt3A_198, %select_n3A_190, %select_n3A_202 : vector<16xi1>, vector<16xi32>
      %select_n3A_204 = arith.select %gt3A_198, %get3A_195, %select_n3A_189 : vector<16xi1>, vector<16xf32>
      %select_n3A_205 = arith.select %gt3A_198, %broadcast_in_dim3A_197, %select_n3A_190 : vector<16xi1>, vector<16xi32>
      %get3A_206 = arith.constant 13 : i32
      %get3A_207 = arith.index_cast %get3A_206 : i32 to index
      %get3A_208 = arith.index_cast %mul3A_10 : i32 to index
      %get3A_209 = tpu.vector_load %arg5[%get3A_207, %get3A_208] {strides = array<i32>} : memref<64x1024xf32, #tpu.memory_space<vmem>>, vector<1x16xf32>,
      %get3A_210 = vector.shape_cast %get3A_209 : vector<1x16xf32> to vector<16xf32>
      %broadcast_in_dim3A_211 = arith.constant 13 : i32
      %broadcast_in_dim3A_212 = vector.broadcast %broadcast_in_dim3A_211 : i32 to vector<16xi32>
      %gt3A_213 = arith.cmpf ogt, %get3A_210, %select_n3A_204 : vector<16xf32>
      %gt3A_214 = arith.cmpf ogt, %get3A_210, %select_n3A_201 : vector<16xf32>
      %select_n3A_215 = arith.select %gt3A_214, %get3A_210, %select_n3A_201 : vector<16xi1>, vector<16xf32>
      %select_n3A_216 = arith.select %gt3A_213, %select_n3A_204, %select_n3A_215 : vector<16xi1>, vector<16xf32>
      %select_n3A_217 = arith.select %gt3A_214, %broadcast_in_dim3A_212, %select_n3A_203 : vector<16xi1>, vector<16xi32>
      %select_n3A_218 = arith.select %gt3A_213, %select_n3A_205, %select_n3A_217 : vector<16xi1>, vector<16xi32>
      %select_n3A_219 = arith.select %gt3A_213, %get3A_210, %select_n3A_204 : vector<16xi1>, vector<16xf32>
      %select_n3A_220 = arith.select %gt3A_213, %broadcast_in_dim3A_212, %select_n3A_205 : vector<16xi1>, vector<16xi32>
      %get3A_221 = arith.constant 14 : i32
      %get3A_222 = arith.index_cast %get3A_221 : i32 to index
      %get3A_223 = arith.index_cast %mul3A_10 : i32 to index
      %get3A_224 = tpu.vector_load %arg5[%get3A_222, %get3A_223] {strides = array<i32>} : memref<64x1024xf32, #tpu.memory_space<vmem>>, vector<1x16xf32>,
      %get3A_225 = vector.shape_cast %get3A_224 : vector<1x16xf32> to vector<16xf32>
      %broadcast_in_dim3A_226 = arith.constant 14 : i32
      %broadcast_in_dim3A_227 = vector.broadcast %broadcast_in_dim3A_226 : i32 to vector<16xi32>
      %gt3A_228 = arith.cmpf ogt, %get3A_225, %select_n3A_219 : vector<16xf32>
      %gt3A_229 = arith.cmpf ogt, %get3A_225, %select_n3A_216 : vector<16xf32>
      %select_n3A_230 = arith.select %gt3A_229, %get3A_225, %select_n3A_216 : vector<16xi1>, vector<16xf32>
      %select_n3A_231 = arith.select %gt3A_228, %select_n3A_219, %select_n3A_230 : vector<16xi1>, vector<16xf32>
      %select_n3A_232 = arith.select %gt3A_229, %broadcast_in_dim3A_227, %select_n3A_218 : vector<16xi1>, vector<16xi32>
      %select_n3A_233 = arith.select %gt3A_228, %select_n3A_220, %select_n3A_232 : vector<16xi1>, vector<16xi32>
      %select_n3A_234 = arith.select %gt3A_228, %get3A_225, %select_n3A_219 : vector<16xi1>, vector<16xf32>
      %select_n3A_235 = arith.select %gt3A_228, %broadcast_in_dim3A_227, %select_n3A_220 : vector<16xi1>, vector<16xi32>
      %get3A_236 = arith.constant 15 : i32
      %get3A_237 = arith.index_cast %get3A_236 : i32 to index
      %get3A_238 = arith.index_cast %mul3A_10 : i32 to index
      %get3A_239 = tpu.vector_load %arg5[%get3A_237, %get3A_238] {strides = array<i32>} : memref<64x1024xf32, #tpu.memory_space<vmem>>, vector<1x16xf32>,
      %get3A_240 = vector.shape_cast %get3A_239 : vector<1x16xf32> to vector<16xf32>
      %broadcast_in_dim3A_241 = arith.constant 15 : i32
      %broadcast_in_dim3A_242 = vector.broadcast %broadcast_in_dim3A_241 : i32 to vector<16xi32>
      %gt3A_243 = arith.cmpf ogt, %get3A_240, %select_n3A_234 : vector<16xf32>
      %gt3A_244 = arith.cmpf ogt, %get3A_240, %select_n3A_231 : vector<16xf32>
      %select_n3A_245 = arith.select %gt3A_244, %get3A_240, %select_n3A_231 : vector<16xi1>, vector<16xf32>
      %select_n3A_246 = arith.select %gt3A_243, %select_n3A_234, %select_n3A_245 : vector<16xi1>, vector<16xf32>
      %select_n3A_247 = arith.select %gt3A_244, %broadcast_in_dim3A_242, %select_n3A_233 : vector<16xi1>, vector<16xi32>
      %select_n3A_248 = arith.select %gt3A_243, %select_n3A_235, %select_n3A_247 : vector<16xi1>, vector<16xi32>
      %select_n3A_249 = arith.select %gt3A_243, %get3A_240, %select_n3A_234 : vector<16xi1>, vector<16xf32>
      %select_n3A_250 = arith.select %gt3A_243, %broadcast_in_dim3A_242, %select_n3A_235 : vector<16xi1>, vector<16xi32>
      %get3A_251 = arith.constant 16 : i32
      %get3A_252 = arith.index_cast %get3A_251 : i32 to index
      %get3A_253 = arith.index_cast %mul3A_10 : i32 to index
      %get3A_254 = tpu.vector_load %arg5[%get3A_252, %get3A_253] {strides = array<i32>} : memref<64x1024xf32, #tpu.memory_space<vmem>>, vector<1x16xf32>,
      %get3A_255 = vector.shape_cast %get3A_254 : vector<1x16xf32> to vector<16xf32>
      %broadcast_in_dim3A_256 = arith.constant 16 : i32
      %broadcast_in_dim3A_257 = vector.broadcast %broadcast_in_dim3A_256 : i32 to vector<16xi32>
      %gt3A_258 = arith.cmpf ogt, %get3A_255, %select_n3A_249 : vector<16xf32>
      %gt3A_259 = arith.cmpf ogt, %get3A_255, %select_n3A_246 : vector<16xf32>
      %select_n3A_260 = arith.select %gt3A_259, %get3A_255, %select_n3A_246 : vector<16xi1>, vector<16xf32>
      %select_n3A_261 = arith.select %gt3A_258, %select_n3A_249, %select_n3A_260 : vector<16xi1>, vector<16xf32>
      %select_n3A_262 = arith.select %gt3A_259, %broadcast_in_dim3A_257, %select_n3A_248 : vector<16xi1>, vector<16xi32>
      %select_n3A_263 = arith.select %gt3A_258, %select_n3A_250, %select_n3A_262 : vector<16xi1>, vector<16xi32>
      %select_n3A_264 = arith.select %gt3A_258, %get3A_255, %select_n3A_249 : vector<16xi1>, vector<16xf32>
      %select_n3A_265 = arith.select %gt3A_258, %broadcast_in_dim3A_257, %select_n3A_250 : vector<16xi1>, vector<16xi32>
      %get3A_266 = arith.constant 17 : i32
      %get3A_267 = arith.index_cast %get3A_266 : i32 to index
      %get3A_268 = arith.index_cast %mul3A_10 : i32 to index
      %get3A_269 = tpu.vector_load %arg5[%get3A_267, %get3A_268] {strides = array<i32>} : memref<64x1024xf32, #tpu.memory_space<vmem>>, vector<1x16xf32>,
      %get3A_270 = vector.shape_cast %get3A_269 : vector<1x16xf32> to vector<16xf32>
      %broadcast_in_dim3A_271 = arith.constant 17 : i32
      %broadcast_in_dim3A_272 = vector.broadcast %broadcast_in_dim3A_271 : i32 to vector<16xi32>
      %gt3A_273 = arith.cmpf ogt, %get3A_270, %select_n3A_264 : vector<16xf32>
      %gt3A_274 = arith.cmpf ogt, %get3A_270, %select_n3A_261 : vector<16xf32>
      %select_n3A_275 = arith.select %gt3A_274, %get3A_270, %select_n3A_261 : vector<16xi1>, vector<16xf32>
      %select_n3A_276 = arith.select %gt3A_273, %select_n3A_264, %select_n3A_275 : vector<16xi1>, vector<16xf32>
      %select_n3A_277 = arith.select %gt3A_274, %broadcast_in_dim3A_272, %select_n3A_263 : vector<16xi1>, vector<16xi32>
      %select_n3A_278 = arith.select %gt3A_273, %select_n3A_265, %select_n3A_277 : vector<16xi1>, vector<16xi32>
      %select_n3A_279 = arith.select %gt3A_273, %get3A_270, %select_n3A_264 : vector<16xi1>, vector<16xf32>
      %select_n3A_280 = arith.select %gt3A_273, %broadcast_in_dim3A_272, %select_n3A_265 : vector<16xi1>, vector<16xi32>
      %get3A_281 = arith.constant 18 : i32
      %get3A_282 = arith.index_cast %get3A_281 : i32 to index
      %get3A_283 = arith.index_cast %mul3A_10 : i32 to index
      %get3A_284 = tpu.vector_load %arg5[%get3A_282, %get3A_283] {strides = array<i32>} : memref<64x1024xf32, #tpu.memory_space<vmem>>, vector<1x16xf32>,
      %get3A_285 = vector.shape_cast %get3A_284 : vector<1x16xf32> to vector<16xf32>
      %broadcast_in_dim3A_286 = arith.constant 18 : i32
      %broadcast_in_dim3A_287 = vector.broadcast %broadcast_in_dim3A_286 : i32 to vector<16xi32>
      %gt3A_288 = arith.cmpf ogt, %get3A_285, %select_n3A_279 : vector<16xf32>
      %gt3A_289 = arith.cmpf ogt, %get3A_285, %select_n3A_276 : vector<16xf32>
      %select_n3A_290 = arith.select %gt3A_289, %get3A_285, %select_n3A_276 : vector<16xi1>, vector<16xf32>
      %select_n3A_291 = arith.select %gt3A_288, %select_n3A_279, %select_n3A_290 : vector<16xi1>, vector<16xf32>
      %select_n3A_292 = arith.select %gt3A_289, %broadcast_in_dim3A_287, %select_n3A_278 : vector<16xi1>, vector<16xi32>
      %select_n3A_293 = arith.select %gt3A_288, %select_n3A_280, %select_n3A_292 : vector<16xi1>, vector<16xi32>
      %select_n3A_294 = arith.select %gt3A_288, %get3A_285, %select_n3A_279 : vector<16xi1>, vector<16xf32>
      %select_n3A_295 = arith.select %gt3A_288, %broadcast_in_dim3A_287, %select_n3A_280 : vector<16xi1>, vector<16xi32>
      %get3A_296 = arith.constant 19 : i32
      %get3A_297 = arith.index_cast %get3A_296 : i32 to index
      %get3A_298 = arith.index_cast %mul3A_10 : i32 to index
      %get3A_299 = tpu.vector_load %arg5[%get3A_297, %get3A_298] {strides = array<i32>} : memref<64x1024xf32, #tpu.memory_space<vmem>>, vector<1x16xf32>,
      %get3A_300 = vector.shape_cast %get3A_299 : vector<1x16xf32> to vector<16xf32>
      %broadcast_in_dim3A_301 = arith.constant 19 : i32
      %broadcast_in_dim3A_302 = vector.broadcast %broadcast_in_dim3A_301 : i32 to vector<16xi32>
      %gt3A_303 = arith.cmpf ogt, %get3A_300, %select_n3A_294 : vector<16xf32>
      %gt3A_304 = arith.cmpf ogt, %get3A_300, %select_n3A_291 : vector<16xf32>
      %select_n3A_305 = arith.select %gt3A_304, %get3A_300, %select_n3A_291 : vector<16xi1>, vector<16xf32>
      %select_n3A_306 = arith.select %gt3A_303, %select_n3A_294, %select_n3A_305 : vector<16xi1>, vector<16xf32>
      %select_n3A_307 = arith.select %gt3A_304, %broadcast_in_dim3A_302, %select_n3A_293 : vector<16xi1>, vector<16xi32>
      %select_n3A_308 = arith.select %gt3A_303, %select_n3A_295, %select_n3A_307 : vector<16xi1>, vector<16xi32>
      %select_n3A_309 = arith.select %gt3A_303, %get3A_300, %select_n3A_294 : vector<16xi1>, vector<16xf32>
      %select_n3A_310 = arith.select %gt3A_303, %broadcast_in_dim3A_302, %select_n3A_295 : vector<16xi1>, vector<16xi32>
      %get3A_311 = arith.constant 20 : i32
      %get3A_312 = arith.index_cast %get3A_311 : i32 to index
      %get3A_313 = arith.index_cast %mul3A_10 : i32 to index
      %get3A_314 = tpu.vector_load %arg5[%get3A_312, %get3A_313] {strides = array<i32>} : memref<64x1024xf32, #tpu.memory_space<vmem>>, vector<1x16xf32>,
      %get3A_315 = vector.shape_cast %get3A_314 : vector<1x16xf32> to vector<16xf32>
      %broadcast_in_dim3A_316 = arith.constant 20 : i32
      %broadcast_in_dim3A_317 = vector.broadcast %broadcast_in_dim3A_316 : i32 to vector<16xi32>
      %gt3A_318 = arith.cmpf ogt, %get3A_315, %select_n3A_309 : vector<16xf32>
      %gt3A_319 = arith.cmpf ogt, %get3A_315, %select_n3A_306 : vector<16xf32>
      %select_n3A_320 = arith.select %gt3A_319, %get3A_315, %select_n3A_306 : vector<16xi1>, vector<16xf32>
      %select_n3A_321 = arith.select %gt3A_318, %select_n3A_309, %select_n3A_320 : vector<16xi1>, vector<16xf32>
      %select_n3A_322 = arith.select %gt3A_319, %broadcast_in_dim3A_317, %select_n3A_308 : vector<16xi1>, vector<16xi32>
      %select_n3A_323 = arith.select %gt3A_318, %select_n3A_310, %select_n3A_322 : vector<16xi1>, vector<16xi32>
      %select_n3A_324 = arith.select %gt3A_318, %get3A_315, %select_n3A_309 : vector<16xi1>, vector<16xf32>
      %select_n3A_325 = arith.select %gt3A_318, %broadcast_in_dim3A_317, %select_n3A_310 : vector<16xi1>, vector<16xi32>
      %get3A_326 = arith.constant 21 : i32
      %get3A_327 = arith.index_cast %get3A_326 : i32 to index
      %get3A_328 = arith.index_cast %mul3A_10 : i32 to index
      %get3A_329 = tpu.vector_load %arg5[%get3A_327, %get3A_328] {strides = array<i32>} : memref<64x1024xf32, #tpu.memory_space<vmem>>, vector<1x16xf32>,
      %get3A_330 = vector.shape_cast %get3A_329 : vector<1x16xf32> to vector<16xf32>
      %broadcast_in_dim3A_331 = arith.constant 21 : i32
      %broadcast_in_dim3A_332 = vector.broadcast %broadcast_in_dim3A_331 : i32 to vector<16xi32>
      %gt3A_333 = arith.cmpf ogt, %get3A_330, %select_n3A_324 : vector<16xf32>
      %gt3A_334 = arith.cmpf ogt, %get3A_330, %select_n3A_321 : vector<16xf32>
      %select_n3A_335 = arith.select %gt3A_334, %get3A_330, %select_n3A_321 : vector<16xi1>, vector<16xf32>
      %select_n3A_336 = arith.select %gt3A_333, %select_n3A_324, %select_n3A_335 : vector<16xi1>, vector<16xf32>
      %select_n3A_337 = arith.select %gt3A_334, %broadcast_in_dim3A_332, %select_n3A_323 : vector<16xi1>, vector<16xi32>
      %select_n3A_338 = arith.select %gt3A_333, %select_n3A_325, %select_n3A_337 : vector<16xi1>, vector<16xi32>
      %select_n3A_339 = arith.select %gt3A_333, %get3A_330, %select_n3A_324 : vector<16xi1>, vector<16xf32>
      %select_n3A_340 = arith.select %gt3A_333, %broadcast_in_dim3A_332, %select_n3A_325 : vector<16xi1>, vector<16xi32>
      %get3A_341 = arith.constant 22 : i32
      %get3A_342 = arith.index_cast %get3A_341 : i32 to index
      %get3A_343 = arith.index_cast %mul3A_10 : i32 to index
      %get3A_344 = tpu.vector_load %arg5[%get3A_342, %get3A_343] {strides = array<i32>} : memref<64x1024xf32, #tpu.memory_space<vmem>>, vector<1x16xf32>,
      %get3A_345 = vector.shape_cast %get3A_344 : vector<1x16xf32> to vector<16xf32>
      %broadcast_in_dim3A_346 = arith.constant 22 : i32
      %broadcast_in_dim3A_347 = vector.broadcast %broadcast_in_dim3A_346 : i32 to vector<16xi32>
      %gt3A_348 = arith.cmpf ogt, %get3A_345, %select_n3A_339 : vector<16xf32>
      %gt3A_349 = arith.cmpf ogt, %get3A_345, %select_n3A_336 : vector<16xf32>
      %select_n3A_350 = arith.select %gt3A_349, %get3A_345, %select_n3A_336 : vector<16xi1>, vector<16xf32>
      %select_n3A_351 = arith.select %gt3A_348, %select_n3A_339, %select_n3A_350 : vector<16xi1>, vector<16xf32>
      %select_n3A_352 = arith.select %gt3A_349, %broadcast_in_dim3A_347, %select_n3A_338 : vector<16xi1>, vector<16xi32>
      %select_n3A_353 = arith.select %gt3A_348, %select_n3A_340, %select_n3A_352 : vector<16xi1>, vector<16xi32>
      %select_n3A_354 = arith.select %gt3A_348, %get3A_345, %select_n3A_339 : vector<16xi1>, vector<16xf32>
      %select_n3A_355 = arith.select %gt3A_348, %broadcast_in_dim3A_347, %select_n3A_340 : vector<16xi1>, vector<16xi32>
      %get3A_356 = arith.constant 23 : i32
      %get3A_357 = arith.index_cast %get3A_356 : i32 to index
      %get3A_358 = arith.index_cast %mul3A_10 : i32 to index
      %get3A_359 = tpu.vector_load %arg5[%get3A_357, %get3A_358] {strides = array<i32>} : memref<64x1024xf32, #tpu.memory_space<vmem>>, vector<1x16xf32>,
      %get3A_360 = vector.shape_cast %get3A_359 : vector<1x16xf32> to vector<16xf32>
      %broadcast_in_dim3A_361 = arith.constant 23 : i32
      %broadcast_in_dim3A_362 = vector.broadcast %broadcast_in_dim3A_361 : i32 to vector<16xi32>
      %gt3A_363 = arith.cmpf ogt, %get3A_360, %select_n3A_354 : vector<16xf32>
      %gt3A_364 = arith.cmpf ogt, %get3A_360, %select_n3A_351 : vector<16xf32>
      %select_n3A_365 = arith.select %gt3A_364, %get3A_360, %select_n3A_351 : vector<16xi1>, vector<16xf32>
      %select_n3A_366 = arith.select %gt3A_363, %select_n3A_354, %select_n3A_365 : vector<16xi1>, vector<16xf32>
      %select_n3A_367 = arith.select %gt3A_364, %broadcast_in_dim3A_362, %select_n3A_353 : vector<16xi1>, vector<16xi32>
      %select_n3A_368 = arith.select %gt3A_363, %select_n3A_355, %select_n3A_367 : vector<16xi1>, vector<16xi32>
      %select_n3A_369 = arith.select %gt3A_363, %get3A_360, %select_n3A_354 : vector<16xi1>, vector<16xf32>
      %select_n3A_370 = arith.select %gt3A_363, %broadcast_in_dim3A_362, %select_n3A_355 : vector<16xi1>, vector<16xi32>
      %get3A_371 = arith.constant 24 : i32
      %get3A_372 = arith.index_cast %get3A_371 : i32 to index
      %get3A_373 = arith.index_cast %mul3A_10 : i32 to index
      %get3A_374 = tpu.vector_load %arg5[%get3A_372, %get3A_373] {strides = array<i32>} : memref<64x1024xf32, #tpu.memory_space<vmem>>, vector<1x16xf32>,
      %get3A_375 = vector.shape_cast %get3A_374 : vector<1x16xf32> to vector<16xf32>
      %broadcast_in_dim3A_376 = arith.constant 24 : i32
      %broadcast_in_dim3A_377 = vector.broadcast %broadcast_in_dim3A_376 : i32 to vector<16xi32>
      %gt3A_378 = arith.cmpf ogt, %get3A_375, %select_n3A_369 : vector<16xf32>
      %gt3A_379 = arith.cmpf ogt, %get3A_375, %select_n3A_366 : vector<16xf32>
      %select_n3A_380 = arith.select %gt3A_379, %get3A_375, %select_n3A_366 : vector<16xi1>, vector<16xf32>
      %select_n3A_381 = arith.select %gt3A_378, %select_n3A_369, %select_n3A_380 : vector<16xi1>, vector<16xf32>
      %select_n3A_382 = arith.select %gt3A_379, %broadcast_in_dim3A_377, %select_n3A_368 : vector<16xi1>, vector<16xi32>
      %select_n3A_383 = arith.select %gt3A_378, %select_n3A_370, %select_n3A_382 : vector<16xi1>, vector<16xi32>
      %select_n3A_384 = arith.select %gt3A_378, %get3A_375, %select_n3A_369 : vector<16xi1>, vector<16xf32>
      %select_n3A_385 = arith.select %gt3A_378, %broadcast_in_dim3A_377, %select_n3A_370 : vector<16xi1>, vector<16xi32>
      %get3A_386 = arith.constant 25 : i32
      %get3A_387 = arith.index_cast %get3A_386 : i32 to index
      %get3A_388 = arith.index_cast %mul3A_10 : i32 to index
      %get3A_389 = tpu.vector_load %arg5[%get3A_387, %get3A_388] {strides = array<i32>} : memref<64x1024xf32, #tpu.memory_space<vmem>>, vector<1x16xf32>,
      %get3A_390 = vector.shape_cast %get3A_389 : vector<1x16xf32> to vector<16xf32>
      %broadcast_in_dim3A_391 = arith.constant 25 : i32
      %broadcast_in_dim3A_392 = vector.broadcast %broadcast_in_dim3A_391 : i32 to vector<16xi32>
      %gt3A_393 = arith.cmpf ogt, %get3A_390, %select_n3A_384 : vector<16xf32>
      %gt3A_394 = arith.cmpf ogt, %get3A_390, %select_n3A_381 : vector<16xf32>
      %select_n3A_395 = arith.select %gt3A_394, %get3A_390, %select_n3A_381 : vector<16xi1>, vector<16xf32>
      %select_n3A_396 = arith.select %gt3A_393, %select_n3A_384, %select_n3A_395 : vector<16xi1>, vector<16xf32>
      %select_n3A_397 = arith.select %gt3A_394, %broadcast_in_dim3A_392, %select_n3A_383 : vector<16xi1>, vector<16xi32>
      %select_n3A_398 = arith.select %gt3A_393, %select_n3A_385, %select_n3A_397 : vector<16xi1>, vector<16xi32>
      %select_n3A_399 = arith.select %gt3A_393, %get3A_390, %select_n3A_384 : vector<16xi1>, vector<16xf32>
      %select_n3A_400 = arith.select %gt3A_393, %broadcast_in_dim3A_392, %select_n3A_385 : vector<16xi1>, vector<16xi32>
      %get3A_401 = arith.constant 26 : i32
      %get3A_402 = arith.index_cast %get3A_401 : i32 to index
      %get3A_403 = arith.index_cast %mul3A_10 : i32 to index
      %get3A_404 = tpu.vector_load %arg5[%get3A_402, %get3A_403] {strides = array<i32>} : memref<64x1024xf32, #tpu.memory_space<vmem>>, vector<1x16xf32>,
      %get3A_405 = vector.shape_cast %get3A_404 : vector<1x16xf32> to vector<16xf32>
      %broadcast_in_dim3A_406 = arith.constant 26 : i32
      %broadcast_in_dim3A_407 = vector.broadcast %broadcast_in_dim3A_406 : i32 to vector<16xi32>
      %gt3A_408 = arith.cmpf ogt, %get3A_405, %select_n3A_399 : vector<16xf32>
      %gt3A_409 = arith.cmpf ogt, %get3A_405, %select_n3A_396 : vector<16xf32>
      %select_n3A_410 = arith.select %gt3A_409, %get3A_405, %select_n3A_396 : vector<16xi1>, vector<16xf32>
      %select_n3A_411 = arith.select %gt3A_408, %select_n3A_399, %select_n3A_410 : vector<16xi1>, vector<16xf32>
      %select_n3A_412 = arith.select %gt3A_409, %broadcast_in_dim3A_407, %select_n3A_398 : vector<16xi1>, vector<16xi32>
      %select_n3A_413 = arith.select %gt3A_408, %select_n3A_400, %select_n3A_412 : vector<16xi1>, vector<16xi32>
      %select_n3A_414 = arith.select %gt3A_408, %get3A_405, %select_n3A_399 : vector<16xi1>, vector<16xf32>
      %select_n3A_415 = arith.select %gt3A_408, %broadcast_in_dim3A_407, %select_n3A_400 : vector<16xi1>, vector<16xi32>
      %get3A_416 = arith.constant 27 : i32
      %get3A_417 = arith.index_cast %get3A_416 : i32 to index
      %get3A_418 = arith.index_cast %mul3A_10 : i32 to index
      %get3A_419 = tpu.vector_load %arg5[%get3A_417, %get3A_418] {strides = array<i32>} : memref<64x1024xf32, #tpu.memory_space<vmem>>, vector<1x16xf32>,
      %get3A_420 = vector.shape_cast %get3A_419 : vector<1x16xf32> to vector<16xf32>
      %broadcast_in_dim3A_421 = arith.constant 27 : i32
      %broadcast_in_dim3A_422 = vector.broadcast %broadcast_in_dim3A_421 : i32 to vector<16xi32>
      %gt3A_423 = arith.cmpf ogt, %get3A_420, %select_n3A_414 : vector<16xf32>
      %gt3A_424 = arith.cmpf ogt, %get3A_420, %select_n3A_411 : vector<16xf32>
      %select_n3A_425 = arith.select %gt3A_424, %get3A_420, %select_n3A_411 : vector<16xi1>, vector<16xf32>
      %select_n3A_426 = arith.select %gt3A_423, %select_n3A_414, %select_n3A_425 : vector<16xi1>, vector<16xf32>
      %select_n3A_427 = arith.select %gt3A_424, %broadcast_in_dim3A_422, %select_n3A_413 : vector<16xi1>, vector<16xi32>
      %select_n3A_428 = arith.select %gt3A_423, %select_n3A_415, %select_n3A_427 : vector<16xi1>, vector<16xi32>
      %select_n3A_429 = arith.select %gt3A_423, %get3A_420, %select_n3A_414 : vector<16xi1>, vector<16xf32>
      %select_n3A_430 = arith.select %gt3A_423, %broadcast_in_dim3A_422, %select_n3A_415 : vector<16xi1>, vector<16xi32>
      %get3A_431 = arith.constant 28 : i32
      %get3A_432 = arith.index_cast %get3A_431 : i32 to index
      %get3A_433 = arith.index_cast %mul3A_10 : i32 to index
      %get3A_434 = tpu.vector_load %arg5[%get3A_432, %get3A_433] {strides = array<i32>} : memref<64x1024xf32, #tpu.memory_space<vmem>>, vector<1x16xf32>,
      %get3A_435 = vector.shape_cast %get3A_434 : vector<1x16xf32> to vector<16xf32>
      %broadcast_in_dim3A_436 = arith.constant 28 : i32
      %broadcast_in_dim3A_437 = vector.broadcast %broadcast_in_dim3A_436 : i32 to vector<16xi32>
      %gt3A_438 = arith.cmpf ogt, %get3A_435, %select_n3A_429 : vector<16xf32>
      %gt3A_439 = arith.cmpf ogt, %get3A_435, %select_n3A_426 : vector<16xf32>
      %select_n3A_440 = arith.select %gt3A_439, %get3A_435, %select_n3A_426 : vector<16xi1>, vector<16xf32>
      %select_n3A_441 = arith.select %gt3A_438, %select_n3A_429, %select_n3A_440 : vector<16xi1>, vector<16xf32>
      %select_n3A_442 = arith.select %gt3A_439, %broadcast_in_dim3A_437, %select_n3A_428 : vector<16xi1>, vector<16xi32>
      %select_n3A_443 = arith.select %gt3A_438, %select_n3A_430, %select_n3A_442 : vector<16xi1>, vector<16xi32>
      %select_n3A_444 = arith.select %gt3A_438, %get3A_435, %select_n3A_429 : vector<16xi1>, vector<16xf32>
      %select_n3A_445 = arith.select %gt3A_438, %broadcast_in_dim3A_437, %select_n3A_430 : vector<16xi1>, vector<16xi32>
      %get3A_446 = arith.constant 29 : i32
      %get3A_447 = arith.index_cast %get3A_446 : i32 to index
      %get3A_448 = arith.index_cast %mul3A_10 : i32 to index
      %get3A_449 = tpu.vector_load %arg5[%get3A_447, %get3A_448] {strides = array<i32>} : memref<64x1024xf32, #tpu.memory_space<vmem>>, vector<1x16xf32>,
      %get3A_450 = vector.shape_cast %get3A_449 : vector<1x16xf32> to vector<16xf32>
      %broadcast_in_dim3A_451 = arith.constant 29 : i32
      %broadcast_in_dim3A_452 = vector.broadcast %broadcast_in_dim3A_451 : i32 to vector<16xi32>
      %gt3A_453 = arith.cmpf ogt, %get3A_450, %select_n3A_444 : vector<16xf32>
      %gt3A_454 = arith.cmpf ogt, %get3A_450, %select_n3A_441 : vector<16xf32>
      %select_n3A_455 = arith.select %gt3A_454, %get3A_450, %select_n3A_441 : vector<16xi1>, vector<16xf32>
      %select_n3A_456 = arith.select %gt3A_453, %select_n3A_444, %select_n3A_455 : vector<16xi1>, vector<16xf32>
      %select_n3A_457 = arith.select %gt3A_454, %broadcast_in_dim3A_452, %select_n3A_443 : vector<16xi1>, vector<16xi32>
      %select_n3A_458 = arith.select %gt3A_453, %select_n3A_445, %select_n3A_457 : vector<16xi1>, vector<16xi32>
      %select_n3A_459 = arith.select %gt3A_453, %get3A_450, %select_n3A_444 : vector<16xi1>, vector<16xf32>
      %select_n3A_460 = arith.select %gt3A_453, %broadcast_in_dim3A_452, %select_n3A_445 : vector<16xi1>, vector<16xi32>
      %get3A_461 = arith.constant 30 : i32
      %get3A_462 = arith.index_cast %get3A_461 : i32 to index
      %get3A_463 = arith.index_cast %mul3A_10 : i32 to index
      %get3A_464 = tpu.vector_load %arg5[%get3A_462, %get3A_463] {strides = array<i32>} : memref<64x1024xf32, #tpu.memory_space<vmem>>, vector<1x16xf32>,
      %get3A_465 = vector.shape_cast %get3A_464 : vector<1x16xf32> to vector<16xf32>
      %broadcast_in_dim3A_466 = arith.constant 30 : i32
      %broadcast_in_dim3A_467 = vector.broadcast %broadcast_in_dim3A_466 : i32 to vector<16xi32>
      %gt3A_468 = arith.cmpf ogt, %get3A_465, %select_n3A_459 : vector<16xf32>
      %gt3A_469 = arith.cmpf ogt, %get3A_465, %select_n3A_456 : vector<16xf32>
      %select_n3A_470 = arith.select %gt3A_469, %get3A_465, %select_n3A_456 : vector<16xi1>, vector<16xf32>
      %select_n3A_471 = arith.select %gt3A_468, %select_n3A_459, %select_n3A_470 : vector<16xi1>, vector<16xf32>
      %select_n3A_472 = arith.select %gt3A_469, %broadcast_in_dim3A_467, %select_n3A_458 : vector<16xi1>, vector<16xi32>
      %select_n3A_473 = arith.select %gt3A_468, %select_n3A_460, %select_n3A_472 : vector<16xi1>, vector<16xi32>
      %select_n3A_474 = arith.select %gt3A_468, %get3A_465, %select_n3A_459 : vector<16xi1>, vector<16xf32>
      %select_n3A_475 = arith.select %gt3A_468, %broadcast_in_dim3A_467, %select_n3A_460 : vector<16xi1>, vector<16xi32>
      %get3A_476 = arith.constant 31 : i32
      %get3A_477 = arith.index_cast %get3A_476 : i32 to index
      %get3A_478 = arith.index_cast %mul3A_10 : i32 to index
      %get3A_479 = tpu.vector_load %arg5[%get3A_477, %get3A_478] {strides = array<i32>} : memref<64x1024xf32, #tpu.memory_space<vmem>>, vector<1x16xf32>,
      %get3A_480 = vector.shape_cast %get3A_479 : vector<1x16xf32> to vector<16xf32>
      %broadcast_in_dim3A_481 = arith.constant 31 : i32
      %broadcast_in_dim3A_482 = vector.broadcast %broadcast_in_dim3A_481 : i32 to vector<16xi32>
      %gt3A_483 = arith.cmpf ogt, %get3A_480, %select_n3A_474 : vector<16xf32>
      %gt3A_484 = arith.cmpf ogt, %get3A_480, %select_n3A_471 : vector<16xf32>
      %select_n3A_485 = arith.select %gt3A_484, %get3A_480, %select_n3A_471 : vector<16xi1>, vector<16xf32>
      %select_n3A_486 = arith.select %gt3A_483, %select_n3A_474, %select_n3A_485 : vector<16xi1>, vector<16xf32>
      %select_n3A_487 = arith.select %gt3A_484, %broadcast_in_dim3A_482, %select_n3A_473 : vector<16xi1>, vector<16xi32>
      %select_n3A_488 = arith.select %gt3A_483, %select_n3A_475, %select_n3A_487 : vector<16xi1>, vector<16xi32>
      %select_n3A_489 = arith.select %gt3A_483, %get3A_480, %select_n3A_474 : vector<16xi1>, vector<16xf32>
      %select_n3A_490 = arith.select %gt3A_483, %broadcast_in_dim3A_482, %select_n3A_475 : vector<16xi1>, vector<16xi32>
      %get3A_491 = arith.constant 32 : i32
      %get3A_492 = arith.index_cast %get3A_491 : i32 to index
      %get3A_493 = arith.index_cast %mul3A_10 : i32 to index
      %get3A_494 = tpu.vector_load %arg5[%get3A_492, %get3A_493] {strides = array<i32>} : memref<64x1024xf32, #tpu.memory_space<vmem>>, vector<1x16xf32>,
      %get3A_495 = vector.shape_cast %get3A_494 : vector<1x16xf32> to vector<16xf32>
      %broadcast_in_dim3A_496 = arith.constant 32 : i32
      %broadcast_in_dim3A_497 = vector.broadcast %broadcast_in_dim3A_496 : i32 to vector<16xi32>
      %gt3A_498 = arith.cmpf ogt, %get3A_495, %select_n3A_489 : vector<16xf32>
      %gt3A_499 = arith.cmpf ogt, %get3A_495, %select_n3A_486 : vector<16xf32>
      %select_n3A_500 = arith.select %gt3A_499, %get3A_495, %select_n3A_486 : vector<16xi1>, vector<16xf32>
      %select_n3A_501 = arith.select %gt3A_498, %select_n3A_489, %select_n3A_500 : vector<16xi1>, vector<16xf32>
      %select_n3A_502 = arith.select %gt3A_499, %broadcast_in_dim3A_497, %select_n3A_488 : vector<16xi1>, vector<16xi32>
      %select_n3A_503 = arith.select %gt3A_498, %select_n3A_490, %select_n3A_502 : vector<16xi1>, vector<16xi32>
      %select_n3A_504 = arith.select %gt3A_498, %get3A_495, %select_n3A_489 : vector<16xi1>, vector<16xf32>
      %select_n3A_505 = arith.select %gt3A_498, %broadcast_in_dim3A_497, %select_n3A_490 : vector<16xi1>, vector<16xi32>
      %get3A_506 = arith.constant 33 : i32
      %get3A_507 = arith.index_cast %get3A_506 : i32 to index
      %get3A_508 = arith.index_cast %mul3A_10 : i32 to index
      %get3A_509 = tpu.vector_load %arg5[%get3A_507, %get3A_508] {strides = array<i32>} : memref<64x1024xf32, #tpu.memory_space<vmem>>, vector<1x16xf32>,
      %get3A_510 = vector.shape_cast %get3A_509 : vector<1x16xf32> to vector<16xf32>
      %broadcast_in_dim3A_511 = arith.constant 33 : i32
      %broadcast_in_dim3A_512 = vector.broadcast %broadcast_in_dim3A_511 : i32 to vector<16xi32>
      %gt3A_513 = arith.cmpf ogt, %get3A_510, %select_n3A_504 : vector<16xf32>
      %gt3A_514 = arith.cmpf ogt, %get3A_510, %select_n3A_501 : vector<16xf32>
      %select_n3A_515 = arith.select %gt3A_514, %get3A_510, %select_n3A_501 : vector<16xi1>, vector<16xf32>
      %select_n3A_516 = arith.select %gt3A_513, %select_n3A_504, %select_n3A_515 : vector<16xi1>, vector<16xf32>
      %select_n3A_517 = arith.select %gt3A_514, %broadcast_in_dim3A_512, %select_n3A_503 : vector<16xi1>, vector<16xi32>
      %select_n3A_518 = arith.select %gt3A_513, %select_n3A_505, %select_n3A_517 : vector<16xi1>, vector<16xi32>
      %select_n3A_519 = arith.select %gt3A_513, %get3A_510, %select_n3A_504 : vector<16xi1>, vector<16xf32>
      %select_n3A_520 = arith.select %gt3A_513, %broadcast_in_dim3A_512, %select_n3A_505 : vector<16xi1>, vector<16xi32>
      %get3A_521 = arith.constant 34 : i32
      %get3A_522 = arith.index_cast %get3A_521 : i32 to index
      %get3A_523 = arith.index_cast %mul3A_10 : i32 to index
      %get3A_524 = tpu.vector_load %arg5[%get3A_522, %get3A_523] {strides = array<i32>} : memref<64x1024xf32, #tpu.memory_space<vmem>>, vector<1x16xf32>,
      %get3A_525 = vector.shape_cast %get3A_524 : vector<1x16xf32> to vector<16xf32>
      %broadcast_in_dim3A_526 = arith.constant 34 : i32
      %broadcast_in_dim3A_527 = vector.broadcast %broadcast_in_dim3A_526 : i32 to vector<16xi32>
      %gt3A_528 = arith.cmpf ogt, %get3A_525, %select_n3A_519 : vector<16xf32>
      %gt3A_529 = arith.cmpf ogt, %get3A_525, %select_n3A_516 : vector<16xf32>
      %select_n3A_530 = arith.select %gt3A_529, %get3A_525, %select_n3A_516 : vector<16xi1>, vector<16xf32>
      %select_n3A_531 = arith.select %gt3A_528, %select_n3A_519, %select_n3A_530 : vector<16xi1>, vector<16xf32>
      %select_n3A_532 = arith.select %gt3A_529, %broadcast_in_dim3A_527, %select_n3A_518 : vector<16xi1>, vector<16xi32>
      %select_n3A_533 = arith.select %gt3A_528, %select_n3A_520, %select_n3A_532 : vector<16xi1>, vector<16xi32>
      %select_n3A_534 = arith.select %gt3A_528, %get3A_525, %select_n3A_519 : vector<16xi1>, vector<16xf32>
      %select_n3A_535 = arith.select %gt3A_528, %broadcast_in_dim3A_527, %select_n3A_520 : vector<16xi1>, vector<16xi32>
      %get3A_536 = arith.constant 35 : i32
      %get3A_537 = arith.index_cast %get3A_536 : i32 to index
      %get3A_538 = arith.index_cast %mul3A_10 : i32 to index
      %get3A_539 = tpu.vector_load %arg5[%get3A_537, %get3A_538] {strides = array<i32>} : memref<64x1024xf32, #tpu.memory_space<vmem>>, vector<1x16xf32>,
      %get3A_540 = vector.shape_cast %get3A_539 : vector<1x16xf32> to vector<16xf32>
      %broadcast_in_dim3A_541 = arith.constant 35 : i32
      %broadcast_in_dim3A_542 = vector.broadcast %broadcast_in_dim3A_541 : i32 to vector<16xi32>
      %gt3A_543 = arith.cmpf ogt, %get3A_540, %select_n3A_534 : vector<16xf32>
      %gt3A_544 = arith.cmpf ogt, %get3A_540, %select_n3A_531 : vector<16xf32>
      %select_n3A_545 = arith.select %gt3A_544, %get3A_540, %select_n3A_531 : vector<16xi1>, vector<16xf32>
      %select_n3A_546 = arith.select %gt3A_543, %select_n3A_534, %select_n3A_545 : vector<16xi1>, vector<16xf32>
      %select_n3A_547 = arith.select %gt3A_544, %broadcast_in_dim3A_542, %select_n3A_533 : vector<16xi1>, vector<16xi32>
      %select_n3A_548 = arith.select %gt3A_543, %select_n3A_535, %select_n3A_547 : vector<16xi1>, vector<16xi32>
      %select_n3A_549 = arith.select %gt3A_543, %get3A_540, %select_n3A_534 : vector<16xi1>, vector<16xf32>
      %select_n3A_550 = arith.select %gt3A_543, %broadcast_in_dim3A_542, %select_n3A_535 : vector<16xi1>, vector<16xi32>
      %get3A_551 = arith.constant 36 : i32
      %get3A_552 = arith.index_cast %get3A_551 : i32 to index
      %get3A_553 = arith.index_cast %mul3A_10 : i32 to index
      %get3A_554 = tpu.vector_load %arg5[%get3A_552, %get3A_553] {strides = array<i32>} : memref<64x1024xf32, #tpu.memory_space<vmem>>, vector<1x16xf32>,
      %get3A_555 = vector.shape_cast %get3A_554 : vector<1x16xf32> to vector<16xf32>
      %broadcast_in_dim3A_556 = arith.constant 36 : i32
      %broadcast_in_dim3A_557 = vector.broadcast %broadcast_in_dim3A_556 : i32 to vector<16xi32>
      %gt3A_558 = arith.cmpf ogt, %get3A_555, %select_n3A_549 : vector<16xf32>
      %gt3A_559 = arith.cmpf ogt, %get3A_555, %select_n3A_546 : vector<16xf32>
      %select_n3A_560 = arith.select %gt3A_559, %get3A_555, %select_n3A_546 : vector<16xi1>, vector<16xf32>
      %select_n3A_561 = arith.select %gt3A_558, %select_n3A_549, %select_n3A_560 : vector<16xi1>, vector<16xf32>
      %select_n3A_562 = arith.select %gt3A_559, %broadcast_in_dim3A_557, %select_n3A_548 : vector<16xi1>, vector<16xi32>
      %select_n3A_563 = arith.select %gt3A_558, %select_n3A_550, %select_n3A_562 : vector<16xi1>, vector<16xi32>
      %select_n3A_564 = arith.select %gt3A_558, %get3A_555, %select_n3A_549 : vector<16xi1>, vector<16xf32>
      %select_n3A_565 = arith.select %gt3A_558, %broadcast_in_dim3A_557, %select_n3A_550 : vector<16xi1>, vector<16xi32>
      %get3A_566 = arith.constant 37 : i32
      %get3A_567 = arith.index_cast %get3A_566 : i32 to index
      %get3A_568 = arith.index_cast %mul3A_10 : i32 to index
      %get3A_569 = tpu.vector_load %arg5[%get3A_567, %get3A_568] {strides = array<i32>} : memref<64x1024xf32, #tpu.memory_space<vmem>>, vector<1x16xf32>,
      %get3A_570 = vector.shape_cast %get3A_569 : vector<1x16xf32> to vector<16xf32>
      %broadcast_in_dim3A_571 = arith.constant 37 : i32
      %broadcast_in_dim3A_572 = vector.broadcast %broadcast_in_dim3A_571 : i32 to vector<16xi32>
      %gt3A_573 = arith.cmpf ogt, %get3A_570, %select_n3A_564 : vector<16xf32>
      %gt3A_574 = arith.cmpf ogt, %get3A_570, %select_n3A_561 : vector<16xf32>
      %select_n3A_575 = arith.select %gt3A_574, %get3A_570, %select_n3A_561 : vector<16xi1>, vector<16xf32>
      %select_n3A_576 = arith.select %gt3A_573, %select_n3A_564, %select_n3A_575 : vector<16xi1>, vector<16xf32>
      %select_n3A_577 = arith.select %gt3A_574, %broadcast_in_dim3A_572, %select_n3A_563 : vector<16xi1>, vector<16xi32>
      %select_n3A_578 = arith.select %gt3A_573, %select_n3A_565, %select_n3A_577 : vector<16xi1>, vector<16xi32>
      %select_n3A_579 = arith.select %gt3A_573, %get3A_570, %select_n3A_564 : vector<16xi1>, vector<16xf32>
      %select_n3A_580 = arith.select %gt3A_573, %broadcast_in_dim3A_572, %select_n3A_565 : vector<16xi1>, vector<16xi32>
      %get3A_581 = arith.constant 38 : i32
      %get3A_582 = arith.index_cast %get3A_581 : i32 to index
      %get3A_583 = arith.index_cast %mul3A_10 : i32 to index
      %get3A_584 = tpu.vector_load %arg5[%get3A_582, %get3A_583] {strides = array<i32>} : memref<64x1024xf32, #tpu.memory_space<vmem>>, vector<1x16xf32>,
      %get3A_585 = vector.shape_cast %get3A_584 : vector<1x16xf32> to vector<16xf32>
      %broadcast_in_dim3A_586 = arith.constant 38 : i32
      %broadcast_in_dim3A_587 = vector.broadcast %broadcast_in_dim3A_586 : i32 to vector<16xi32>
      %gt3A_588 = arith.cmpf ogt, %get3A_585, %select_n3A_579 : vector<16xf32>
      %gt3A_589 = arith.cmpf ogt, %get3A_585, %select_n3A_576 : vector<16xf32>
      %select_n3A_590 = arith.select %gt3A_589, %get3A_585, %select_n3A_576 : vector<16xi1>, vector<16xf32>
      %select_n3A_591 = arith.select %gt3A_588, %select_n3A_579, %select_n3A_590 : vector<16xi1>, vector<16xf32>
      %select_n3A_592 = arith.select %gt3A_589, %broadcast_in_dim3A_587, %select_n3A_578 : vector<16xi1>, vector<16xi32>
      %select_n3A_593 = arith.select %gt3A_588, %select_n3A_580, %select_n3A_592 : vector<16xi1>, vector<16xi32>
      %select_n3A_594 = arith.select %gt3A_588, %get3A_585, %select_n3A_579 : vector<16xi1>, vector<16xf32>
      %select_n3A_595 = arith.select %gt3A_588, %broadcast_in_dim3A_587, %select_n3A_580 : vector<16xi1>, vector<16xi32>
      %get3A_596 = arith.constant 39 : i32
      %get3A_597 = arith.index_cast %get3A_596 : i32 to index
      %get3A_598 = arith.index_cast %mul3A_10 : i32 to index
      %get3A_599 = tpu.vector_load %arg5[%get3A_597, %get3A_598] {strides = array<i32>} : memref<64x1024xf32, #tpu.memory_space<vmem>>, vector<1x16xf32>,
      %get3A_600 = vector.shape_cast %get3A_599 : vector<1x16xf32> to vector<16xf32>
      %broadcast_in_dim3A_601 = arith.constant 39 : i32
      %broadcast_in_dim3A_602 = vector.broadcast %broadcast_in_dim3A_601 : i32 to vector<16xi32>
      %gt3A_603 = arith.cmpf ogt, %get3A_600, %select_n3A_594 : vector<16xf32>
      %gt3A_604 = arith.cmpf ogt, %get3A_600, %select_n3A_591 : vector<16xf32>
      %select_n3A_605 = arith.select %gt3A_604, %get3A_600, %select_n3A_591 : vector<16xi1>, vector<16xf32>
      %select_n3A_606 = arith.select %gt3A_603, %select_n3A_594, %select_n3A_605 : vector<16xi1>, vector<16xf32>
      %select_n3A_607 = arith.select %gt3A_604, %broadcast_in_dim3A_602, %select_n3A_593 : vector<16xi1>, vector<16xi32>
      %select_n3A_608 = arith.select %gt3A_603, %select_n3A_595, %select_n3A_607 : vector<16xi1>, vector<16xi32>
      %select_n3A_609 = arith.select %gt3A_603, %get3A_600, %select_n3A_594 : vector<16xi1>, vector<16xf32>
      %select_n3A_610 = arith.select %gt3A_603, %broadcast_in_dim3A_602, %select_n3A_595 : vector<16xi1>, vector<16xi32>
      %get3A_611 = arith.constant 40 : i32
      %get3A_612 = arith.index_cast %get3A_611 : i32 to index
      %get3A_613 = arith.index_cast %mul3A_10 : i32 to index
      %get3A_614 = tpu.vector_load %arg5[%get3A_612, %get3A_613] {strides = array<i32>} : memref<64x1024xf32, #tpu.memory_space<vmem>>, vector<1x16xf32>,
      %get3A_615 = vector.shape_cast %get3A_614 : vector<1x16xf32> to vector<16xf32>
      %broadcast_in_dim3A_616 = arith.constant 40 : i32
      %broadcast_in_dim3A_617 = vector.broadcast %broadcast_in_dim3A_616 : i32 to vector<16xi32>
      %gt3A_618 = arith.cmpf ogt, %get3A_615, %select_n3A_609 : vector<16xf32>
      %gt3A_619 = arith.cmpf ogt, %get3A_615, %select_n3A_606 : vector<16xf32>
      %select_n3A_620 = arith.select %gt3A_619, %get3A_615, %select_n3A_606 : vector<16xi1>, vector<16xf32>
      %select_n3A_621 = arith.select %gt3A_618, %select_n3A_609, %select_n3A_620 : vector<16xi1>, vector<16xf32>
      %select_n3A_622 = arith.select %gt3A_619, %broadcast_in_dim3A_617, %select_n3A_608 : vector<16xi1>, vector<16xi32>
      %select_n3A_623 = arith.select %gt3A_618, %select_n3A_610, %select_n3A_622 : vector<16xi1>, vector<16xi32>
      %select_n3A_624 = arith.select %gt3A_618, %get3A_615, %select_n3A_609 : vector<16xi1>, vector<16xf32>
      %select_n3A_625 = arith.select %gt3A_618, %broadcast_in_dim3A_617, %select_n3A_610 : vector<16xi1>, vector<16xi32>
      %get3A_626 = arith.constant 41 : i32
      %get3A_627 = arith.index_cast %get3A_626 : i32 to index
      %get3A_628 = arith.index_cast %mul3A_10 : i32 to index
      %get3A_629 = tpu.vector_load %arg5[%get3A_627, %get3A_628] {strides = array<i32>} : memref<64x1024xf32, #tpu.memory_space<vmem>>, vector<1x16xf32>,
      %get3A_630 = vector.shape_cast %get3A_629 : vector<1x16xf32> to vector<16xf32>
      %broadcast_in_dim3A_631 = arith.constant 41 : i32
      %broadcast_in_dim3A_632 = vector.broadcast %broadcast_in_dim3A_631 : i32 to vector<16xi32>
      %gt3A_633 = arith.cmpf ogt, %get3A_630, %select_n3A_624 : vector<16xf32>
      %gt3A_634 = arith.cmpf ogt, %get3A_630, %select_n3A_621 : vector<16xf32>
      %select_n3A_635 = arith.select %gt3A_634, %get3A_630, %select_n3A_621 : vector<16xi1>, vector<16xf32>
      %select_n3A_636 = arith.select %gt3A_633, %select_n3A_624, %select_n3A_635 : vector<16xi1>, vector<16xf32>
      %select_n3A_637 = arith.select %gt3A_634, %broadcast_in_dim3A_632, %select_n3A_623 : vector<16xi1>, vector<16xi32>
      %select_n3A_638 = arith.select %gt3A_633, %select_n3A_625, %select_n3A_637 : vector<16xi1>, vector<16xi32>
      %select_n3A_639 = arith.select %gt3A_633, %get3A_630, %select_n3A_624 : vector<16xi1>, vector<16xf32>
      %select_n3A_640 = arith.select %gt3A_633, %broadcast_in_dim3A_632, %select_n3A_625 : vector<16xi1>, vector<16xi32>
      %get3A_641 = arith.constant 42 : i32
      %get3A_642 = arith.index_cast %get3A_641 : i32 to index
      %get3A_643 = arith.index_cast %mul3A_10 : i32 to index
      %get3A_644 = tpu.vector_load %arg5[%get3A_642, %get3A_643] {strides = array<i32>} : memref<64x1024xf32, #tpu.memory_space<vmem>>, vector<1x16xf32>,
      %get3A_645 = vector.shape_cast %get3A_644 : vector<1x16xf32> to vector<16xf32>
      %broadcast_in_dim3A_646 = arith.constant 42 : i32
      %broadcast_in_dim3A_647 = vector.broadcast %broadcast_in_dim3A_646 : i32 to vector<16xi32>
      %gt3A_648 = arith.cmpf ogt, %get3A_645, %select_n3A_639 : vector<16xf32>
      %gt3A_649 = arith.cmpf ogt, %get3A_645, %select_n3A_636 : vector<16xf32>
      %select_n3A_650 = arith.select %gt3A_649, %get3A_645, %select_n3A_636 : vector<16xi1>, vector<16xf32>
      %select_n3A_651 = arith.select %gt3A_648, %select_n3A_639, %select_n3A_650 : vector<16xi1>, vector<16xf32>
      %select_n3A_652 = arith.select %gt3A_649, %broadcast_in_dim3A_647, %select_n3A_638 : vector<16xi1>, vector<16xi32>
      %select_n3A_653 = arith.select %gt3A_648, %select_n3A_640, %select_n3A_652 : vector<16xi1>, vector<16xi32>
      %select_n3A_654 = arith.select %gt3A_648, %get3A_645, %select_n3A_639 : vector<16xi1>, vector<16xf32>
      %select_n3A_655 = arith.select %gt3A_648, %broadcast_in_dim3A_647, %select_n3A_640 : vector<16xi1>, vector<16xi32>
      %get3A_656 = arith.constant 43 : i32
      %get3A_657 = arith.index_cast %get3A_656 : i32 to index
      %get3A_658 = arith.index_cast %mul3A_10 : i32 to index
      %get3A_659 = tpu.vector_load %arg5[%get3A_657, %get3A_658] {strides = array<i32>} : memref<64x1024xf32, #tpu.memory_space<vmem>>, vector<1x16xf32>,
      %get3A_660 = vector.shape_cast %get3A_659 : vector<1x16xf32> to vector<16xf32>
      %broadcast_in_dim3A_661 = arith.constant 43 : i32
      %broadcast_in_dim3A_662 = vector.broadcast %broadcast_in_dim3A_661 : i32 to vector<16xi32>
      %gt3A_663 = arith.cmpf ogt, %get3A_660, %select_n3A_654 : vector<16xf32>
      %gt3A_664 = arith.cmpf ogt, %get3A_660, %select_n3A_651 : vector<16xf32>
      %select_n3A_665 = arith.select %gt3A_664, %get3A_660, %select_n3A_651 : vector<16xi1>, vector<16xf32>
      %select_n3A_666 = arith.select %gt3A_663, %select_n3A_654, %select_n3A_665 : vector<16xi1>, vector<16xf32>
      %select_n3A_667 = arith.select %gt3A_664, %broadcast_in_dim3A_662, %select_n3A_653 : vector<16xi1>, vector<16xi32>
      %select_n3A_668 = arith.select %gt3A_663, %select_n3A_655, %select_n3A_667 : vector<16xi1>, vector<16xi32>
      %select_n3A_669 = arith.select %gt3A_663, %get3A_660, %select_n3A_654 : vector<16xi1>, vector<16xf32>
      %select_n3A_670 = arith.select %gt3A_663, %broadcast_in_dim3A_662, %select_n3A_655 : vector<16xi1>, vector<16xi32>
      %get3A_671 = arith.constant 44 : i32
      %get3A_672 = arith.index_cast %get3A_671 : i32 to index
      %get3A_673 = arith.index_cast %mul3A_10 : i32 to index
      %get3A_674 = tpu.vector_load %arg5[%get3A_672, %get3A_673] {strides = array<i32>} : memref<64x1024xf32, #tpu.memory_space<vmem>>, vector<1x16xf32>,
      %get3A_675 = vector.shape_cast %get3A_674 : vector<1x16xf32> to vector<16xf32>
      %broadcast_in_dim3A_676 = arith.constant 44 : i32
      %broadcast_in_dim3A_677 = vector.broadcast %broadcast_in_dim3A_676 : i32 to vector<16xi32>
      %gt3A_678 = arith.cmpf ogt, %get3A_675, %select_n3A_669 : vector<16xf32>
      %gt3A_679 = arith.cmpf ogt, %get3A_675, %select_n3A_666 : vector<16xf32>
      %select_n3A_680 = arith.select %gt3A_679, %get3A_675, %select_n3A_666 : vector<16xi1>, vector<16xf32>
      %select_n3A_681 = arith.select %gt3A_678, %select_n3A_669, %select_n3A_680 : vector<16xi1>, vector<16xf32>
      %select_n3A_682 = arith.select %gt3A_679, %broadcast_in_dim3A_677, %select_n3A_668 : vector<16xi1>, vector<16xi32>
      %select_n3A_683 = arith.select %gt3A_678, %select_n3A_670, %select_n3A_682 : vector<16xi1>, vector<16xi32>
      %select_n3A_684 = arith.select %gt3A_678, %get3A_675, %select_n3A_669 : vector<16xi1>, vector<16xf32>
      %select_n3A_685 = arith.select %gt3A_678, %broadcast_in_dim3A_677, %select_n3A_670 : vector<16xi1>, vector<16xi32>
      %get3A_686 = arith.constant 45 : i32
      %get3A_687 = arith.index_cast %get3A_686 : i32 to index
      %get3A_688 = arith.index_cast %mul3A_10 : i32 to index
      %get3A_689 = tpu.vector_load %arg5[%get3A_687, %get3A_688] {strides = array<i32>} : memref<64x1024xf32, #tpu.memory_space<vmem>>, vector<1x16xf32>,
      %get3A_690 = vector.shape_cast %get3A_689 : vector<1x16xf32> to vector<16xf32>
      %broadcast_in_dim3A_691 = arith.constant 45 : i32
      %broadcast_in_dim3A_692 = vector.broadcast %broadcast_in_dim3A_691 : i32 to vector<16xi32>
      %gt3A_693 = arith.cmpf ogt, %get3A_690, %select_n3A_684 : vector<16xf32>
      %gt3A_694 = arith.cmpf ogt, %get3A_690, %select_n3A_681 : vector<16xf32>
      %select_n3A_695 = arith.select %gt3A_694, %get3A_690, %select_n3A_681 : vector<16xi1>, vector<16xf32>
      %select_n3A_696 = arith.select %gt3A_693, %select_n3A_684, %select_n3A_695 : vector<16xi1>, vector<16xf32>
      %select_n3A_697 = arith.select %gt3A_694, %broadcast_in_dim3A_692, %select_n3A_683 : vector<16xi1>, vector<16xi32>
      %select_n3A_698 = arith.select %gt3A_693, %select_n3A_685, %select_n3A_697 : vector<16xi1>, vector<16xi32>
      %select_n3A_699 = arith.select %gt3A_693, %get3A_690, %select_n3A_684 : vector<16xi1>, vector<16xf32>
      %select_n3A_700 = arith.select %gt3A_693, %broadcast_in_dim3A_692, %select_n3A_685 : vector<16xi1>, vector<16xi32>
      %get3A_701 = arith.constant 46 : i32
      %get3A_702 = arith.index_cast %get3A_701 : i32 to index
      %get3A_703 = arith.index_cast %mul3A_10 : i32 to index
      %get3A_704 = tpu.vector_load %arg5[%get3A_702, %get3A_703] {strides = array<i32>} : memref<64x1024xf32, #tpu.memory_space<vmem>>, vector<1x16xf32>,
      %get3A_705 = vector.shape_cast %get3A_704 : vector<1x16xf32> to vector<16xf32>
      %broadcast_in_dim3A_706 = arith.constant 46 : i32
      %broadcast_in_dim3A_707 = vector.broadcast %broadcast_in_dim3A_706 : i32 to vector<16xi32>
      %gt3A_708 = arith.cmpf ogt, %get3A_705, %select_n3A_699 : vector<16xf32>
      %gt3A_709 = arith.cmpf ogt, %get3A_705, %select_n3A_696 : vector<16xf32>
      %select_n3A_710 = arith.select %gt3A_709, %get3A_705, %select_n3A_696 : vector<16xi1>, vector<16xf32>
      %select_n3A_711 = arith.select %gt3A_708, %select_n3A_699, %select_n3A_710 : vector<16xi1>, vector<16xf32>
      %select_n3A_712 = arith.select %gt3A_709, %broadcast_in_dim3A_707, %select_n3A_698 : vector<16xi1>, vector<16xi32>
      %select_n3A_713 = arith.select %gt3A_708, %select_n3A_700, %select_n3A_712 : vector<16xi1>, vector<16xi32>
      %select_n3A_714 = arith.select %gt3A_708, %get3A_705, %select_n3A_699 : vector<16xi1>, vector<16xf32>
      %select_n3A_715 = arith.select %gt3A_708, %broadcast_in_dim3A_707, %select_n3A_700 : vector<16xi1>, vector<16xi32>
      %get3A_716 = arith.constant 47 : i32
      %get3A_717 = arith.index_cast %get3A_716 : i32 to index
      %get3A_718 = arith.index_cast %mul3A_10 : i32 to index
      %get3A_719 = tpu.vector_load %arg5[%get3A_717, %get3A_718] {strides = array<i32>} : memref<64x1024xf32, #tpu.memory_space<vmem>>, vector<1x16xf32>,
      %get3A_720 = vector.shape_cast %get3A_719 : vector<1x16xf32> to vector<16xf32>
      %broadcast_in_dim3A_721 = arith.constant 47 : i32
      %broadcast_in_dim3A_722 = vector.broadcast %broadcast_in_dim3A_721 : i32 to vector<16xi32>
      %gt3A_723 = arith.cmpf ogt, %get3A_720, %select_n3A_714 : vector<16xf32>
      %gt3A_724 = arith.cmpf ogt, %get3A_720, %select_n3A_711 : vector<16xf32>
      %select_n3A_725 = arith.select %gt3A_724, %get3A_720, %select_n3A_711 : vector<16xi1>, vector<16xf32>
      %select_n3A_726 = arith.select %gt3A_723, %select_n3A_714, %select_n3A_725 : vector<16xi1>, vector<16xf32>
      %select_n3A_727 = arith.select %gt3A_724, %broadcast_in_dim3A_722, %select_n3A_713 : vector<16xi1>, vector<16xi32>
      %select_n3A_728 = arith.select %gt3A_723, %select_n3A_715, %select_n3A_727 : vector<16xi1>, vector<16xi32>
      %select_n3A_729 = arith.select %gt3A_723, %get3A_720, %select_n3A_714 : vector<16xi1>, vector<16xf32>
      %select_n3A_730 = arith.select %gt3A_723, %broadcast_in_dim3A_722, %select_n3A_715 : vector<16xi1>, vector<16xi32>
      %get3A_731 = arith.constant 48 : i32
      %get3A_732 = arith.index_cast %get3A_731 : i32 to index
      %get3A_733 = arith.index_cast %mul3A_10 : i32 to index
      %get3A_734 = tpu.vector_load %arg5[%get3A_732, %get3A_733] {strides = array<i32>} : memref<64x1024xf32, #tpu.memory_space<vmem>>, vector<1x16xf32>,
      %get3A_735 = vector.shape_cast %get3A_734 : vector<1x16xf32> to vector<16xf32>
      %broadcast_in_dim3A_736 = arith.constant 48 : i32
      %broadcast_in_dim3A_737 = vector.broadcast %broadcast_in_dim3A_736 : i32 to vector<16xi32>
      %gt3A_738 = arith.cmpf ogt, %get3A_735, %select_n3A_729 : vector<16xf32>
      %gt3A_739 = arith.cmpf ogt, %get3A_735, %select_n3A_726 : vector<16xf32>
      %select_n3A_740 = arith.select %gt3A_739, %get3A_735, %select_n3A_726 : vector<16xi1>, vector<16xf32>
      %select_n3A_741 = arith.select %gt3A_738, %select_n3A_729, %select_n3A_740 : vector<16xi1>, vector<16xf32>
      %select_n3A_742 = arith.select %gt3A_739, %broadcast_in_dim3A_737, %select_n3A_728 : vector<16xi1>, vector<16xi32>
      %select_n3A_743 = arith.select %gt3A_738, %select_n3A_730, %select_n3A_742 : vector<16xi1>, vector<16xi32>
      %select_n3A_744 = arith.select %gt3A_738, %get3A_735, %select_n3A_729 : vector<16xi1>, vector<16xf32>
      %select_n3A_745 = arith.select %gt3A_738, %broadcast_in_dim3A_737, %select_n3A_730 : vector<16xi1>, vector<16xi32>
      %get3A_746 = arith.constant 49 : i32
      %get3A_747 = arith.index_cast %get3A_746 : i32 to index
      %get3A_748 = arith.index_cast %mul3A_10 : i32 to index
      %get3A_749 = tpu.vector_load %arg5[%get3A_747, %get3A_748] {strides = array<i32>} : memref<64x1024xf32, #tpu.memory_space<vmem>>, vector<1x16xf32>,
      %get3A_750 = vector.shape_cast %get3A_749 : vector<1x16xf32> to vector<16xf32>
      %broadcast_in_dim3A_751 = arith.constant 49 : i32
      %broadcast_in_dim3A_752 = vector.broadcast %broadcast_in_dim3A_751 : i32 to vector<16xi32>
      %gt3A_753 = arith.cmpf ogt, %get3A_750, %select_n3A_744 : vector<16xf32>
      %gt3A_754 = arith.cmpf ogt, %get3A_750, %select_n3A_741 : vector<16xf32>
      %select_n3A_755 = arith.select %gt3A_754, %get3A_750, %select_n3A_741 : vector<16xi1>, vector<16xf32>
      %select_n3A_756 = arith.select %gt3A_753, %select_n3A_744, %select_n3A_755 : vector<16xi1>, vector<16xf32>
      %select_n3A_757 = arith.select %gt3A_754, %broadcast_in_dim3A_752, %select_n3A_743 : vector<16xi1>, vector<16xi32>
      %select_n3A_758 = arith.select %gt3A_753, %select_n3A_745, %select_n3A_757 : vector<16xi1>, vector<16xi32>
      %select_n3A_759 = arith.select %gt3A_753, %get3A_750, %select_n3A_744 : vector<16xi1>, vector<16xf32>
      %select_n3A_760 = arith.select %gt3A_753, %broadcast_in_dim3A_752, %select_n3A_745 : vector<16xi1>, vector<16xi32>
      %get3A_761 = arith.constant 50 : i32
      %get3A_762 = arith.index_cast %get3A_761 : i32 to index
      %get3A_763 = arith.index_cast %mul3A_10 : i32 to index
      %get3A_764 = tpu.vector_load %arg5[%get3A_762, %get3A_763] {strides = array<i32>} : memref<64x1024xf32, #tpu.memory_space<vmem>>, vector<1x16xf32>,
      %get3A_765 = vector.shape_cast %get3A_764 : vector<1x16xf32> to vector<16xf32>
      %broadcast_in_dim3A_766 = arith.constant 50 : i32
      %broadcast_in_dim3A_767 = vector.broadcast %broadcast_in_dim3A_766 : i32 to vector<16xi32>
      %gt3A_768 = arith.cmpf ogt, %get3A_765, %select_n3A_759 : vector<16xf32>
      %gt3A_769 = arith.cmpf ogt, %get3A_765, %select_n3A_756 : vector<16xf32>
      %select_n3A_770 = arith.select %gt3A_769, %get3A_765, %select_n3A_756 : vector<16xi1>, vector<16xf32>
      %select_n3A_771 = arith.select %gt3A_768, %select_n3A_759, %select_n3A_770 : vector<16xi1>, vector<16xf32>
      %select_n3A_772 = arith.select %gt3A_769, %broadcast_in_dim3A_767, %select_n3A_758 : vector<16xi1>, vector<16xi32>
      %select_n3A_773 = arith.select %gt3A_768, %select_n3A_760, %select_n3A_772 : vector<16xi1>, vector<16xi32>
      %select_n3A_774 = arith.select %gt3A_768, %get3A_765, %select_n3A_759 : vector<16xi1>, vector<16xf32>
      %select_n3A_775 = arith.select %gt3A_768, %broadcast_in_dim3A_767, %select_n3A_760 : vector<16xi1>, vector<16xi32>
      %get3A_776 = arith.constant 51 : i32
      %get3A_777 = arith.index_cast %get3A_776 : i32 to index
      %get3A_778 = arith.index_cast %mul3A_10 : i32 to index
      %get3A_779 = tpu.vector_load %arg5[%get3A_777, %get3A_778] {strides = array<i32>} : memref<64x1024xf32, #tpu.memory_space<vmem>>, vector<1x16xf32>,
      %get3A_780 = vector.shape_cast %get3A_779 : vector<1x16xf32> to vector<16xf32>
      %broadcast_in_dim3A_781 = arith.constant 51 : i32
      %broadcast_in_dim3A_782 = vector.broadcast %broadcast_in_dim3A_781 : i32 to vector<16xi32>
      %gt3A_783 = arith.cmpf ogt, %get3A_780, %select_n3A_774 : vector<16xf32>
      %gt3A_784 = arith.cmpf ogt, %get3A_780, %select_n3A_771 : vector<16xf32>
      %select_n3A_785 = arith.select %gt3A_784, %get3A_780, %select_n3A_771 : vector<16xi1>, vector<16xf32>
      %select_n3A_786 = arith.select %gt3A_783, %select_n3A_774, %select_n3A_785 : vector<16xi1>, vector<16xf32>
      %select_n3A_787 = arith.select %gt3A_784, %broadcast_in_dim3A_782, %select_n3A_773 : vector<16xi1>, vector<16xi32>
      %select_n3A_788 = arith.select %gt3A_783, %select_n3A_775, %select_n3A_787 : vector<16xi1>, vector<16xi32>
      %select_n3A_789 = arith.select %gt3A_783, %get3A_780, %select_n3A_774 : vector<16xi1>, vector<16xf32>
      %select_n3A_790 = arith.select %gt3A_783, %broadcast_in_dim3A_782, %select_n3A_775 : vector<16xi1>, vector<16xi32>
      %get3A_791 = arith.constant 52 : i32
      %get3A_792 = arith.index_cast %get3A_791 : i32 to index
      %get3A_793 = arith.index_cast %mul3A_10 : i32 to index
      %get3A_794 = tpu.vector_load %arg5[%get3A_792, %get3A_793] {strides = array<i32>} : memref<64x1024xf32, #tpu.memory_space<vmem>>, vector<1x16xf32>,
      %get3A_795 = vector.shape_cast %get3A_794 : vector<1x16xf32> to vector<16xf32>
      %broadcast_in_dim3A_796 = arith.constant 52 : i32
      %broadcast_in_dim3A_797 = vector.broadcast %broadcast_in_dim3A_796 : i32 to vector<16xi32>
      %gt3A_798 = arith.cmpf ogt, %get3A_795, %select_n3A_789 : vector<16xf32>
      %gt3A_799 = arith.cmpf ogt, %get3A_795, %select_n3A_786 : vector<16xf32>
      %select_n3A_800 = arith.select %gt3A_799, %get3A_795, %select_n3A_786 : vector<16xi1>, vector<16xf32>
      %select_n3A_801 = arith.select %gt3A_798, %select_n3A_789, %select_n3A_800 : vector<16xi1>, vector<16xf32>
      %select_n3A_802 = arith.select %gt3A_799, %broadcast_in_dim3A_797, %select_n3A_788 : vector<16xi1>, vector<16xi32>
      %select_n3A_803 = arith.select %gt3A_798, %select_n3A_790, %select_n3A_802 : vector<16xi1>, vector<16xi32>
      %select_n3A_804 = arith.select %gt3A_798, %get3A_795, %select_n3A_789 : vector<16xi1>, vector<16xf32>
      %select_n3A_805 = arith.select %gt3A_798, %broadcast_in_dim3A_797, %select_n3A_790 : vector<16xi1>, vector<16xi32>
      %get3A_806 = arith.constant 53 : i32
      %get3A_807 = arith.index_cast %get3A_806 : i32 to index
      %get3A_808 = arith.index_cast %mul3A_10 : i32 to index
      %get3A_809 = tpu.vector_load %arg5[%get3A_807, %get3A_808] {strides = array<i32>} : memref<64x1024xf32, #tpu.memory_space<vmem>>, vector<1x16xf32>,
      %get3A_810 = vector.shape_cast %get3A_809 : vector<1x16xf32> to vector<16xf32>
      %broadcast_in_dim3A_811 = arith.constant 53 : i32
      %broadcast_in_dim3A_812 = vector.broadcast %broadcast_in_dim3A_811 : i32 to vector<16xi32>
      %gt3A_813 = arith.cmpf ogt, %get3A_810, %select_n3A_804 : vector<16xf32>
      %gt3A_814 = arith.cmpf ogt, %get3A_810, %select_n3A_801 : vector<16xf32>
      %select_n3A_815 = arith.select %gt3A_814, %get3A_810, %select_n3A_801 : vector<16xi1>, vector<16xf32>
      %select_n3A_816 = arith.select %gt3A_813, %select_n3A_804, %select_n3A_815 : vector<16xi1>, vector<16xf32>
      %select_n3A_817 = arith.select %gt3A_814, %broadcast_in_dim3A_812, %select_n3A_803 : vector<16xi1>, vector<16xi32>
      %select_n3A_818 = arith.select %gt3A_813, %select_n3A_805, %select_n3A_817 : vector<16xi1>, vector<16xi32>
      %select_n3A_819 = arith.select %gt3A_813, %get3A_810, %select_n3A_804 : vector<16xi1>, vector<16xf32>
      %select_n3A_820 = arith.select %gt3A_813, %broadcast_in_dim3A_812, %select_n3A_805 : vector<16xi1>, vector<16xi32>
      %get3A_821 = arith.constant 54 : i32
      %get3A_822 = arith.index_cast %get3A_821 : i32 to index
      %get3A_823 = arith.index_cast %mul3A_10 : i32 to index
      %get3A_824 = tpu.vector_load %arg5[%get3A_822, %get3A_823] {strides = array<i32>} : memref<64x1024xf32, #tpu.memory_space<vmem>>, vector<1x16xf32>,
      %get3A_825 = vector.shape_cast %get3A_824 : vector<1x16xf32> to vector<16xf32>
      %broadcast_in_dim3A_826 = arith.constant 54 : i32
      %broadcast_in_dim3A_827 = vector.broadcast %broadcast_in_dim3A_826 : i32 to vector<16xi32>
      %gt3A_828 = arith.cmpf ogt, %get3A_825, %select_n3A_819 : vector<16xf32>
      %gt3A_829 = arith.cmpf ogt, %get3A_825, %select_n3A_816 : vector<16xf32>
      %select_n3A_830 = arith.select %gt3A_829, %get3A_825, %select_n3A_816 : vector<16xi1>, vector<16xf32>
      %select_n3A_831 = arith.select %gt3A_828, %select_n3A_819, %select_n3A_830 : vector<16xi1>, vector<16xf32>
      %select_n3A_832 = arith.select %gt3A_829, %broadcast_in_dim3A_827, %select_n3A_818 : vector<16xi1>, vector<16xi32>
      %select_n3A_833 = arith.select %gt3A_828, %select_n3A_820, %select_n3A_832 : vector<16xi1>, vector<16xi32>
      %select_n3A_834 = arith.select %gt3A_828, %get3A_825, %select_n3A_819 : vector<16xi1>, vector<16xf32>
      %select_n3A_835 = arith.select %gt3A_828, %broadcast_in_dim3A_827, %select_n3A_820 : vector<16xi1>, vector<16xi32>
      %get3A_836 = arith.constant 55 : i32
      %get3A_837 = arith.index_cast %get3A_836 : i32 to index
      %get3A_838 = arith.index_cast %mul3A_10 : i32 to index
      %get3A_839 = tpu.vector_load %arg5[%get3A_837, %get3A_838] {strides = array<i32>} : memref<64x1024xf32, #tpu.memory_space<vmem>>, vector<1x16xf32>,
      %get3A_840 = vector.shape_cast %get3A_839 : vector<1x16xf32> to vector<16xf32>
      %broadcast_in_dim3A_841 = arith.constant 55 : i32
      %broadcast_in_dim3A_842 = vector.broadcast %broadcast_in_dim3A_841 : i32 to vector<16xi32>
      %gt3A_843 = arith.cmpf ogt, %get3A_840, %select_n3A_834 : vector<16xf32>
      %gt3A_844 = arith.cmpf ogt, %get3A_840, %select_n3A_831 : vector<16xf32>
      %select_n3A_845 = arith.select %gt3A_844, %get3A_840, %select_n3A_831 : vector<16xi1>, vector<16xf32>
      %select_n3A_846 = arith.select %gt3A_843, %select_n3A_834, %select_n3A_845 : vector<16xi1>, vector<16xf32>
      %select_n3A_847 = arith.select %gt3A_844, %broadcast_in_dim3A_842, %select_n3A_833 : vector<16xi1>, vector<16xi32>
      %select_n3A_848 = arith.select %gt3A_843, %select_n3A_835, %select_n3A_847 : vector<16xi1>, vector<16xi32>
      %select_n3A_849 = arith.select %gt3A_843, %get3A_840, %select_n3A_834 : vector<16xi1>, vector<16xf32>
      %select_n3A_850 = arith.select %gt3A_843, %broadcast_in_dim3A_842, %select_n3A_835 : vector<16xi1>, vector<16xi32>
      %get3A_851 = arith.constant 56 : i32
      %get3A_852 = arith.index_cast %get3A_851 : i32 to index
      %get3A_853 = arith.index_cast %mul3A_10 : i32 to index
      %get3A_854 = tpu.vector_load %arg5[%get3A_852, %get3A_853] {strides = array<i32>} : memref<64x1024xf32, #tpu.memory_space<vmem>>, vector<1x16xf32>,
      %get3A_855 = vector.shape_cast %get3A_854 : vector<1x16xf32> to vector<16xf32>
      %broadcast_in_dim3A_856 = arith.constant 56 : i32
      %broadcast_in_dim3A_857 = vector.broadcast %broadcast_in_dim3A_856 : i32 to vector<16xi32>
      %gt3A_858 = arith.cmpf ogt, %get3A_855, %select_n3A_849 : vector<16xf32>
      %gt3A_859 = arith.cmpf ogt, %get3A_855, %select_n3A_846 : vector<16xf32>
      %select_n3A_860 = arith.select %gt3A_859, %get3A_855, %select_n3A_846 : vector<16xi1>, vector<16xf32>
      %select_n3A_861 = arith.select %gt3A_858, %select_n3A_849, %select_n3A_860 : vector<16xi1>, vector<16xf32>
      %select_n3A_862 = arith.select %gt3A_859, %broadcast_in_dim3A_857, %select_n3A_848 : vector<16xi1>, vector<16xi32>
      %select_n3A_863 = arith.select %gt3A_858, %select_n3A_850, %select_n3A_862 : vector<16xi1>, vector<16xi32>
      %select_n3A_864 = arith.select %gt3A_858, %get3A_855, %select_n3A_849 : vector<16xi1>, vector<16xf32>
      %select_n3A_865 = arith.select %gt3A_858, %broadcast_in_dim3A_857, %select_n3A_850 : vector<16xi1>, vector<16xi32>
      %get3A_866 = arith.constant 57 : i32
      %get3A_867 = arith.index_cast %get3A_866 : i32 to index
      %get3A_868 = arith.index_cast %mul3A_10 : i32 to index
      %get3A_869 = tpu.vector_load %arg5[%get3A_867, %get3A_868] {strides = array<i32>} : memref<64x1024xf32, #tpu.memory_space<vmem>>, vector<1x16xf32>,
      %get3A_870 = vector.shape_cast %get3A_869 : vector<1x16xf32> to vector<16xf32>
      %broadcast_in_dim3A_871 = arith.constant 57 : i32
      %broadcast_in_dim3A_872 = vector.broadcast %broadcast_in_dim3A_871 : i32 to vector<16xi32>
      %gt3A_873 = arith.cmpf ogt, %get3A_870, %select_n3A_864 : vector<16xf32>
      %gt3A_874 = arith.cmpf ogt, %get3A_870, %select_n3A_861 : vector<16xf32>
      %select_n3A_875 = arith.select %gt3A_874, %get3A_870, %select_n3A_861 : vector<16xi1>, vector<16xf32>
      %select_n3A_876 = arith.select %gt3A_873, %select_n3A_864, %select_n3A_875 : vector<16xi1>, vector<16xf32>
      %select_n3A_877 = arith.select %gt3A_874, %broadcast_in_dim3A_872, %select_n3A_863 : vector<16xi1>, vector<16xi32>
      %select_n3A_878 = arith.select %gt3A_873, %select_n3A_865, %select_n3A_877 : vector<16xi1>, vector<16xi32>
      %select_n3A_879 = arith.select %gt3A_873, %get3A_870, %select_n3A_864 : vector<16xi1>, vector<16xf32>
      %select_n3A_880 = arith.select %gt3A_873, %broadcast_in_dim3A_872, %select_n3A_865 : vector<16xi1>, vector<16xi32>
      %get3A_881 = arith.constant 58 : i32
      %get3A_882 = arith.index_cast %get3A_881 : i32 to index
      %get3A_883 = arith.index_cast %mul3A_10 : i32 to index
      %get3A_884 = tpu.vector_load %arg5[%get3A_882, %get3A_883] {strides = array<i32>} : memref<64x1024xf32, #tpu.memory_space<vmem>>, vector<1x16xf32>,
      %get3A_885 = vector.shape_cast %get3A_884 : vector<1x16xf32> to vector<16xf32>
      %broadcast_in_dim3A_886 = arith.constant 58 : i32
      %broadcast_in_dim3A_887 = vector.broadcast %broadcast_in_dim3A_886 : i32 to vector<16xi32>
      %gt3A_888 = arith.cmpf ogt, %get3A_885, %select_n3A_879 : vector<16xf32>
      %gt3A_889 = arith.cmpf ogt, %get3A_885, %select_n3A_876 : vector<16xf32>
      %select_n3A_890 = arith.select %gt3A_889, %get3A_885, %select_n3A_876 : vector<16xi1>, vector<16xf32>
      %select_n3A_891 = arith.select %gt3A_888, %select_n3A_879, %select_n3A_890 : vector<16xi1>, vector<16xf32>
      %select_n3A_892 = arith.select %gt3A_889, %broadcast_in_dim3A_887, %select_n3A_878 : vector<16xi1>, vector<16xi32>
      %select_n3A_893 = arith.select %gt3A_888, %select_n3A_880, %select_n3A_892 : vector<16xi1>, vector<16xi32>
      %select_n3A_894 = arith.select %gt3A_888, %get3A_885, %select_n3A_879 : vector<16xi1>, vector<16xf32>
      %select_n3A_895 = arith.select %gt3A_888, %broadcast_in_dim3A_887, %select_n3A_880 : vector<16xi1>, vector<16xi32>
      %get3A_896 = arith.constant 59 : i32
      %get3A_897 = arith.index_cast %get3A_896 : i32 to index
      %get3A_898 = arith.index_cast %mul3A_10 : i32 to index
      %get3A_899 = tpu.vector_load %arg5[%get3A_897, %get3A_898] {strides = array<i32>} : memref<64x1024xf32, #tpu.memory_space<vmem>>, vector<1x16xf32>,
      %get3A_900 = vector.shape_cast %get3A_899 : vector<1x16xf32> to vector<16xf32>
      %broadcast_in_dim3A_901 = arith.constant 59 : i32
      %broadcast_in_dim3A_902 = vector.broadcast %broadcast_in_dim3A_901 : i32 to vector<16xi32>
      %gt3A_903 = arith.cmpf ogt, %get3A_900, %select_n3A_894 : vector<16xf32>
      %gt3A_904 = arith.cmpf ogt, %get3A_900, %select_n3A_891 : vector<16xf32>
      %select_n3A_905 = arith.select %gt3A_904, %get3A_900, %select_n3A_891 : vector<16xi1>, vector<16xf32>
      %select_n3A_906 = arith.select %gt3A_903, %select_n3A_894, %select_n3A_905 : vector<16xi1>, vector<16xf32>
      %select_n3A_907 = arith.select %gt3A_904, %broadcast_in_dim3A_902, %select_n3A_893 : vector<16xi1>, vector<16xi32>
      %select_n3A_908 = arith.select %gt3A_903, %select_n3A_895, %select_n3A_907 : vector<16xi1>, vector<16xi32>
      %select_n3A_909 = arith.select %gt3A_903, %get3A_900, %select_n3A_894 : vector<16xi1>, vector<16xf32>
      %select_n3A_910 = arith.select %gt3A_903, %broadcast_in_dim3A_902, %select_n3A_895 : vector<16xi1>, vector<16xi32>
      %get3A_911 = arith.constant 60 : i32
      %get3A_912 = arith.index_cast %get3A_911 : i32 to index
      %get3A_913 = arith.index_cast %mul3A_10 : i32 to index
      %get3A_914 = tpu.vector_load %arg5[%get3A_912, %get3A_913] {strides = array<i32>} : memref<64x1024xf32, #tpu.memory_space<vmem>>, vector<1x16xf32>,
      %get3A_915 = vector.shape_cast %get3A_914 : vector<1x16xf32> to vector<16xf32>
      %broadcast_in_dim3A_916 = arith.constant 60 : i32
      %broadcast_in_dim3A_917 = vector.broadcast %broadcast_in_dim3A_916 : i32 to vector<16xi32>
      %gt3A_918 = arith.cmpf ogt, %get3A_915, %select_n3A_909 : vector<16xf32>
      %gt3A_919 = arith.cmpf ogt, %get3A_915, %select_n3A_906 : vector<16xf32>
      %select_n3A_920 = arith.select %gt3A_919, %get3A_915, %select_n3A_906 : vector<16xi1>, vector<16xf32>
      %select_n3A_921 = arith.select %gt3A_918, %select_n3A_909, %select_n3A_920 : vector<16xi1>, vector<16xf32>
      %select_n3A_922 = arith.select %gt3A_919, %broadcast_in_dim3A_917, %select_n3A_908 : vector<16xi1>, vector<16xi32>
      %select_n3A_923 = arith.select %gt3A_918, %select_n3A_910, %select_n3A_922 : vector<16xi1>, vector<16xi32>
      %select_n3A_924 = arith.select %gt3A_918, %get3A_915, %select_n3A_909 : vector<16xi1>, vector<16xf32>
      %select_n3A_925 = arith.select %gt3A_918, %broadcast_in_dim3A_917, %select_n3A_910 : vector<16xi1>, vector<16xi32>
      %get3A_926 = arith.constant 61 : i32
      %get3A_927 = arith.index_cast %get3A_926 : i32 to index
      %get3A_928 = arith.index_cast %mul3A_10 : i32 to index
      %get3A_929 = tpu.vector_load %arg5[%get3A_927, %get3A_928] {strides = array<i32>} : memref<64x1024xf32, #tpu.memory_space<vmem>>, vector<1x16xf32>,
      %get3A_930 = vector.shape_cast %get3A_929 : vector<1x16xf32> to vector<16xf32>
      %broadcast_in_dim3A_931 = arith.constant 61 : i32
      %broadcast_in_dim3A_932 = vector.broadcast %broadcast_in_dim3A_931 : i32 to vector<16xi32>
      %gt3A_933 = arith.cmpf ogt, %get3A_930, %select_n3A_924 : vector<16xf32>
      %gt3A_934 = arith.cmpf ogt, %get3A_930, %select_n3A_921 : vector<16xf32>
      %select_n3A_935 = arith.select %gt3A_934, %get3A_930, %select_n3A_921 : vector<16xi1>, vector<16xf32>
      %select_n3A_936 = arith.select %gt3A_933, %select_n3A_924, %select_n3A_935 : vector<16xi1>, vector<16xf32>
      %select_n3A_937 = arith.select %gt3A_934, %broadcast_in_dim3A_932, %select_n3A_923 : vector<16xi1>, vector<16xi32>
      %select_n3A_938 = arith.select %gt3A_933, %select_n3A_925, %select_n3A_937 : vector<16xi1>, vector<16xi32>
      %select_n3A_939 = arith.select %gt3A_933, %get3A_930, %select_n3A_924 : vector<16xi1>, vector<16xf32>
      %select_n3A_940 = arith.select %gt3A_933, %broadcast_in_dim3A_932, %select_n3A_925 : vector<16xi1>, vector<16xi32>
      %get3A_941 = arith.constant 62 : i32
      %get3A_942 = arith.index_cast %get3A_941 : i32 to index
      %get3A_943 = arith.index_cast %mul3A_10 : i32 to index
      %get3A_944 = tpu.vector_load %arg5[%get3A_942, %get3A_943] {strides = array<i32>} : memref<64x1024xf32, #tpu.memory_space<vmem>>, vector<1x16xf32>,
      %get3A_945 = vector.shape_cast %get3A_944 : vector<1x16xf32> to vector<16xf32>
      %broadcast_in_dim3A_946 = arith.constant 62 : i32
      %broadcast_in_dim3A_947 = vector.broadcast %broadcast_in_dim3A_946 : i32 to vector<16xi32>
      %gt3A_948 = arith.cmpf ogt, %get3A_945, %select_n3A_939 : vector<16xf32>
      %gt3A_949 = arith.cmpf ogt, %get3A_945, %select_n3A_936 : vector<16xf32>
      %select_n3A_950 = arith.select %gt3A_949, %get3A_945, %select_n3A_936 : vector<16xi1>, vector<16xf32>
      %select_n3A_951 = arith.select %gt3A_948, %select_n3A_939, %select_n3A_950 : vector<16xi1>, vector<16xf32>
      %select_n3A_952 = arith.select %gt3A_949, %broadcast_in_dim3A_947, %select_n3A_938 : vector<16xi1>, vector<16xi32>
      %select_n3A_953 = arith.select %gt3A_948, %select_n3A_940, %select_n3A_952 : vector<16xi1>, vector<16xi32>
      %select_n3A_954 = arith.select %gt3A_948, %get3A_945, %select_n3A_939 : vector<16xi1>, vector<16xf32>
      %select_n3A_955 = arith.select %gt3A_948, %broadcast_in_dim3A_947, %select_n3A_940 : vector<16xi1>, vector<16xi32>
      %get3A_956 = arith.constant 63 : i32
      %get3A_957 = arith.index_cast %get3A_956 : i32 to index
      %get3A_958 = arith.index_cast %mul3A_10 : i32 to index
      %get3A_959 = tpu.vector_load %arg5[%get3A_957, %get3A_958] {strides = array<i32>} : memref<64x1024xf32, #tpu.memory_space<vmem>>, vector<1x16xf32>,
      %get3A_960 = vector.shape_cast %get3A_959 : vector<1x16xf32> to vector<16xf32>
      %broadcast_in_dim3A_961 = arith.constant 63 : i32
      %broadcast_in_dim3A_962 = vector.broadcast %broadcast_in_dim3A_961 : i32 to vector<16xi32>
      %gt3A_963 = arith.cmpf ogt, %get3A_960, %select_n3A_954 : vector<16xf32>
      %gt3A_964 = arith.cmpf ogt, %get3A_960, %select_n3A_951 : vector<16xf32>
      %select_n3A_965 = arith.select %gt3A_964, %get3A_960, %select_n3A_951 : vector<16xi1>, vector<16xf32>
      %select_n3A_966 = arith.select %gt3A_963, %select_n3A_954, %select_n3A_965 : vector<16xi1>, vector<16xf32>
      %select_n3A_967 = arith.select %gt3A_964, %broadcast_in_dim3A_962, %select_n3A_953 : vector<16xi1>, vector<16xi32>
      %select_n3A_968 = arith.select %gt3A_963, %select_n3A_955, %select_n3A_967 : vector<16xi1>, vector<16xi32>
      %select_n3A_969 = arith.select %gt3A_963, %get3A_960, %select_n3A_954 : vector<16xi1>, vector<16xf32>
      %select_n3A_970 = arith.select %gt3A_963, %broadcast_in_dim3A_962, %select_n3A_955 : vector<16xi1>, vector<16xi32>
      %sub3A = arith.subf %select_n3A_966, %select_n3A_969 : vector<16xf32>
      %exp3A = math.exp %sub3A : vector<16xf32>
      %add3A_971 = arith.constant 1.000000e+00 : f32
      %add3A_972 = vector.broadcast %add3A_971 : f32 to vector<16xf32>
      %add3A_973 = arith.addf %add3A_972, %exp3A : vector<16xf32>
      %div3A = arith.constant 1.000000e+00 : f32
      %div3A_974 = vector.broadcast %div3A : f32 to vector<16xf32>
      %div3A_975 = arith.divf %div3A_974, %add3A_973 : vector<16xf32>
      %swap3A = arith.constant 0 : i32
      %swap3A_976 = arith.index_cast %swap3A : i32 to index
      %swap3A_977 = arith.index_cast %mul3A_10 : i32 to index
      %swap3A_978 = tpu.vector_load %arg6[%swap3A_976, %swap3A_977] {strides = array<i32>} : memref<2x1024xf32, #tpu.memory_space<vmem>>, vector<1x16xf32>,
      %swap3A_979 = vector.shape_cast %swap3A_978 : vector<1x16xf32> to vector<16xf32>
      %swap3A_980 = vector.shape_cast %div3A_975 : vector<16xf32> to vector<1x16xf32>
      tpu.vector_store %arg6[%swap3A_976, %swap3A_977], %swap3A_980 {strides = array<i32>} : memref<2x1024xf32, #tpu.memory_space<vmem>>, vector<1x16xf32>,
      %div3A_981 = arith.divf %exp3A, %add3A_973 : vector<16xf32>
      %swap3A_982 = arith.constant 1 : i32
      %swap3A_983 = arith.index_cast %swap3A_982 : i32 to index
      %swap3A_984 = arith.index_cast %mul3A_10 : i32 to index
      %swap3A_985 = tpu.vector_load %arg6[%swap3A_983, %swap3A_984] {strides = array<i32>} : memref<2x1024xf32, #tpu.memory_space<vmem>>, vector<1x16xf32>,
      %swap3A_986 = vector.shape_cast %swap3A_985 : vector<1x16xf32> to vector<16xf32>
      %swap3A_987 = vector.shape_cast %div3A_981 : vector<16xf32> to vector<1x16xf32>
      tpu.vector_store %arg6[%swap3A_983, %swap3A_984], %swap3A_987 {strides = array<i32>} : memref<2x1024xf32, #tpu.memory_space<vmem>>, vector<1x16xf32>,
      %swap3A_988 = arith.constant 0 : i32
      %swap3A_989 = arith.index_cast %swap3A_988 : i32 to index
      %swap3A_990 = arith.index_cast %mul3A_10 : i32 to index
      %swap3A_991 = tpu.vector_load %arg7[%swap3A_989, %swap3A_990] {strides = array<i32>} : memref<2x1024xi32, #tpu.memory_space<vmem>>, vector<1x16xi32>,
      %swap3A_992 = vector.shape_cast %swap3A_991 : vector<1x16xi32> to vector<16xi32>
      %swap3A_993 = vector.shape_cast %select_n3A_970 : vector<16xi32> to vector<1x16xi32>
      tpu.vector_store %arg7[%swap3A_989, %swap3A_990], %swap3A_993 {strides = array<i32>} : memref<2x1024xi32, #tpu.memory_space<vmem>>, vector<1x16xi32>,
      %swap3A_994 = arith.constant 1 : i32
      %swap3A_995 = arith.index_cast %swap3A_994 : i32 to index
      %swap3A_996 = arith.index_cast %mul3A_10 : i32 to index
      %swap3A_997 = tpu.vector_load %arg7[%swap3A_995, %swap3A_996] {strides = array<i32>} : memref<2x1024xi32, #tpu.memory_space<vmem>>, vector<1x16xi32>,
      %swap3A_998 = vector.shape_cast %swap3A_997 : vector<1x16xi32> to vector<16xi32>
      %swap3A_999 = vector.shape_cast %select_n3A_968 : vector<16xi32> to vector<1x16xi32>
      tpu.vector_store %arg7[%swap3A_995, %swap3A_996], %swap3A_999 {strides = array<i32>} : memref<2x1024xi32, #tpu.memory_space<vmem>>, vector<1x16xi32>,
    }
    %scan3A_7 = arith.constant 64 : i32
    "tpu.region"() ({
      %run_scoped3A = tpu.sem_alloc : memref<!tpu.dma_semaphore, #tpu.memory_space<semaphore_mem>>
      %dma_start3A = arith.constant 0 : i32
      %dma_start3A_8 = tpu.memref_slice %arg3[%dma_start3A, %mul3A_2] : memref<2x32768xf32, #tpu.memory_space<hbm>> -> memref<2x1024xf32, #tpu.memory_space<hbm>>
      %dma_start3A_9 = arith.constant 0 : i32
      %dma_start3A_10 = tpu.memref_slice %arg3[%dma_start3A_9, %mul3A_2] : memref<2x32768xf32, #tpu.memory_space<hbm>> -> memref<2x1024xf32, #tpu.memory_space<hbm>>
      tpu.enqueue_dma source(%arg6 : memref<2x1024xf32, #tpu.memory_space<vmem>>) target(%dma_start3A_10 : memref<2x1024xf32, #tpu.memory_space<hbm>>) target_semaphore(%run_scoped3A : memref<!tpu.dma_semaphore, #tpu.memory_space<semaphore_mem>>)
      %dma_wait3A = arith.constant 0 : i32
      %dma_wait3A_11 = tpu.memref_slice %arg3[%dma_wait3A, %mul3A_2] : memref<2x32768xf32, #tpu.memory_space<hbm>> -> memref<2x1024xf32, #tpu.memory_space<hbm>>
      %dma_wait3A_12 = arith.constant 0 : i32
      %dma_wait3A_13 = tpu.memref_slice %arg3[%dma_wait3A_12, %mul3A_2] : memref<2x32768xf32, #tpu.memory_space<hbm>> -> memref<2x1024xf32, #tpu.memory_space<hbm>>
      tpu.wait_dma2 semaphore(%run_scoped3A : memref<!tpu.dma_semaphore, #tpu.memory_space<semaphore_mem>>) src(%arg6 : memref<2x1024xf32, #tpu.memory_space<vmem>>) dst(%dma_wait3A_13 : memref<2x1024xf32, #tpu.memory_space<hbm>>)
      tpu.yield
    }) : () -> ()
    "tpu.region"() ({
      %run_scoped3A = tpu.sem_alloc : memref<!tpu.dma_semaphore, #tpu.memory_space<semaphore_mem>>
      %dma_start3A = arith.constant 0 : i32
      %dma_start3A_8 = tpu.memref_slice %arg4[%dma_start3A, %mul3A_2] : memref<2x32768xi32, #tpu.memory_space<hbm>> -> memref<2x1024xi32, #tpu.memory_space<hbm>>
      %dma_start3A_9 = arith.constant 0 : i32
      %dma_start3A_10 = tpu.memref_slice %arg4[%dma_start3A_9, %mul3A_2] : memref<2x32768xi32, #tpu.memory_space<hbm>> -> memref<2x1024xi32, #tpu.memory_space<hbm>>
      tpu.enqueue_dma source(%arg7 : memref<2x1024xi32, #tpu.memory_space<vmem>>) target(%dma_start3A_10 : memref<2x1024xi32, #tpu.memory_space<hbm>>) target_semaphore(%run_scoped3A : memref<!tpu.dma_semaphore, #tpu.memory_space<semaphore_mem>>)
      %dma_wait3A = arith.constant 0 : i32
      %dma_wait3A_11 = tpu.memref_slice %arg4[%dma_wait3A, %mul3A_2] : memref<2x32768xi32, #tpu.memory_space<hbm>> -> memref<2x1024xi32, #tpu.memory_space<hbm>>
      %dma_wait3A_12 = arith.constant 0 : i32
      %dma_wait3A_13 = tpu.memref_slice %arg4[%dma_wait3A_12, %mul3A_2] : memref<2x32768xi32, #tpu.memory_space<hbm>> -> memref<2x1024xi32, #tpu.memory_space<hbm>>
      tpu.wait_dma2 semaphore(%run_scoped3A : memref<!tpu.dma_semaphore, #tpu.memory_space<semaphore_mem>>) src(%arg7 : memref<2x1024xi32, #tpu.memory_space<vmem>>) dst(%dma_wait3A_13 : memref<2x1024xi32, #tpu.memory_space<hbm>>)
      tpu.yield
    }) : () -> ()
    return
  }
}

module attributes {stable_mosaic.version = 14 : i64} {
  func.func @_matmul_block(%arg0: i32, %arg1: memref<4096x768xf32, #tpu.memory_space<vmem>>, %arg2: memref<64x768xf32, #tpu.memory_space<vmem>>, %arg3: memref<64x1xf32, #tpu.memory_space<vmem>>, %arg4: memref<64x4096xf32, #tpu.memory_space<vmem>>) attributes {dimension_semantics = [#tpu.dimension_semantics<parallel>], iteration_bounds = array<i64: 8>, scalar_prefetch = 0 : i64, scratch_operands = 0 : i64, tpu.core_type = #tpu.core_type<tc>, window_params = [{transform_indices = @transform_0, window_bounds = array<i64: 4096, 768>}, {pipeline_mode = #tpu.pipeline_mode<synchronous>, transform_indices = @transform_1, window_bounds = array<i64: 64, 768>}, {pipeline_mode = #tpu.pipeline_mode<synchronous>, transform_indices = @transform_2, window_bounds = array<i64: 64, 1>}, {transform_indices = @transform_3, window_bounds = array<i64: 64, 4096>}]} {
    %get3A = arith.constant 0 : index
    %get3A_0 = arith.constant 0 : index
    %get3A_1 = vector.load %arg2[%get3A, %get3A_0] : memref<64x768xf32, #tpu.memory_space<vmem>>, vector<64x768xf32>
    %get3A_2 = arith.constant 0 : index
    %get3A_3 = arith.constant 0 : index
    %get3A_4 = vector.load %arg1[%get3A_2, %get3A_3] : memref<4096x768xf32, #tpu.memory_space<vmem>>, vector<4096x768xf32>
    %dot_general3A = arith.constant dense<0.000000e+00> : vector<64x4096xf32>
    %dot_general3A_5 = tpu.matmul %get3A_1, %get3A_4, %dot_general3A {dimension_numbers = #tpu.dot_dimension_numbers<[1], [1], [0], [0], [0, 0, 1, 0], [], []>, transpose_lhs_hint = false} : vector<64x768xf32>, vector<4096x768xf32>, vector<64x4096xf32> -> vector<64x4096xf32>
    %get3A_6 = arith.constant 0 : index
    %get3A_7 = arith.constant 0 : index
    %get3A_8 = vector.load %arg3[%get3A_6, %get3A_7] : memref<64x1xf32, #tpu.memory_space<vmem>>, vector<64x1xf32>
    %add3A = vector.broadcast %get3A_8 : vector<64x1xf32> to vector<64x4096xf32>
    %add3A_9 = arith.addf %dot_general3A_5, %add3A : vector<64x4096xf32>
    %swap3A = arith.constant 0 : index
    %swap3A_10 = arith.constant 0 : index
    %swap3A_11 = vector.load %arg4[%swap3A, %swap3A_10] : memref<64x4096xf32, #tpu.memory_space<vmem>>, vector<64x4096xf32>
    tpu.vector_store %arg4[%swap3A, %swap3A_10], %add3A_9 {strides = array<i32>} : memref<64x4096xf32, #tpu.memory_space<vmem>>, vector<64x4096xf32>,
    return
  }
  func.func @transform_0(%arg0: i32) -> (i32, i32) {
    %c0_i32 = arith.constant 0 : i32
    %c0_i32_0 = arith.constant 0 : i32
    return %arg0, %c0_i32 : i32, i32
  }
  func.func @transform_1(%arg0: i32) -> (i32, i32) {
    %c0_i32 = arith.constant 0 : i32
    %c0_i32_0 = arith.constant 0 : i32
    %c0_i32_1 = arith.constant 0 : i32
    return %c0_i32, %c0_i32_0 : i32, i32
  }
  func.func @transform_2(%arg0: i32) -> (i32, i32) {
    %c0_i32 = arith.constant 0 : i32
    %c0_i32_0 = arith.constant 0 : i32
    %c0_i32_1 = arith.constant 0 : i32
    return %c0_i32, %c0_i32_0 : i32, i32
  }
  func.func @transform_3(%arg0: i32) -> (i32, i32) {
    %c0_i32 = arith.constant 0 : i32
    %c0_i32_0 = arith.constant 0 : i32
    return %c0_i32, %arg0 : i32, i32
  }
}

</mosaic_0001>

<sc_bundles>
// kernel: kernel.4.cloned.1.call-start
scs
__scs_entry_jumppad:
0x0: {  	(pc) =	sbr.rel $0x88, $3  }
0x1: {  	(tag) =	ssettag $0x0;
	lr =	simm.s32 $0x1  }
0x2: {  	[smem:$0x3F9E] =	sst lr;
	_ =	strace $0xD0000000  }
0x3: {  	_ = 	snop  }
0x4: {  	_ = 	snop  }
0x5: {  	_ = 	snop  }
0x6: {  	_ = 	snop  }
0x7: {  	_ = 	snop  }
__scs_overlays_trampoline_lowered:
0x8: {  	[smem:$0x3FAD] =	sst s0  }
0x9: {  	[smem:$0x3FAE] =	sst s1  }
0xa: {  	[smem:$0x3FAF] =	sst s2  }
0xb: {  	[smem:$0x3FB0] =	sst s3  }
0xc: {  	[smem:$0x3FB1] =	sst s4  }
0xd: {  	[smem:$0x3FB2] =	sst s5  }
0xe: {  	[smem:$0x3FB3] =	sst s6  }
0xf: {  	[smem:$0x3FB4] =	sst s7  }
0x10: {  	[smem:$0x3FB5] =	sst s8  }
0x11: {  	[smem:$0x3FB6] =	sst s9;
	s0 =	simm.s32 @!p0 $0x0  }
0x12: {  	s1 =	sld [smem:$0x3F9C];
	s0 =	simm.s32 @p0 $0x1  }
0x13: {  	[smem:$0x3FB7] =	sst s0;
	s0 =	simm.s32 @!p1 $0x0  }
0x14: {  	s2 =	sld [smem:$0x3F9B];
	s0 =	simm.s32 @p1 $0x1  }
0x15: {  	[smem:$0x3FB8] =	sst s0;
	s0 =	simm.s32 @!p2 $0x0  }
0x16: {  	s3 =	sld [smem:$0x3FDB];
	s0 =	simm.s32 @p2 $0x1  }
0x17: {  	s4 =	simm.s32 $0x1BF5;
	[smem:$0x3FBA] =	sst s0  }
0x18: {  	s0 =	sld [smem:$0x3F9D];
	_ =	swait.ge [sflag:s4], $0x0  }
0x19: {  	s7 =	sld [smem:$0x3F9E]  }
0x1a: {  	s8 =	sadd.s32 $0xFFFFE003, lr  }
0x1b: {  	s9 =	sadd.s32 $0xFFFFFEF7, lr;
	s5 =	simm.s32 $0xFFFFFFFF;
	p2 =	slt.u32 s8, $0xFFFFF086  }
0x1c: {  	p1 =	slt.u32 s9, $0xF7A;
	s5 =	simm.s32 @!p2 $0x0  }
0x1d: {  	s5 =	simm.s32 @p1 $0x1;
	p0 =	seq.s32 s7, s2  }
0x1e: {  	s7 =	smul.u32 @!p0 $0xF7A, s2;
	p2 =	seq.s32 @!p0 s5, $0x0  }
0x1f: {  	s9 =	smul.u32 $0xF7A, s1;
	s8 =	simm.s32 @!p0 $0x1BF5;
	p2 =	por !p2, p0  }
0x20: {  	[sflag:s8] =	ssyncset.s32 @!p0 $0xFFFFF086;
	s6 =	sadd.s32 @!p0 s3, s7;
	s7 =	simm.s32 @!p0 $0x108  }
0x21: {  	s3 =	sadd.s32 s3, s9;
	s6 =	sadd.s32 @!p0 $0x88, s6;
	s7 =	simm.s32 @p2 $0x1082  }
0x22: {  	[simem:s7], [sflag:s8] =	dma.local @!p0 [hbm:s6], $0xF7A  }
0x23: {  	s9 =	sor.u32 $0xD0000000, s2;
	s6 =	simm.s32 $0x108;
	_ =	swait.ge @!p0 [sflag:s8], $0x0  }
0x24: {  	s3 =	sadd.s32 $0x88, s3;
	s6 =	simm.s32 @!p1 $0x1082;
	[sflag:s4] =	ssyncset.s32 $0xFFFFF086  }
0x25: {  	[simem:s6], [sflag:s4] =	dma.local [hbm:s3], $0xF7A  }
0x26: {  	[smem:$0x3F9E] =	sst s1;
	(tag) =	ssettag s2;
	_ =	strace s9  }
0x27: {  	s1 =	sld [smem:$0x3FAE]  }
0x28: {  	s2 =	sld [smem:$0x3FAF]  }
0x29: {  	s4 =	sld [smem:$0x3FB1]  }
0x2a: {  	p0 =	seq.s32 s5, $0x0;
	s5 =	sld [smem:$0x3FB2]  }
0x2b: {  	s6 =	sld [smem:$0x3FB3]  }
0x2c: {  	s7 =	sld [smem:$0x3FB4]  }
0x2d: {  	s3 =	simm.s32 $0x108;
	s8 =	sld [smem:$0x3FB5]  }
0x2e: {  	s3 =	simm.s32 @!p0 $0x1082;
	s9 =	sld [smem:$0x3FB6]  }
0x2f: {  	lr =	sadd.s32 s0, s3;
	s0 =	sld [smem:$0x3FAD]  }
0x30: {  	s3 =	sld [smem:$0x3FB0]  }
0x31: {  	[smem:$0x3FB9] =	sst s10  }
0x32: {  	s10 =	sld [smem:$0x3FB7];
	_ =	sdelay $0x3  }
0x33: {  	p0 =	seq.s32 s10, $0x1;
	s10 =	sld [smem:$0x3FB9];
	_ =	sdelay $0x3  }
0x34: {  	[smem:$0x3FB9] =	sst s10  }
0x35: {  	s10 =	sld [smem:$0x3FB8];
	_ =	sdelay $0x3  }
0x36: {  	p1 =	seq.s32 s10, $0x1;
	s10 =	sld [smem:$0x3FB9];
	_ =	sdelay $0x3  }
0x37: {  	[smem:$0x3FB9] =	sst s10  }
0x38: {  	s10 =	sld [smem:$0x3FBA]  }
0x39: {  	_ = 	snop;
	(pc) =	sbr.ind lr, $3  }
0x3a: {  	_ = 	snop  }
0x3b: {  	_ = 	snop  }
0x3c: {  	p2 =	seq.s32 s10, $0x1;
	s10 =	sld [smem:$0x3FB9]  }
0x3d: {  	_ =	shalt  }
0x3e: {  	_ =	shalt  }
0x3f: {  	_ =	shalt  }
0x40: {  	_ =	shalt  }
0x41: {  	_ =	shalt  }
0x42: {  	_ =	shalt  }
0x43: {  	_ =	shalt  }
0x44: {  	_ =	shalt  }
0x45: {  	_ =	shalt  }
0x46: {  	_ =	shalt  }
0x47: {  	_ =	shalt  }
0x48: {  	_ =	shalt  }
0x49: {  	_ =	shalt  }
0x4a: {  	_ =	shalt  }
0x4b: {  	_ =	shalt  }
0x4c: {  	_ =	shalt  }
0x4d: {  	_ =	shalt  }
0x4e: {  	_ =	shalt  }
0x4f: {  	_ =	shalt  }
0x50: {  	_ =	shalt  }
0x51: {  	_ =	shalt  }
0x52: {  	_ =	shalt  }
0x53: {  	_ =	shalt  }
0x54: {  	_ =	shalt  }
0x55: {  	_ =	shalt  }
0x56: {  	_ =	shalt  }
0x57: {  	_ =	shalt  }
0x58: {  	_ =	shalt  }
0x59: {  	_ =	shalt  }
0x5a: {  	_ =	shalt  }
0x5b: {  	_ =	shalt  }
0x5c: {  	_ =	shalt  }
0x5d: {  	_ =	shalt  }
0x5e: {  	_ =	shalt  }
0x5f: {  	_ =	shalt  }
0x60: {  	_ =	shalt  }
0x61: {  	_ =	shalt  }
0x62: {  	_ =	shalt  }
0x63: {  	_ =	shalt  }
0x64: {  	_ =	shalt  }
0x65: {  	_ =	shalt  }
0x66: {  	_ =	shalt  }
0x67: {  	_ =	shalt  }
0x68: {  	_ =	shalt  }
0x69: {  	_ =	shalt  }
0x6a: {  	_ =	shalt  }
0x6b: {  	_ =	shalt  }
0x6c: {  	_ =	shalt  }
0x6d: {  	_ =	shalt  }
0x6e: {  	_ =	shalt  }
0x6f: {  	_ =	shalt  }
0x70: {  	_ =	shalt  }
0x71: {  	_ =	shalt  }
0x72: {  	_ =	shalt  }
0x73: {  	_ =	shalt  }
0x74: {  	_ =	shalt  }
0x75: {  	_ =	shalt  }
0x76: {  	_ =	shalt  }
0x77: {  	_ =	shalt  }
0x78: {  	_ =	shalt  }
0x79: {  	_ =	shalt  }
0x7a: {  	_ =	shalt  }
0x7b: {  	_ =	shalt  }
0x7c: {  	_ =	shalt  }
0x7d: {  	_ =	shalt  }
0x7e: {  	_ =	shalt  }
0x7f: {  	_ =	shalt  }
0x80: {  	_ =	shalt  }
0x81: {  	_ =	shalt  }
0x82: {  	_ =	shalt  }
0x83: {  	_ =	shalt  }
0x84: {  	_ =	shalt  }
0x85: {  	_ =	shalt  }
0x86: {  	_ =	shalt  }
0x87: {  	_ =	shalt  }
.Lfunc_end0:
.L_simem_size_0:
called_computation_lowered:
.L_overlay_start_0:
0x88: {  	s2 =	sld [smem:$0x3FD9]  }
0x89: {  	s3 =	sld [smem:$0x3FFE];
	_ =	sdelay $0x1  }
0x8a: {  	s1 =	srdreg.scid  }
0x8b: {  	s0 =	sand.u32 $0x1, s1  }
0x8c: {  	s14 =	sshll.u32 s0, $0xA;
	s2 =	sadd.s32 s3, s2  }
0x8d: {  	s2 =	sadd.s32 s2, s14  }
0x8e: {  	[smem:$0x3FC5] =	sst s2  }
0x8f: {  	_ = 	snop  }
0x90: {  	s2 =	sld [smem:$0x3FD0];
	_ =	sdelay $0x2  }
0x91: {  	s15 =	simm.s32 $0xA;
	s4 =	simm.s32 $0x10  }
0x92: {  	[smem:s4], [sflag:s15] =	dma.local [hbm:s2], $0x1  }
0x93: {  	_ =	swait.eq [sflag:s15], $0x1  }
0x94: {  	[sflag:s15] =	ssyncset.done $0x0  }
0x95: {  	s16 =	sld [smem:$0x10];
	[sflag:s15] =	ssyncadd.s32 $0xFFFFFFFF  }
0x96: {  	s17 =	sld [smem:$0x11];
	(tm) =	ssettm $0x1  }
0x97: {  	s18 =	sld [smem:$0x3FFB];
	_ =	sdelay $0x3  }
0x98: {  	_ =	strace s18  }
0x99: {  	s4 =	sld [smem:$0x3FFC];
	_ =	sdelay $0x3  }
0x9a: {  	_ =	strace s4  }
0x9b: {  	s4 =	sld [smem:$0x3FFD];
	_ =	sdelay $0x3  }
0x9c: {  	_ =	strace s4  }
0x9d: {  	_ =	strace $0x8FFFFFFF  }
0x9e: {  	s19 =	sld [smem:$0x3FDB];
	_ =	sdelay $0x1  }
0x9f: {  	s5 =	simm.s32 $_scs_section_size  }
0xa0: {  	s6 =	simm.s32 $_size__tile_overlayer_lowered;
	s7 =	simm.s32 $_tile_overlayer_lowered  }
0xa1: {  	s22 =	simm.s32 $0x1BFF;
	s21 =	sshll.u32 s7, $0x1;
	s4 =	sadd.s32 s5, s19  }
0xa2: {  	s8 =	simm.s32 $0x0;
	s20 =	sshll.u32 s6, $0x1;
	s6 =	sadd.s32 s21, s4  }
0xa3: {  	[timem:s8], [sflag:s22] =	dma.local [hbm:s6], s20  }
0xa4: {  	_ =	swait.ge [sflag:s22], s20  }
0xa5: {  	s5 =	ssub.s32 $0x0, s20;
	[sflag:s22] =	ssyncset.done $0x0  }
0xa6: {  	[sflag:s22] =	ssyncadd.s32 s5;
	_ =	sdelay $0x1  }
0xa7: {  	s23 =	simm.s32 $0x1B8B  }
0xa8: {  	_ =	swait.ge [sflag:s23], $0x1  }
0xa9: {  	[sflag:s23] =	ssyncset.done $0x0  }
0xaa: {  	s25 =	simm.s32 $0x1B8E;
	s24 =	sld [smem:$0x3FFE];
	[sflag:s23] =	ssyncadd.s32 $0xFFFFFFFF  }
0xab: {  	s26 =	simm.s32 $execute0_lowered;
	[smem:$0x3FD2] =	sst s25  }
0xac: {  	s6 =	sshll.u32 s26, $0x1;
	_ =	strace $0x80000046;
	[dreg:$0x1] =	wrdreg $0xFFFFFFFF  }
0xad: {  	s28 =	simm.s32 $_size_execute0_lowered;
	s4 =	sadd.s32 s4, s6;
	[dreg:$0x0] =	wrdreg $0x0  }
0xae: {  	s6 =	sshll.u32 s28, $0x1;
	[dreg:$0x2] =	wrdreg s4  }
0xaf: {  	[dreg:$0x3] =	wrdreg s6  }
0xb0: {  	[dreg:$0x4] =	wrdreg $0xC0  }
0xb1: {  	_ =	task [dreg:s8], $0x5FFFF  }
0xb2: {  	[dreg:$0x1] =	wrdreg $0xFFFFFFFF  }
0xb3: {  	[dreg:$0x0] =	wrdreg $0x60  }
0xb4: {  	[dreg:$0x2] =	wrdreg s24  }
0xb5: {  	[dreg:$0x3] =	wrdreg s16  }
0xb6: {  	[dreg:$0x4] =	wrdreg s17  }
0xb7: {  	[dreg:$0x5] =	wrdreg $0x9  }
0xb8: {  	_ =	task.clear_ibuf [dreg:s8], $0x6FFFF;
	_ =	strace $0x90000046  }
0xb9: {  	s29 =	simm.s32 $0x9;
	_ =	strace $0x80000048  }
0xba: {  	_ =	swait.ge [sflag:s29], $0x1  }
0xbb: {  	[sflag:s29] =	ssyncadd.s32 $0xFFFFFFFF  }
0xbc: {  	_ =	strace $0x90000048  }
0xbd: {  	_ =	sfence  }
0xbe: {  	s30 =	sld [smem:$0x0];
	_ =	sdelay $0x2  }
0xbf: {  	s31 =	sshll.u32 s1, $0xD;
	s1 =	sshrl.u32 s1, $0x2  }
0xc0: {  	s3 =	sand.u32 $0x4000, s31;
	s1 =	sadd.s32 s1, s30  }
0xc1: {  	s0 =	sor.u32 s3, s0;
	s1 =	sshll.u32 s1, $0x11  }
0xc2: {  	s0 =	sor.u32 s1, s0  }
0xc3: {  	s0 =	sadd.s32 $0x8F2B, s0  }
0xc4: {  	[sflag:s0] =	ssyncadd.remote.s32 $0x1  }
0xc5: {  	_ =	sfence.sel $0xFFFF  }
0xc6: {  	[dreg:$0x0] =	wrdreg $0xFFFFFFFF;
	(pc) =	sbr.abs _section_cstart, $3  }
0xc7: {  	[dreg:$0x1] =	wrdreg $0xFFFFFFFF  }
0xc8: {  	_ =	task.clear_ibuf [dreg:s8], $0x2FFFF;
	_ =	strace $0x9FFFFFFF  }
0xc9: {  	(tm) =	ssettm $0x7FFFFFFF  }
tec
execute0_lowered:
.L_overlay_start_1:
0x0: {  	(tag) =	ssettag $0x1  }
0x1: {  	s3 =	rddreg [dreg:$0x0]  }
0x2: {  	s4 =	rddreg [dreg:$0x1]  }
0x3: {  	s5 =	rddreg [dreg:$0x2];
	s2 =	srdreg.scid  }
0x4: {  	s0 =	rddreg [dreg:$0x3];
	s1 =	stileid.u32;
	s9 =	simm.s32 $0x1  }
0x5: {  	s10 =	simm.s32 $0x10000;
	s11 =	simm.s32 $0x10800;
	s12 =	simm.s32 $0x0  }
0x6: {  	s6 =	sand.u32 $0x1, s2;
	s2 =	simm.s32 $0x0;
	s7 =	sshll.u32 s1, $0xB  }
0x7: {  	s8 =	sshll.u32 s6, $0xA;
	[smem:$0x7FF] =	sst s2;
	s6 =	ssub.s32 $0x2, s6  }
0x8: {  	s7 =	sor.u32 s8, s7;
	_ =	strace $0x80000047;
	s31 =	sshrl.u32 s6, $0x1  }
0x9: {  	s8 =	simm.s32 $0x40000;
	s3 =	sadd.s32 s7, s3;
	s7 =	sshrl.u32 s7, $0x2  }
0xa: {  	s6 =	ssub.s32 s6, s31;
	s3 =	sadd.s32 $0xC00, s3;
	s4 =	sadd.s32 s4, s7  }
0xb: {  	v0 =	vimm.s32 $0x0;
	s5 =	sadd.s32 s5, s7;
	s6 =	smax.u32 s6, $0x1;
	s7 =	simm.s32 $0x2000  }
.LBB2_1:
0xc: {  	[tilespmem:s2], [sflag:$0x1] =	stream.strided.gather [hbm4b:s3+s7], $0x10000, s8, s7, $0x38;
	[tilespmem:$0x11000] =	vst v63  }
0xd: {  	s14 =	simm.s32 $0x0;
	_ =	swait.ge [sflag:s9], $0x10000  }
0xe: {  	s13 =	sand.u32 $0x70, s2;
	s14 =	sand.u32 $0x3FFFFC00, s14;
	[sflag:s9] =	ssyncset.done $0x0  }
0xf: {  	s14 =	sor.u32 s13, s14;
	[sflag:s9] =	ssyncadd.s32 $0xFFFF0000  }
0x10: {  	v1 =	vld [tilespmem:s14+$0x0]  }
0x11: {  	v2 =	vld [tilespmem:s14+$0x80];
	_ =	sdelay $0x3  }
0x12: {  	v3 =	vld [tilespmem:s14+$0x100];
	vm0 =	vgt.f32 v1, $-Inf  }
0x13: {  	vm8 =	vlt.f32 v2, $-Inf;
	vm1 =	vgt.f32 v2, $-Inf;
	v1 =	vnsel vm0, $0xFF800000, v1  }
0x14: {  	v4 =	vimm.s32 $0x0;
	vm14 =	vmor vm1, vm8;
	vm2 =	vgt.f32 v2, v1  }
0x15: {  	v5 =	vld [tilespmem:s14+$0x180];
	v53 =	vnsel vm14, $0xFF800000, v2;
	v4 =	vsel vm2, $0xFFFFFFFF, v4;
	vm2 =	vmneg vm2  }
0x16: {  	[tilespmem:$0x1FC00] =	vst v4;
	v4 =	vsel vm2, v53, v1  }
0x17: {  	v1 =	vsel vm2, v1, v2;
	vm15 =	vgt.f32 v3, v4  }
0x18: {  	vm1 =	vgt.f32 v3, v1;
	v2 =	vsel vm15, v3, v4  }
0x19: {  	v54 =	vld [tilespmem:s14+$0x200];
	v2 =	vsel vm1, v1, v2  }
0x1a: {  	v1 =	vsel vm1, v3, v1;
	v3 =	vimm.s32 $0x0;
	vm9 =	vgt.f32 v5, v2  }
0x1b: {  	v3 =	vsel vm9, $0xFFFFFFFF, v3  }
0x1c: {  	vm3 =	vgt.f32 v5, v1;
	v2 =	vsel vm9, v5, v2;
	[tilespmem:$0x1FC10] =	vst v3;
	v3 =	vld [tilespmem:s14+$0x280]  }
0x1d: {  	v2 =	vsel vm3, v1, v2  }
0x1e: {  	v1 =	vsel vm3, v5, v1;
	vm10 =	vgt.f32 v54, v2  }
0x1f: {  	v56 =	vld [tilespmem:s14+$0x300];
	vm4 =	vgt.f32 v54, v1;
	v2 =	vsel vm10, v54, v2  }
0x20: {  	v2 =	vsel vm4, v1, v2  }
0x21: {  	v1 =	vsel vm4, v54, v1;
	vm11 =	vgt.f32 v3, v2  }
0x22: {  	vm5 =	vgt.f32 v3, v1;
	v2 =	vsel vm11, v3, v2  }
0x23: {  	v58 =	vld [tilespmem:s14+$0x380];
	v2 =	vsel vm5, v1, v2  }
0x24: {  	v1 =	vsel vm5, v3, v1;
	v3 =	vimm.s32 $0x0;
	vm12 =	vgt.f32 v56, v2  }
0x25: {  	v55 =	vimm.s32 $0x0;
	v3 =	vsel vm12, $0xFFFFFFFF, v3  }
0x26: {  	v57 =	vimm.s32 $0x0;
	vm6 =	vgt.f32 v56, v1;
	v2 =	vsel vm12, v56, v2;
	[tilespmem:$0x1FC40] =	vst v3;
	v3 =	vld [tilespmem:s14+$0x2000]  }
0x27: {  	v59 =	vimm.s32 $0x0;
	v61 =	vimm.s32 $0x0;
	v2 =	vsel vm6, v1, v2  }
0x28: {  	v63 =	vimm.s32 $0x0;
	v1 =	vsel vm6, v56, v1;
	vm13 =	vgt.f32 v58, v2  }
0x29: {  	v9 =	vimm.s32 $0x0;
	v60 =	vld [tilespmem:s14+$0x2080];
	vm7 =	vgt.f32 v58, v1;
	v2 =	vsel vm13, v58, v2  }
0x2a: {  	v11 =	vimm.s32 $0x0;
	v13 =	vimm.s32 $0x0;
	v2 =	vsel vm7, v1, v2  }
0x2b: {  	v4 =	vsel vm11, $0xFFFFFFFF, v57;
	v1 =	vsel vm7, v58, v1;
	vm8 =	vgt.f32 v3, v2  }
0x2c: {  	[tilespmem:$0x1FC30] =	vst v4;
	v4 =	vsel vm8, $0xFFFFFFFF, v61;
	v2 =	vsel vm8, v3, v2;
	vm8 =	vgt.f32 v3, v1  }
0x2d: {  	v16 =	vimm.s32 $0x0;
	v19 =	vimm.s32 $0x0;
	v62 =	vld [tilespmem:s14+$0x2100];
	v2 =	vsel vm8, v1, v2  }
0x2e: {  	v1 =	vsel vm8, v3, v1;
	v3 =	vimm.s32 $0x0;
	vm9 =	vgt.f32 v60, v2  }
0x2f: {  	v22 =	vimm.s32 $0x0;
	v25 =	vimm.s32 $0x0;
	v3 =	vsel vm9, $0xFFFFFFFF, v3  }
0x30: {  	v28 =	vimm.s32 $0x0;
	v2 =	vsel vm9, v60, v2;
	vm9 =	vgt.f32 v60, v1;
	[tilespmem:$0x1FC70] =	vst v3;
	v3 =	vld [tilespmem:s14+$0x2180]  }
0x31: {  	v32 =	vimm.s32 $0x0;
	v5 =	vsel vm10, $0xFFFFFFFF, v55;
	v2 =	vsel vm9, v1, v2  }
0x32: {  	[tilespmem:$0x1FC20] =	vst v5;
	v5 =	vsel vm13, $0xFFFFFFFF, v59;
	v1 =	vsel vm9, v60, v1;
	vm10 =	vgt.f32 v62, v2  }
0x33: {  	v8 =	vld [tilespmem:s14+$0x2200];
	[tilespmem:$0x1FC50] =	vst v5;
	v5 =	vsel vm10, $0xFFFFFFFF, v63;
	v2 =	vsel vm10, v62, v2;
	vm10 =	vgt.f32 v62, v1  }
0x34: {  	v34 =	vimm.s32 $0x0;
	v38 =	vimm.s32 $0x0;
	v2 =	vsel vm10, v1, v2  }
0x35: {  	v41 =	vimm.s32 $0x0;
	v1 =	vsel vm10, v62, v1;
	vm11 =	vgt.f32 v3, v2  }
0x36: {  	v7 =	vld [tilespmem:$0x1FC00];
	[tilespmem:$0x1FC60] =	vst v4;
	v4 =	vsel vm11, $0xFFFFFFFF, v9;
	v2 =	vsel vm11, v3, v2;
	vm11 =	vgt.f32 v3, v1  }
0x37: {  	v44 =	vimm.s32 $0x0;
	v47 =	vimm.s32 $0x0;
	v10 =	vld [tilespmem:s14+$0x2280];
	v2 =	vsel vm11, v1, v2  }
0x38: {  	v1 =	vsel vm11, v3, v1;
	v3 =	vimm.s32 $0x0;
	vm12 =	vgt.f32 v8, v2  }
0x39: {  	v50 =	vimm.s32 $0x0;
	vm2 =	vmand vm14, vm2;
	v3 =	vsel vm12, $0xFFFFFFFF, v3  }
0x3a: {  	v53 =	vimm.s32 $0x0;
	v2 =	vsel vm12, v8, v2;
	vm12 =	vgt.f32 v8, v1;
	[tilespmem:$0x1FCA0] =	vst v3;
	v3 =	vld [tilespmem:s14+$0x2300]  }
0x3b: {  	v6 =	vsel vm2, $0x1, v0;
	vm14 =	vnez.u8 v7;
	v2 =	vsel vm12, v1, v2  }
0x3c: {  	v7 =	vsel vm14, $0x1, v0;
	v1 =	vsel vm12, v8, v1;
	vm13 =	vgt.f32 v10, v2  }
0x3d: {  	v17 =	vld [tilespmem:$0x1FC10];
	[tilespmem:$0x1FC80] =	vst v5;
	v5 =	vsel vm13, $0xFFFFFFFF, v11;
	v2 =	vsel vm13, v10, v2;
	vm13 =	vgt.f32 v10, v1  }
0x3e: {  	v12 =	vld [tilespmem:s14+$0x2380];
	v58 =	vimm.s32 $0x0;
	v60 =	vimm.s32 $0x0;
	v2 =	vsel vm13, v1, v2  }
0x3f: {  	v63 =	vimm.s32 $0x0;
	v1 =	vsel vm13, v10, v1;
	vm0 =	vgt.f32 v3, v2  }
0x40: {  	v20 =	vld [tilespmem:$0x1FC20];
	[tilespmem:$0x1FC90] =	vst v4;
	v4 =	vsel vm0, $0xFFFFFFFF, v13;
	v2 =	vsel vm0, v3, v2;
	vm0 =	vgt.f32 v3, v1  }
0x41: {  	v14 =	vld [tilespmem:s14+$0x4000];
	v11 =	vimm.s32 $0x0;
	v2 =	vsel vm0, v1, v2;
	v1 =	vsel vm0, v3, v1  }
0x42: {  	v8 =	vld [tilespmem:$0x1FC30];
	v3 =	vsel vm15, $0x2, v6;
	vm15 =	vnez.u8 v17;
	v17 =	vimm.s32 $0x0  }
0x43: {  	vm14 =	vgt.f32 v12, v2;
	vm2 =	vgt.f32 v12, v1;
	v3 =	vsel vm1, v7, v3  }
0x44: {  	v7 =	vsel vm1, $0x2, v7;
	v2 =	vsel vm14, v12, v2;
	v3 =	vsel vm15, $0x3, v3  }
0x45: {  	v15 =	vld [tilespmem:s14+$0x4080];
	vm15 =	vnez.u8 v20;
	v20 =	vimm.s32 $0x0;
	v2 =	vsel vm2, v1, v2  }
0x46: {  	v1 =	vsel vm2, v12, v1;
	v3 =	vsel vm3, v7, v3;
	v7 =	vsel vm3, $0x3, v7  }
0x47: {  	vm1 =	vgt.f32 v14, v2;
	v3 =	vsel vm15, $0x4, v3;
	vm15 =	vnez.u8 v8  }
0x48: {  	v18 =	vld [tilespmem:s14+$0x4100];
	[tilespmem:$0x1FCB0] =	vst v5;
	v5 =	vsel vm1, $0xFFFFFFFF, v16;
	v2 =	vsel vm1, v14, v2;
	vm1 =	vgt.f32 v14, v1  }
0x49: {  	v26 =	vld [tilespmem:$0x1FC40];
	v23 =	vsel vm4, $0x4, v7;
	v3 =	vsel vm4, v7, v3;
	v2 =	vsel vm1, v1, v2  }
0x4a: {  	v1 =	vsel vm1, v14, v1;
	v3 =	vsel vm15, $0x5, v3;
	vm3 =	vgt.f32 v15, v2  }
0x4b: {  	v29 =	vld [tilespmem:$0x1FC50];
	[tilespmem:$0x1FCC0] =	vst v4;
	v4 =	vsel vm3, $0xFFFFFFFF, v19;
	v2 =	vsel vm3, v15, v2;
	vm3 =	vgt.f32 v15, v1  }
0x4c: {  	v21 =	vld [tilespmem:s14+$0x4180];
	v14 =	vimm.s32 $0x0;
	v2 =	vsel vm3, v1, v2;
	v1 =	vsel vm3, v15, v1  }
0x4d: {  	v3 =	vsel vm5, v23, v3;
	vm15 =	vgt.f32 v18, v2;
	vm4 =	vgt.f32 v18, v1  }
0x4e: {  	v31 =	vld [tilespmem:$0x1FC60];
	v6 =	vsel vm15, $0xFFFFFFFF, v22;
	v2 =	vsel vm15, v18, v2;
	vm15 =	vnez.u8 v26  }
0x4f: {  	v26 =	vimm.s32 $0x0;
	[tilespmem:$0x1FCF0] =	vst v6;
	v2 =	vsel vm4, v1, v2;
	v6 =	vsel vm5, $0x5, v23  }
0x50: {  	v24 =	vld [tilespmem:s14+$0x4200];
	v1 =	vsel vm4, v18, v1;
	v3 =	vsel vm15, $0x6, v3;
	vm15 =	vnez.u8 v29  }
0x51: {  	v23 =	vimm.s32 $0x0;
	vm5 =	vgt.f32 v21, v2;
	v3 =	vsel vm6, v6, v3  }
0x52: {  	[tilespmem:$0x1FCD0] =	vst v5;
	v6 =	vsel vm6, $0x6, v6;
	v5 =	vsel vm5, $0xFFFFFFFF, v25;
	v2 =	vsel vm5, v21, v2  }
0x53: {  	v27 =	vld [tilespmem:s14+$0x4280];
	vm5 =	vgt.f32 v21, v1;
	v3 =	vsel vm15, $0x7, v3;
	vm15 =	vnez.u8 v31  }
0x54: {  	v2 =	vsel vm5, v1, v2;
	v1 =	vsel vm5, v21, v1;
	v3 =	vsel vm7, v6, v3  }
0x55: {  	v35 =	vld [tilespmem:$0x1FC70];
	v6 =	vsel vm7, $0x7, v6;
	vm6 =	vgt.f32 v24, v2;
	v3 =	vsel vm15, $0x8, v3  }
0x56: {  	v30 =	vld [tilespmem:s14+$0x4300];
	[tilespmem:$0x1FCE0] =	vst v4;
	v4 =	vsel vm6, $0xFFFFFFFF, v28;
	v2 =	vsel vm6, v24, v2;
	vm6 =	vgt.f32 v24, v1  }
0x57: {  	v37 =	vld [tilespmem:$0x1FC80];
	v29 =	vimm.s32 $0x0;
	v3 =	vsel vm8, v6, v3;
	v2 =	vsel vm6, v1, v2  }
0x58: {  	v6 =	vsel vm8, $0x8, v6;
	v1 =	vsel vm6, v24, v1;
	vm15 =	vgt.f32 v27, v2  }
0x59: {  	v39 =	vsel vm9, $0x9, v6;
	vm7 =	vgt.f32 v27, v1;
	v7 =	vsel vm15, $0xFFFFFFFF, v32  }
0x5a: {  	v33 =	vld [tilespmem:s14+$0x4380];
	v2 =	vsel vm15, v27, v2;
	vm15 =	vnez.u8 v35;
	v32 =	vimm.s32 $0x0  }
0x5b: {  	v2 =	vsel vm7, v1, v2;
	v1 =	vsel vm7, v27, v1;
	v3 =	vsel vm15, $0x9, v3  }
0x5c: {  	v42 =	vld [tilespmem:$0x1FC90];
	vm15 =	vnez.u8 v37;
	vm8 =	vgt.f32 v30, v2;
	v3 =	vsel vm9, v6, v3  }
0x5d: {  	v45 =	vld [tilespmem:$0x1FCA0];
	[tilespmem:$0x1FD00] =	vst v5;
	v5 =	vsel vm8, $0xFFFFFFFF, v34;
	v2 =	vsel vm8, v30, v2;
	vm8 =	vgt.f32 v30, v1  }
0x5e: {  	v36 =	vld [tilespmem:s14+$0x6000];
	v37 =	vimm.s32 $0x0;
	v3 =	vsel vm15, $0xA, v3;
	v2 =	vsel vm8, v1, v2  }
0x5f: {  	v1 =	vsel vm8, v30, v1;
	v3 =	vsel vm10, v39, v3;
	vm15 =	vgt.f32 v33, v2  }
0x60: {  	v48 =	vld [tilespmem:$0x1FCB0];
	[tilespmem:$0x1FD10] =	vst v4;
	vm9 =	vgt.f32 v33, v1;
	v4 =	vsel vm15, $0xFFFFFFFF, v38;
	v2 =	vsel vm15, v33, v2  }
0x61: {  	vm15 =	vnez.u8 v42;
	[tilespmem:$0x1FD40] =	vst v4;
	v2 =	vsel vm9, v1, v2;
	v4 =	vsel vm10, $0xA, v39  }
0x62: {  	v40 =	vld [tilespmem:s14+$0x6080];
	v1 =	vsel vm9, v33, v1;
	v3 =	vsel vm15, $0xB, v3;
	vm15 =	vnez.u8 v45  }
0x63: {  	v51 =	vld [tilespmem:$0x1FCC0];
	v33 =	vimm.s32 $0x0;
	vm10 =	vgt.f32 v36, v2;
	v3 =	vsel vm11, v4, v3  }
0x64: {  	[tilespmem:$0x1FD20] =	vst v7;
	v4 =	vsel vm11, $0xB, v4;
	v7 =	vsel vm10, $0xFFFFFFFF, v41;
	v2 =	vsel vm10, v36, v2  }
0x65: {  	vm10 =	vgt.f32 v36, v1;
	v3 =	vsel vm15, $0xC, v3;
	vm15 =	vnez.u8 v48  }
0x66: {  	v41 =	vimm.s32 $0x0;
	v2 =	vsel vm10, v1, v2;
	v1 =	vsel vm10, v36, v1  }
0x67: {  	v43 =	vld [tilespmem:s14+$0x6100];
	v3 =	vsel vm12, v4, v3;
	v4 =	vsel vm12, $0xC, v4;
	v36 =	vimm.s32 $0x0  }
0x68: {  	v55 =	vld [tilespmem:$0x1FCD0];
	vm11 =	vgt.f32 v40, v2;
	v3 =	vsel vm15, $0xD, v3;
	vm15 =	vnez.u8 v51  }
0x69: {  	[tilespmem:$0x1FD30] =	vst v5;
	v5 =	vsel vm11, $0xFFFFFFFF, v44;
	v2 =	vsel vm11, v40, v2;
	vm11 =	vgt.f32 v40, v1  }
0x6a: {  	v3 =	vsel vm13, v4, v3;
	v4 =	vsel vm13, $0xD, v4;
	v2 =	vsel vm11, v1, v2  }
0x6b: {  	v46 =	vld [tilespmem:s14+$0x6180];
	v1 =	vsel vm11, v40, v1;
	v3 =	vsel vm15, $0xE, v3;
	v40 =	vimm.s32 $0x0  }
0x6c: {  	v57 =	vld [tilespmem:$0x1FCE0];
	vm12 =	vgt.f32 v43, v2;
	v3 =	vsel vm0, v4, v3;
	v4 =	vsel vm0, $0xE, v4  }
0x6d: {  	vm0 =	vnez.u8 v55;
	v6 =	vsel vm12, $0xFFFFFFFF, v47;
	v2 =	vsel vm12, v43, v2  }
0x6e: {  	vm12 =	vgt.f32 v43, v1;
	v3 =	vsel vm14, $0xF, v3;
	v47 =	vimm.s32 $0x0  }
0x6f: {  	v2 =	vsel vm12, v1, v2;
	v1 =	vsel vm12, v43, v1;
	v3 =	vsel vm2, v4, v3  }
0x70: {  	v49 =	vld [tilespmem:s14+$0x6200];
	v4 =	vsel vm2, $0xF, v4;
	v43 =	vimm.s32 $0x0;
	vm13 =	vgt.f32 v46, v2  }
0x71: {  	v61 =	vld [tilespmem:$0x1FCF0];
	v3 =	vsel vm0, $0x10, v3;
	vm0 =	vnez.u8 v57;
	v57 =	vimm.s32 $0x0  }
0x72: {  	[tilespmem:$0x1FD50] =	vst v7;
	v7 =	vsel vm13, $0xFFFFFFFF, v50;
	v2 =	vsel vm13, v46, v2;
	vm13 =	vgt.f32 v46, v1  }
0x73: {  	v3 =	vsel vm1, v4, v3;
	v4 =	vsel vm1, $0x10, v4;
	v50 =	vimm.s32 $0x0  }
0x74: {  	v52 =	vld [tilespmem:s14+$0x6280];
	v2 =	vsel vm13, v1, v2;
	v1 =	vsel vm13, v46, v1;
	v3 =	vsel vm0, $0x11, v3  }
0x75: {  	v9 =	vld [tilespmem:$0x1FD00];
	v46 =	vimm.s32 $0x0;
	vm15 =	vgt.f32 v49, v2;
	v3 =	vsel vm3, v4, v3  }
0x76: {  	v4 =	vsel vm3, $0x11, v4;
	vm3 =	vnez.u8 v61;
	v61 =	vimm.s32 $0x0  }
0x77: {  	v12 =	vld [tilespmem:$0x1FD10];
	[tilespmem:$0x1FD60] =	vst v5;
	v5 =	vsel vm15, $0xFFFFFFFF, v53;
	v2 =	vsel vm15, v49, v2;
	vm15 =	vgt.f32 v49, v1  }
0x78: {  	v3 =	vsel vm3, $0x12, v3;
	v53 =	vimm.s32 $0x0;
	v2 =	vsel vm15, v1, v2  }
0x79: {  	v54 =	vld [tilespmem:s14+$0x6300];
	v1 =	vsel vm15, v49, v1;
	v3 =	vsel vm4, v4, v3;
	v4 =	vsel vm4, $0x12, v4  }
0x7a: {  	v15 =	vld [tilespmem:$0x1FD20];
	vm4 =	vnez.u8 v9;
	v9 =	vimm.s32 $0x0;
	vm14 =	vgt.f32 v52, v2  }
0x7b: {  	vm2 =	vgt.f32 v52, v1;
	v3 =	vsel vm4, $0x13, v3;
	v2 =	vsel vm14, v52, v2  }
0x7c: {  	v3 =	vsel vm5, v4, v3;
	v4 =	vsel vm5, $0x13, v4;
	vm5 =	vnez.u8 v12  }
0x7d: {  	v18 =	vld [tilespmem:$0x1FD30];
	v12 =	vimm.s32 $0x0;
	v2 =	vsel vm2, v1, v2;
	v3 =	vsel vm5, $0x14, v3  }
0x7e: {  	v56 =	vld [tilespmem:s14+$0x6380];
	v1 =	vsel vm2, v52, v1;
	vm0 =	vgt.f32 v54, v2;
	v3 =	vsel vm6, v4, v3  }
0x7f: {  	v4 =	vsel vm6, $0x14, v4;
	vm6 =	vnez.u8 v15;
	v15 =	vimm.s32 $0x0  }
0x80: {  	v21 =	vld [tilespmem:$0x1FD40];
	[tilespmem:$0x1FD80] =	vst v7;
	v7 =	vsel vm0, $0xFFFFFFFF, v58;
	v2 =	vsel vm0, v54, v2;
	vm0 =	vgt.f32 v54, v1  }
0x81: {  	v59 =	vld [tilespmem:s14+$0x8000];
	v3 =	vsel vm6, $0x15, v3;
	v2 =	vsel vm0, v1, v2;
	v1 =	vsel vm0, v54, v1  }
0x82: {  	v3 =	vsel vm7, v4, v3;
	v4 =	vsel vm7, $0x15, v4;
	vm7 =	vnez.u8 v18  }
0x83: {  	v24 =	vld [tilespmem:$0x1FD50];
	vm1 =	vgt.f32 v56, v2;
	vm3 =	vgt.f32 v56, v1;
	v3 =	vsel vm7, $0x16, v3  }
0x84: {  	v62 =	vld [tilespmem:s14+$0x8080];
	[tilespmem:$0x1FD90] =	vst v5;
	v5 =	vsel vm1, $0xFFFFFFFF, v60;
	v2 =	vsel vm1, v56, v2;
	v3 =	vsel vm8, v4, v3  }
0x85: {  	v4 =	vsel vm8, $0x16, v4;
	vm8 =	vnez.u8 v21;
	v2 =	vsel vm3, v1, v2  }
0x86: {  	v1 =	vsel vm3, v56, v1;
	v3 =	vsel vm8, $0x17, v3;
	vm1 =	vgt.f32 v59, v2  }
0x87: {  	v10 =	vld [tilespmem:s14+$0x8100];
	vm4 =	vgt.f32 v59, v1;
	v3 =	vsel vm9, v4, v3;
	v2 =	vsel vm1, v59, v2  }
0x88: {  	v27 =	vld [tilespmem:$0x1FD60];
	v4 =	vsel vm9, $0x17, v4;
	vm9 =	vnez.u8 v24;
	v2 =	vsel vm4, v1, v2  }
0x89: {  	[tilespmem:$0x1FD70] =	vst v6;
	v6 =	vsel vm1, $0xFFFFFFFF, v63;
	v1 =	vsel vm4, v59, v1;
	vm1 =	vgt.f32 v62, v2  }
0x8a: {  	v13 =	vld [tilespmem:s14+$0x8180];
	v3 =	vsel vm9, $0x18, v3;
	vm5 =	vgt.f32 v62, v1;
	v2 =	vsel vm1, v62, v2  }
0x8b: {  	v3 =	vsel vm10, v4, v3;
	v4 =	vsel vm10, $0x18, v4;
	v2 =	vsel vm5, v1, v2  }
0x8c: {  	[tilespmem:$0x1FDA0] =	vst v7;
	v7 =	vsel vm1, $0xFFFFFFFF, v11;
	v1 =	vsel vm5, v62, v1;
	vm1 =	vgt.f32 v10, v2  }
0x8d: {  	v16 =	vld [tilespmem:s14+$0x8200];
	vm10 =	vnez.u8 v27;
	vm6 =	vgt.f32 v10, v1;
	v2 =	vsel vm1, v10, v2  }
0x8e: {  	v30 =	vld [tilespmem:$0x1FD70];
	v18 =	vimm.s32 $0x0;
	v3 =	vsel vm10, $0x19, v3;
	v2 =	vsel vm6, v1, v2  }
0x8f: {  	[tilespmem:$0x1FDB0] =	vst v5;
	v5 =	vsel vm1, $0xFFFFFFFF, v14;
	v1 =	vsel vm6, v10, v1;
	vm1 =	vgt.f32 v13, v2  }
0x90: {  	v19 =	vld [tilespmem:s14+$0x8280];
	[tilespmem:$0x1FDC0] =	vst v6;
	v6 =	vsel vm1, $0xFFFFFFFF, v17;
	v2 =	vsel vm1, v13, v2;
	vm1 =	vgt.f32 v13, v1  }
0x91: {  	v60 =	vimm.s32 $0x0;
	v3 =	vsel vm11, v4, v3;
	v2 =	vsel vm1, v1, v2  }
0x92: {  	v34 =	vld [tilespmem:$0x1FD80];
	v4 =	vsel vm11, $0x19, v4;
	v1 =	vsel vm1, v13, v1;
	vm7 =	vgt.f32 v16, v2  }
0x93: {  	v22 =	vld [tilespmem:s14+$0x8300];
	vm11 =	vnez.u8 v30;
	vm8 =	vgt.f32 v16, v1;
	v2 =	vsel vm7, v16, v2  }
0x94: {  	v56 =	vimm.s32 $0x0;
	v3 =	vsel vm11, $0x1A, v3;
	v2 =	vsel vm8, v1, v2  }
0x95: {  	[tilespmem:$0x1FDD0] =	vst v7;
	v7 =	vsel vm7, $0xFFFFFFFF, v20;
	v1 =	vsel vm8, v16, v1;
	vm7 =	vgt.f32 v19, v2  }
0x96: {  	v25 =	vld [tilespmem:s14+$0x8380];
	v3 =	vsel vm12, v4, v3;
	vm9 =	vgt.f32 v19, v1;
	v2 =	vsel vm7, v19, v2  }
0x97: {  	v4 =	vsel vm12, $0x1A, v4;
	vm12 =	vnez.u8 v34;
	v2 =	vsel vm9, v1, v2  }
0x98: {  	[tilespmem:$0x1FDE0] =	vst v5;
	v5 =	vsel vm7, $0xFFFFFFFF, v23;
	v1 =	vsel vm9, v19, v1;
	vm7 =	vgt.f32 v22, v2  }
0x99: {  	v28 =	vld [tilespmem:s14+$0xA000];
	[tilespmem:$0x1FDF0] =	vst v6;
	v6 =	vsel vm7, $0xFFFFFFFF, v26;
	v2 =	vsel vm7, v22, v2;
	vm7 =	vgt.f32 v22, v1  }
0x9a: {  	v30 =	vimm.s32 $0x0;
	v3 =	vsel vm12, $0x1B, v3;
	v2 =	vsel vm7, v1, v2  }
0x9b: {  	v31 =	vld [tilespmem:s14+$0xA080];
	v3 =	vsel vm13, v4, v3;
	v1 =	vsel vm7, v22, v1;
	vm10 =	vgt.f32 v25, v2  }
0x9c: {  	v38 =	vld [tilespmem:$0x1FD90];
	[tilespmem:$0x1FE00] =	vst v7;
	v7 =	vsel vm10, $0xFFFFFFFF, v29;
	v2 =	vsel vm10, v25, v2;
	vm10 =	vgt.f32 v25, v1  }
0x9d: {  	v4 =	vsel vm13, $0x1B, v4;
	v26 =	vimm.s32 $0x0;
	v2 =	vsel vm10, v1, v2  }
0x9e: {  	v8 =	vsel vm10, $0xFFFFFFFF, v32;
	v1 =	vsel vm10, v25, v1;
	vm10 =	vgt.f32 v28, v2  }
0x9f: {  	[tilespmem:$0x1FE10] =	vst v5;
	v22 =	vimm.s32 $0x0;
	vm12 =	vgt.f32 v28, v1;
	v2 =	vsel vm10, v28, v2  }
0xa0: {  	v35 =	vld [tilespmem:s14+$0xA100];
	[tilespmem:$0x1FE40] =	vst v8;
	v5 =	vsel vm10, $0xFFFFFFFF, v33;
	v8 =	vsel vm12, $0xFFFFFFFF, v36;
	v2 =	vsel vm12, v1, v2  }
0xa1: {  	v44 =	vld [tilespmem:$0x1FDA0];
	v1 =	vsel vm12, v28, v1;
	vm12 =	vnez.u8 v38;
	vm13 =	vgt.f32 v31, v2  }
0xa2: {  	[tilespmem:$0x1FE20] =	vst v6;
	v33 =	vimm.s32 $0x0;
	v3 =	vsel vm12, $0x1C, v3;
	v6 =	vsel vm13, $0xFFFFFFFF, v37  }
0xa3: {  	v48 =	vld [tilespmem:$0x1FDB0];
	v2 =	vsel vm13, v31, v2;
	vm13 =	vgt.f32 v31, v1;
	v3 =	vsel vm15, v4, v3  }
0xa4: {  	v51 =	vld [tilespmem:$0x1FDC0];
	[tilespmem:$0x1FE60] =	vst v8;
	v4 =	vsel vm15, $0x1C, v4;
	v37 =	vimm.s32 $0x0;
	v8 =	vsel vm13, $0xFFFFFFFF, v40  }
0xa5: {  	v2 =	vsel vm13, v1, v2;
	v3 =	vsel vm14, $0x1D, v3;
	v1 =	vsel vm13, v31, v1  }
0xa6: {  	v39 =	vld [tilespmem:s14+$0xA180];
	vm14 =	vnez.u8 v44;
	v40 =	vimm.s32 $0x0;
	vm12 =	vgt.f32 v35, v2  }
0xa7: {  	vm15 =	vgt.f32 v35, v1;
	v3 =	vsel vm2, v4, v3;
	v4 =	vsel vm2, $0x1D, v4  }
0xa8: {  	[tilespmem:$0x1FE30] =	vst v7;
	v7 =	vsel vm12, $0xFFFFFFFF, v41;
	v2 =	vsel vm12, v35, v2;
	v3 =	vsel vm14, $0x1E, v3  }
0xa9: {  	v42 =	vld [tilespmem:s14+$0xA200];
	vm12 =	vnez.u8 v48;
	vm14 =	vnez.u8 v51;
	v2 =	vsel vm15, v1, v2  }
0xaa: {  	v58 =	vld [tilespmem:$0x1FDE0];
	v1 =	vsel vm15, v35, v1;
	v3 =	vsel vm0, v4, v3;
	v4 =	vsel vm0, $0x1E, v4  }
0xab: {  	v10 =	vld [tilespmem:$0x1FE00];
	[tilespmem:$0x1FE50] =	vst v5;
	vm13 =	vgt.f32 v39, v2;
	vm10 =	vgt.f32 v39, v1;
	v3 =	vsel vm12, $0x1F, v3  }
0xac: {  	v54 =	vld [tilespmem:$0x1FDD0];
	[tilespmem:$0x1FE80] =	vst v8;
	v5 =	vsel vm13, $0xFFFFFFFF, v43;
	v2 =	vsel vm13, v39, v2;
	v8 =	vsel vm10, $0xFFFFFFFF, v46  }
0xad: {  	v3 =	vsel vm3, v4, v3;
	v4 =	vsel vm3, $0x1F, v4;
	v43 =	vimm.s32 $0x0  }
0xae: {  	v45 =	vld [tilespmem:s14+$0xA280];
	v2 =	vsel vm10, v1, v2;
	v1 =	vsel vm10, v39, v1;
	v3 =	vsel vm14, $0x20, v3  }
0xaf: {  	vm14 =	vnez.u8 v58;
	vm11 =	vgt.f32 v42, v2;
	vm0 =	vgt.f32 v42, v1  }
0xb0: {  	v3 =	vsel vm4, v4, v3;
	v4 =	vsel vm4, $0x20, v4;
	vm4 =	vnez.u8 v10  }
0xb1: {  	v49 =	vld [tilespmem:s14+$0xA300];
	[tilespmem:$0x1FE70] =	vst v6;
	v6 =	vsel vm11, $0xFFFFFFFF, v47;
	v2 =	vsel vm11, v42, v2;
	vm11 =	vnez.u8 v54  }
0xb2: {  	v13 =	vld [tilespmem:$0x1FE10];
	v47 =	vimm.s32 $0x0;
	v2 =	vsel vm0, v1, v2;
	v1 =	vsel vm0, v42, v1  }
0xb3: {  	v3 =	vsel vm11, $0x21, v3;
	vm13 =	vgt.f32 v45, v2;
	vm3 =	vgt.f32 v45, v1  }
0xb4: {  	v62 =	vld [tilespmem:$0x1FDF0];
	v3 =	vsel vm5, v4, v3;
	v4 =	vsel vm5, $0x21, v4;
	v2 =	vsel vm13, v45, v2  }
0xb5: {  	v52 =	vld [tilespmem:s14+$0xA380];
	[tilespmem:$0x1FE90] =	vst v7;
	v7 =	vsel vm13, $0xFFFFFFFF, v50;
	v3 =	vsel vm14, $0x22, v3;
	v2 =	vsel vm3, v1, v2  }
0xb6: {  	v1 =	vsel vm3, v45, v1;
	v3 =	vsel vm6, v4, v3;
	v4 =	vsel vm6, $0x22, v4  }
0xb7: {  	[tilespmem:$0x1FEA0] =	vst v5;
	vm6 =	vnez.u8 v13;
	vm10 =	vgt.f32 v49, v2;
	vm12 =	vgt.f32 v49, v1  }
0xb8: {  	v19 =	vld [tilespmem:$0x1FE30];
	[tilespmem:$0x1FEB0] =	vst v8;
	v5 =	vsel vm10, $0xFFFFFFFF, v53;
	v2 =	vsel vm10, v49, v2;
	v8 =	vsel vm12, $0xFFFFFFFF, v56  }
0xb9: {  	v55 =	vld [tilespmem:s14+$0xC000];
	v2 =	vsel vm12, v1, v2;
	v1 =	vsel vm12, v49, v1;
	vm12 =	vnez.u8 v62  }
0xba: {  	[tilespmem:$0x1FEC0] =	vst v6;
	vm13 =	vgt.f32 v52, v2;
	vm10 =	vgt.f32 v52, v1;
	v3 =	vsel vm12, $0x23, v3  }
0xbb: {  	[tilespmem:$0x1FEF0] =	vst v8;
	v6 =	vsel vm13, $0xFFFFFFFF, v57;
	v2 =	vsel vm13, v52, v2;
	v8 =	vsel vm10, $0xFFFFFFFF, v60  }
0xbc: {  	v16 =	vld [tilespmem:$0x1FE20];
	v3 =	vsel vm1, v4, v3;
	v4 =	vsel vm1, $0x23, v4;
	v2 =	vsel vm10, v1, v2  }
0xbd: {  	v59 =	vld [tilespmem:s14+$0xC080];
	v1 =	vsel vm10, v52, v1;
	v3 =	vsel vm4, $0x24, v3;
	vm4 =	vnez.u8 v19  }
0xbe: {  	v52 =	vimm.s32 $0x0;
	vm11 =	vgt.f32 v55, v2;
	vm14 =	vgt.f32 v55, v1  }
0xbf: {  	v63 =	vld [tilespmem:s14+$0xC100];
	v3 =	vsel vm8, v4, v3;
	v4 =	vsel vm8, $0x24, v4;
	v2 =	vsel vm11, v55, v2  }
0xc0: {  	v23 =	vld [tilespmem:$0x1FE50];
	[tilespmem:$0x1FED0] =	vst v7;
	v7 =	vsel vm11, $0xFFFFFFFF, v61;
	v3 =	vsel vm6, $0x25, v3;
	v2 =	vsel vm14, v1, v2  }
0xc1: {  	v3 =	vsel vm9, v4, v3;
	v4 =	vsel vm9, $0x25, v4;
	vm9 =	vnez.u8 v16  }
0xc2: {  	v21 =	vld [tilespmem:$0x1FE40];
	v1 =	vsel vm14, v55, v1;
	vm13 =	vgt.f32 v59, v2;
	v3 =	vsel vm9, $0x26, v3  }
0xc3: {  	v11 =	vld [tilespmem:s14+$0xC180];
	[tilespmem:$0x1FEE0] =	vst v5;
	v5 =	vsel vm13, $0xFFFFFFFF, v9;
	v2 =	vsel vm13, v59, v2;
	vm13 =	vgt.f32 v59, v1  }
0xc4: {  	v3 =	vsel vm7, v4, v3;
	v4 =	vsel vm7, $0x26, v4;
	v2 =	vsel vm13, v1, v2  }
0xc5: {  	v14 =	vld [tilespmem:s14+$0xC200];
	vm7 =	vnez.u8 v23;
	v1 =	vsel vm13, v59, v1;
	vm5 =	vgt.f32 v63, v2  }
0xc6: {  	v25 =	vld [tilespmem:$0x1FE60];
	v3 =	vsel vm4, $0x27, v3;
	vm12 =	vgt.f32 v63, v1;
	v2 =	vsel vm5, v63, v2  }
0xc7: {  	[tilespmem:$0x1FF00] =	vst v6;
	v6 =	vsel vm5, $0xFFFFFFFF, v12;
	vm5 =	vnez.u8 v21;
	v2 =	vsel vm12, v1, v2  }
0xc8: {  	v27 =	vld [tilespmem:$0x1FE70];
	v1 =	vsel vm12, v63, v1;
	v3 =	vsel vm5, v4, v3;
	vm8 =	vgt.f32 v11, v2  }
0xc9: {  	v17 =	vld [tilespmem:s14+$0xC280];
	v4 =	vsel vm5, $0x27, v4;
	vm11 =	vgt.f32 v11, v1;
	v2 =	vsel vm8, v11, v2  }
0xca: {  	[tilespmem:$0x1FF20] =	vst v7;
	v3 =	vsel vm7, $0x28, v3;
	v7 =	vsel vm8, $0xFFFFFFFF, v15;
	v2 =	vsel vm11, v1, v2  }
0xcb: {  	v29 =	vld [tilespmem:$0x1FE80];
	vm8 =	vnez.u8 v25;
	v1 =	vsel vm11, v11, v1;
	vm10 =	vgt.f32 v14, v2  }
0xcc: {  	v20 =	vld [tilespmem:s14+$0xC300];
	[tilespmem:$0x1FF30] =	vst v5;
	v5 =	vsel vm10, $0xFFFFFFFF, v18;
	v2 =	vsel vm10, v14, v2;
	vm10 =	vgt.f32 v14, v1  }
0xcd: {  	v34 =	vld [tilespmem:$0x1FEA0];
	vm5 =	vnez.u8 v27;
	v3 =	vsel vm8, v4, v3;
	v2 =	vsel vm10, v1, v2  }
0xce: {  	v31 =	vld [tilespmem:$0x1FE90];
	v4 =	vsel vm8, $0x28, v4;
	v1 =	vsel vm10, v14, v1;
	vm6 =	vgt.f32 v17, v2  }
0xcf: {  	v3 =	vsel vm5, $0x29, v3;
	vm9 =	vgt.f32 v17, v1;
	v2 =	vsel vm6, v17, v2  }
0xd0: {  	v24 =	vld [tilespmem:s14+$0xC380];
	[tilespmem:$0x1FF40] =	vst v6;
	v6 =	vsel vm6, $0xFFFFFFFF, v22;
	vm6 =	vnez.u8 v29;
	v2 =	vsel vm9, v1, v2  }
0xd1: {  	v1 =	vsel vm9, v17, v1;
	v3 =	vsel vm6, v4, v3;
	v4 =	vsel vm6, $0x29, v4  }
0xd2: {  	v36 =	vld [tilespmem:$0x1FEB0];
	vm6 =	vnez.u8 v34;
	vm4 =	vgt.f32 v20, v2;
	vm8 =	vgt.f32 v20, v1  }
0xd3: {  	v28 =	vld [tilespmem:s14+$0xE000];
	[tilespmem:$0x1FF50] =	vst v7;
	v7 =	vsel vm4, $0xFFFFFFFF, v26;
	v2 =	vsel vm4, v20, v2;
	vm4 =	vnez.u8 v31  }
0xd4: {  	v2 =	vsel vm8, v1, v2;
	v1 =	vsel vm8, v20, v1;
	v3 =	vsel vm4, $0x2A, v3  }
0xd5: {  	v38 =	vld [tilespmem:$0x1FEC0];
	vm7 =	vgt.f32 v24, v2;
	v3 =	vsel vm15, v4, v3;
	v4 =	vsel vm15, $0x2A, v4  }
0xd6: {  	v32 =	vld [tilespmem:s14+$0xE080];
	[tilespmem:$0x1FF60] =	vst v5;
	v5 =	vsel vm7, $0xFFFFFFFF, v30;
	v2 =	vsel vm7, v24, v2;
	vm7 =	vgt.f32 v24, v1  }
0xd7: {  	[tilespmem:$0x1FF10] =	vst v8;
	vm15 =	vnez.u8 v36;
	v3 =	vsel vm6, $0x2B, v3;
	v2 =	vsel vm7, v1, v2  }
0xd8: {  	v50 =	vld [tilespmem:$0x1FF10];
	v1 =	vsel vm7, v24, v1;
	v3 =	vsel vm15, v4, v3;
	vm5 =	vgt.f32 v28, v2  }
0xd9: {  	v41 =	vld [tilespmem:$0x1FED0];
	v4 =	vsel vm15, $0x2B, v4;
	vm6 =	vgt.f32 v28, v1;
	v2 =	vsel vm5, v28, v2  }
0xda: {  	v35 =	vld [tilespmem:s14+$0xE100];
	[tilespmem:$0x1FF70] =	vst v6;
	v6 =	vsel vm5, $0xFFFFFFFF, v33;
	vm5 =	vnez.u8 v38;
	v2 =	vsel vm6, v1, v2  }
0xdb: {  	v1 =	vsel vm6, v28, v1;
	v3 =	vsel vm5, $0x2C, v3;
	vm4 =	vgt.f32 v32, v2  }
0xdc: {  	v44 =	vld [tilespmem:$0x1FEE0];
	vm5 =	vgt.f32 v32, v1;
	v3 =	vsel vm0, v4, v3;
	v4 =	vsel vm0, $0x2C, v4  }
0xdd: {  	v46 =	vld [tilespmem:$0x1FEF0];
	[tilespmem:$0x1FF80] =	vst v7;
	vm0 =	vnez.u8 v50;
	v7 =	vsel vm4, $0xFFFFFFFF, v37;
	v2 =	vsel vm4, v32, v2  }
0xde: {  	v39 =	vld [tilespmem:s14+$0xE180];
	vm4 =	vnez.u8 v41;
	v2 =	vsel vm5, v1, v2;
	v1 =	vsel vm5, v32, v1  }
0xdf: {  	v48 =	vld [tilespmem:$0x1FF00];
	v3 =	vsel vm4, $0x2D, v3;
	vm15 =	vgt.f32 v35, v2;
	vm4 =	vgt.f32 v35, v1  }
0xe0: {  	v51 =	vld [tilespmem:$0x1FF20];
	v3 =	vsel vm3, v4, v3;
	v4 =	vsel vm3, $0x2D, v4;
	v2 =	vsel vm15, v35, v2  }
0xe1: {  	[tilespmem:$0x1FF90] =	vst v5;
	v5 =	vsel vm15, $0xFFFFFFFF, v40;
	vm15 =	vnez.u8 v44;
	v2 =	vsel vm4, v1, v2  }
0xe2: {  	v42 =	vld [tilespmem:s14+$0xE200];
	v1 =	vsel vm4, v35, v1;
	v3 =	vsel vm15, $0x2E, v3;
	vm15 =	vnez.u8 v46  }
0xe3: {  	vm1 =	vgt.f32 v39, v2;
	vm3 =	vgt.f32 v39, v1;
	v3 =	vsel vm15, v4, v3  }
0xe4: {  	v45 =	vld [tilespmem:s14+$0xE280];
	[tilespmem:$0x1FFA0] =	vst v6;
	v4 =	vsel vm15, $0x2E, v4;
	vm15 =	vnez.u8 v48;
	v6 =	vsel vm1, $0xFFFFFFFF, v43  }
0xe5: {  	v54 =	vld [tilespmem:$0x1FF30];
	v2 =	vsel vm1, v39, v2;
	v3 =	vsel vm15, $0x2F, v3;
	vm15 =	vnez.u8 v51  }
0xe6: {  	v2 =	vsel vm3, v1, v2;
	v1 =	vsel vm3, v39, v1;
	v3 =	vsel vm0, v4, v3  }
0xe7: {  	v49 =	vld [tilespmem:s14+$0xE300];
	v4 =	vsel vm0, $0x2F, v4;
	vm1 =	vgt.f32 v42, v2;
	vm2 =	vgt.f32 v42, v1  }
0xe8: {  	v55 =	vld [tilespmem:$0x1FF40];
	[tilespmem:$0x1FFB0] =	vst v7;
	v3 =	vsel vm15, $0x30, v3;
	v7 =	vsel vm1, $0xFFFFFFFF, v47;
	v2 =	vsel vm1, v42, v2  }
0xe9: {  	v3 =	vsel vm14, v4, v3;
	v4 =	vsel vm14, $0x30, v4;
	v2 =	vsel vm2, v1, v2  }
0xea: {  	v56 =	vld [tilespmem:$0x1FF50];
	vm14 =	vnez.u8 v54;
	v1 =	vsel vm2, v42, v1;
	vm15 =	vgt.f32 v45, v2  }
0xeb: {  	v53 =	vld [tilespmem:s14+$0xE380];
	v3 =	vsel vm14, $0x31, v3;
	vm1 =	vgt.f32 v45, v1;
	v2 =	vsel vm15, v45, v2  }
0xec: {  	v3 =	vsel vm13, v4, v3;
	v4 =	vsel vm13, $0x31, v4;
	v2 =	vsel vm1, v1, v2  }
0xed: {  	vm13 =	vnez.u8 v55;
	v1 =	vsel vm1, v45, v1;
	vm14 =	vgt.f32 v49, v2  }
0xee: {  	v57 =	vld [tilespmem:$0x1FF60];
	[tilespmem:$0x1FFC0] =	vst v5;
	v5 =	vsel vm15, $0xFFFFFFFF, v52;
	vm0 =	vgt.f32 v49, v1;
	v2 =	vsel vm14, v49, v2  }
0xef: {  	v3 =	vsel vm13, $0x32, v3;
	vm15 =	vnez.u8 v56;
	v2 =	vsel vm0, v1, v2  }
0xf0: {  	v58 =	vld [tilespmem:$0x1FF70];
	v3 =	vsel vm12, v4, v3;
	v1 =	vsel vm0, v49, v1;
	vm13 =	vgt.f32 v53, v2  }
0xf1: {  	v4 =	vsel vm12, $0x32, v4;
	vm12 =	vgt.f32 v53, v1;
	v2 =	vsel vm13, v53, v2  }
0xf2: {  	v3 =	vsel vm15, $0x33, v3;
	v2 =	vsel vm12, v1, v2;
	v1 =	vsel vm12, v53, v1  }
0xf3: {  	vm15 =	vnez.u8 v57;
	v1 =	vsub.f32 v2, v1;
	v2 =	vsel vm11, v4, v3  }
0xf4: {  	v3 =	vsel vm11, $0x33, v4;
	v2 =	vsel vm15, $0x34, v2  }
0xf5: {  	vm15 =	vnez.u8 v58;
	v2 =	vsel vm10, v3, v2;
	v1 =	vmul.f32 $1.442695020e+00, v1  }
0xf6: {  	v3 =	vsel vm10, $0x34, v3;
	v2 =	vsel vm15, $0x35, v2  }
0xf7: {  	(erf) = vpow2.f32 v1;
	v1 =	vsel vm9, v3, v2;
	v2 =	vsel vm9, $0x35, v3;
	v3 =	vld [tilespmem:$0x1FF80];
	_ =	sdelay $0x4  }
0xf8: {  	vm15 =	vnez.u8 v3;
	v3 =	vld [tilespmem:$0x1FF90];
	_ =	sdelay $0x4  }
0xf9: {  	v1 =	vsel vm15, $0x36, v1;
	vm15 =	vnez.u8 v3;
	v3 =	vld [tilespmem:$0x1FFA0];
	_ =	sdelay $0x4  }
0xfa: {  	vm11 =	vnez.u8 v3;
	v3 =	vld [tilespmem:$0x1FFB0];
	_ =	sdelay $0x3  }
0xfb: {  	v1 =	vsel vm8, v2, v1  }
0xfc: {  	v2 =	vsel vm8, $0x36, v2;
	v1 =	vsel vm15, $0x37, v1;
	vm15 =	vnez.u8 v3;
	v3 =	vld [tilespmem:$0x1FFC0]  }
0xfd: {  	[tilespmem:$0x1FFD0] =	vst v6;
	v1 =	vsel vm7, v2, v1  }
0xfe: {  	v60 =	vld [tilespmem:$0x1FFD0];
	v2 =	vsel vm7, $0x37, v2;
	v1 =	vsel vm11, $0x38, v1  }
0xff: {  	[tilespmem:$0x1FFE0] =	vst v7;
	v1 =	vsel vm6, v2, v1  }
0x100: {  	v61 =	vld [tilespmem:$0x1FFE0];
	v2 =	vsel vm6, $0x38, v2;
	v1 =	vsel vm15, $0x39, v1  }
0x101: {  	[tilespmem:$0x1FFF0] =	vst v5;
	v1 =	vsel vm5, v2, v1;
	vm9 =	vnez.u8 v3  }
0x102: {  	v62 =	vld [tilespmem:$0x1FFF0];
	v2 =	vsel vm5, $0x39, v2;
	v1 =	vsel vm9, $0x3A, v1  }
0x103: {  	vm10 =	vnez.u8 v60;
	v1 =	vsel vm4, v2, v1  }
0x104: {  	v3 =	vpop (erf);
	v2 =	vsel vm4, $0x3A, v2;
	v1 =	vsel vm10, $0x3B, v1  }
0x105: {  	vm11 =	vnez.u8 v61;
	v59 =	vadd.f32 $1.000000000e+00, v3;
	v1 =	vsel vm3, v2, v1  }
0x106: {  	v2 =	vsel vm3, $0x3B, v2;
	v1 =	vsel vm11, $0x3C, v1  }
0x107: {  	vm15 =	vnez.u8 v62;
	(erf) = vrcp.f32 v59;
	v1 =	vsel vm2, v2, v1  }
0x108: {  	v2 =	vsel vm2, $0x3C, v2;
	v1 =	vsel vm15, $0x3D, v1  }
0x109: {  	v1 =	vsel vm1, v2, v1  }
0x10a: {  	v2 =	vsel vm1, $0x3D, v2;
	v1 =	vsel vm14, $0x3E, v1  }
0x10b: {  	v1 =	vsel vm0, v2, v1  }
0x10c: {  	s31 =	simm.s32 $0x0;
	v63 =	vsel vm0, $0x3E, v2;
	v1 =	vsel vm13, $0x3F, v1  }
0x10d: {  	s14 =	sand.u32 $0xFFFFFF00, s31;
	v1 =	vsel vm12, v63, v1  }
0x10e: {  	s19 =	sor.u32 s13, s14;
	v2 =	vsel vm12, $0x3F, v63  }
0x10f: {  	[tilespmem:s19+$0x10800] =	vst v2  }
0x110: {  	s17 =	simm.s32 $0x80;
	s15 =	simm.s32 $0x10;
	s16 =	simm.s32 $0x2;
	[tilespmem:s19+$0x10880] =	vst v1;
	v1 =	vpop (erf)  }
0x111: {  	s17 =	sand.u32 $0x3FFFFC00, s17;
	s13 =	simm.s32 $0x1;
	s14 =	sand.u32 $0x70, s15;
	[tilespmem:s19+$0x10000] =	vst v1;
	v1 =	vmul.f32 v1, v3  }
.LBB2_2:
0x112: {  	p0 =	sne.s32 s16, $0x3F  }
0x113: {  	s18 =	sor.u32 s14, s17;
	s17 =	smov.u32 s16;
	s16 =	sadd.s32 $0x1, s16  }
0x114: {  	[tilespmem:s19+$0x10080] =	vst v1  }
0x115: {  	v1 =	vld [tilespmem:s18+$0x0]  }
0x116: {  	v2 =	vld [tilespmem:s18+$0x80];
	_ =	sdelay $0x3  }
0x117: {  	vm0 =	vgt.f32 v1, $-Inf;
	v3 =	vld [tilespmem:s18+$0x100]  }
0x118: {  	v1 =	vnsel vm0, $0xFF800000, v1;
	vm0 =	vlt.f32 v2, $-Inf;
	vm1 =	vgt.f32 v2, $-Inf  }
0x119: {  	vm2 =	vgt.f32 v2, v1;
	vm0 =	vmor vm1, vm0  }
0x11a: {  	vm1 =	vmneg vm2;
	v4 =	vnsel vm0, $0xFF800000, v2;
	v5 =	vld [tilespmem:s18+$0x180]  }
0x11b: {  	v4 =	vsel vm1, v4, v1;
	vm0 =	vmand vm0, vm1;
	v1 =	vsel vm1, v1, v2  }
0x11c: {  	v6 =	vsel vm2, $0x1, v0;
	v2 =	vsel vm0, $0x1, v0;
	vm0 =	vgt.f32 v3, v4  }
0x11d: {  	vm1 =	vgt.f32 v3, v1;
	v4 =	vsel vm0, v3, v4;
	v2 =	vsel vm0, $0x2, v2;
	v7 =	vld [tilespmem:s18+$0x200]  }
0x11e: {  	v4 =	vsel vm1, v1, v4;
	v2 =	vsel vm1, v6, v2;
	v1 =	vsel vm1, v3, v1  }
0x11f: {  	v3 =	vsel vm1, $0x2, v6;
	vm0 =	vgt.f32 v5, v4  }
0x120: {  	vm1 =	vgt.f32 v5, v1;
	v4 =	vsel vm0, v5, v4;
	v2 =	vsel vm0, $0x3, v2;
	v6 =	vld [tilespmem:s18+$0x280]  }
0x121: {  	v4 =	vsel vm1, v1, v4;
	v2 =	vsel vm1, v3, v2;
	v1 =	vsel vm1, v5, v1  }
0x122: {  	v3 =	vsel vm1, $0x3, v3;
	vm0 =	vgt.f32 v7, v4  }
0x123: {  	vm1 =	vgt.f32 v7, v1;
	v4 =	vsel vm0, v7, v4;
	v2 =	vsel vm0, $0x4, v2;
	v5 =	vld [tilespmem:s18+$0x300]  }
0x124: {  	v4 =	vsel vm1, v1, v4;
	v2 =	vsel vm1, v3, v2;
	v1 =	vsel vm1, v7, v1  }
0x125: {  	vm0 =	vgt.f32 v6, v4  }
0x126: {  	vm2 =	vgt.f32 v6, v1;
	v4 =	vsel vm0, v6, v4;
	v2 =	vsel vm0, $0x5, v2;
	v7 =	vld [tilespmem:s18+$0x380]  }
0x127: {  	v4 =	vsel vm2, v1, v4;
	v1 =	vsel vm2, v6, v1  }
0x128: {  	v3 =	vsel vm1, $0x4, v3;
	vm0 =	vgt.f32 v5, v4  }
0x129: {  	v6 =	vsel vm2, $0x5, v3;
	vm1 =	vgt.f32 v5, v1;
	v4 =	vsel vm0, v5, v4;
	v8 =	vld [tilespmem:s18+$0x2000]  }
0x12a: {  	v2 =	vsel vm2, v3, v2;
	v3 =	vsel vm1, v1, v4;
	v1 =	vsel vm1, v5, v1  }
0x12b: {  	v2 =	vsel vm0, $0x6, v2;
	v4 =	vsel vm1, $0x6, v6;
	vm0 =	vgt.f32 v7, v3  }
0x12c: {  	v2 =	vsel vm1, v6, v2;
	vm1 =	vgt.f32 v7, v1;
	v3 =	vsel vm0, v7, v3;
	v5 =	vld [tilespmem:s18+$0x2080]  }
0x12d: {  	v2 =	vsel vm0, $0x7, v2;
	v3 =	vsel vm1, v1, v3;
	v1 =	vsel vm1, v7, v1  }
0x12e: {  	v2 =	vsel vm1, v4, v2;
	vm0 =	vgt.f32 v8, v3  }
0x12f: {  	vm2 =	vgt.f32 v8, v1;
	v3 =	vsel vm0, v8, v3;
	v2 =	vsel vm0, $0x8, v2;
	v6 =	vld [tilespmem:s18+$0x2100]  }
0x130: {  	v4 =	vsel vm1, $0x7, v4;
	v3 =	vsel vm2, v1, v3;
	v1 =	vsel vm2, v8, v1  }
0x131: {  	v2 =	vsel vm2, v4, v2;
	v4 =	vsel vm2, $0x8, v4;
	vm0 =	vgt.f32 v5, v3  }
0x132: {  	vm1 =	vgt.f32 v5, v1;
	v3 =	vsel vm0, v5, v3;
	v2 =	vsel vm0, $0x9, v2;
	v7 =	vld [tilespmem:s18+$0x2180]  }
0x133: {  	v3 =	vsel vm1, v1, v3;
	v2 =	vsel vm1, v4, v2;
	v1 =	vsel vm1, v5, v1  }
0x134: {  	vm0 =	vgt.f32 v6, v3  }
0x135: {  	vm2 =	vgt.f32 v6, v1;
	v3 =	vsel vm0, v6, v3;
	v2 =	vsel vm0, $0xA, v2;
	v5 =	vld [tilespmem:s18+$0x2200]  }
0x136: {  	v4 =	vsel vm1, $0x9, v4;
	v3 =	vsel vm2, v1, v3;
	v1 =	vsel vm2, v6, v1  }
0x137: {  	v2 =	vsel vm2, v4, v2;
	v4 =	vsel vm2, $0xA, v4;
	vm0 =	vgt.f32 v7, v3  }
0x138: {  	vm1 =	vgt.f32 v7, v1;
	v3 =	vsel vm0, v7, v3;
	v2 =	vsel vm0, $0xB, v2;
	v6 =	vld [tilespmem:s18+$0x2280]  }
0x139: {  	v3 =	vsel vm1, v1, v3;
	v2 =	vsel vm1, v4, v2;
	v1 =	vsel vm1, v7, v1  }
0x13a: {  	v4 =	vsel vm1, $0xB, v4;
	vm0 =	vgt.f32 v5, v3  }
0x13b: {  	vm1 =	vgt.f32 v5, v1;
	v3 =	vsel vm0, v5, v3;
	v2 =	vsel vm0, $0xC, v2;
	v7 =	vld [tilespmem:s18+$0x2300]  }
0x13c: {  	v3 =	vsel vm1, v1, v3;
	v2 =	vsel vm1, v4, v2;
	v1 =	vsel vm1, v5, v1  }
0x13d: {  	v4 =	vsel vm1, $0xC, v4;
	vm0 =	vgt.f32 v6, v3  }
0x13e: {  	vm1 =	vgt.f32 v6, v1;
	v3 =	vsel vm0, v6, v3;
	v2 =	vsel vm0, $0xD, v2;
	v5 =	vld [tilespmem:s18+$0x2380]  }
0x13f: {  	v3 =	vsel vm1, v1, v3;
	v2 =	vsel vm1, v4, v2  }
0x140: {  	v1 =	vsel vm1, v6, v1;
	v4 =	vsel vm1, $0xD, v4;
	vm0 =	vgt.f32 v7, v3  }
0x141: {  	vm1 =	vgt.f32 v7, v1;
	v3 =	vsel vm0, v7, v3;
	v2 =	vsel vm0, $0xE, v2;
	v6 =	vld [tilespmem:s18+$0x4000]  }
0x142: {  	v3 =	vsel vm1, v1, v3;
	v2 =	vsel vm1, v4, v2;
	v4 =	vsel vm1, $0xE, v4  }
0x143: {  	v1 =	vsel vm1, v7, v1;
	vm0 =	vgt.f32 v5, v3  }
0x144: {  	vm1 =	vgt.f32 v5, v1;
	v3 =	vsel vm0, v5, v3;
	v2 =	vsel vm0, $0xF, v2;
	v7 =	vld [tilespmem:s18+$0x4080]  }
0x145: {  	v3 =	vsel vm1, v1, v3;
	v2 =	vsel vm1, v4, v2;
	v4 =	vsel vm1, $0xF, v4  }
0x146: {  	v1 =	vsel vm1, v5, v1;
	vm0 =	vgt.f32 v6, v3  }
0x147: {  	vm1 =	vgt.f32 v6, v1;
	v3 =	vsel vm0, v6, v3;
	v2 =	vsel vm0, $0x10, v2;
	v5 =	vld [tilespmem:s18+$0x4100]  }
0x148: {  	v3 =	vsel vm1, v1, v3;
	v2 =	vsel vm1, v4, v2;
	v1 =	vsel vm1, v6, v1  }
0x149: {  	vm0 =	vgt.f32 v7, v3  }
0x14a: {  	vm2 =	vgt.f32 v7, v1;
	v3 =	vsel vm0, v7, v3;
	v6 =	vld [tilespmem:s18+$0x4180]  }
0x14b: {  	v3 =	vsel vm2, v1, v3  }
0x14c: {  	v2 =	vsel vm0, $0x11, v2;
	v1 =	vsel vm2, v7, v1;
	vm0 =	vgt.f32 v5, v3  }
0x14d: {  	v4 =	vsel vm1, $0x10, v4;
	vm1 =	vgt.f32 v5, v1;
	v3 =	vsel vm0, v5, v3;
	v7 =	vld [tilespmem:s18+$0x4200]  }
0x14e: {  	v2 =	vsel vm2, v4, v2;
	v4 =	vsel vm2, $0x11, v4;
	v3 =	vsel vm1, v1, v3  }
0x14f: {  	v1 =	vsel vm1, v5, v1;
	v5 =	vsel vm1, $0x12, v4;
	vm2 =	vgt.f32 v6, v3  }
0x150: {  	v2 =	vsel vm0, $0x12, v2;
	vm0 =	vgt.f32 v6, v1;
	v3 =	vsel vm2, v6, v3;
	v8 =	vld [tilespmem:s18+$0x4280]  }
0x151: {  	v2 =	vsel vm1, v4, v2;
	v3 =	vsel vm0, v1, v3  }
0x152: {  	v4 =	vsel vm0, $0x13, v5;
	v1 =	vsel vm0, v6, v1;
	vm1 =	vgt.f32 v7, v3  }
0x153: {  	v2 =	vsel vm2, $0x13, v2;
	vm2 =	vgt.f32 v7, v1;
	v3 =	vsel vm1, v7, v3;
	v6 =	vld [tilespmem:s18+$0x4300]  }
0x154: {  	v2 =	vsel vm0, v5, v2;
	v3 =	vsel vm2, v1, v3;
	v1 =	vsel vm2, v7, v1  }
0x155: {  	v2 =	vsel vm1, $0x14, v2;
	v5 =	vsel vm2, $0x14, v4;
	vm0 =	vgt.f32 v8, v3  }
0x156: {  	v2 =	vsel vm2, v4, v2;
	vm1 =	vgt.f32 v8, v1;
	v3 =	vsel vm0, v8, v3;
	v4 =	vld [tilespmem:s18+$0x4380]  }
0x157: {  	v2 =	vsel vm0, $0x15, v2;
	v3 =	vsel vm1, v1, v3;
	v1 =	vsel vm1, v8, v1  }
0x158: {  	v2 =	vsel vm1, v5, v2;
	v5 =	vsel vm1, $0x15, v5;
	vm0 =	vgt.f32 v6, v3  }
0x159: {  	vm1 =	vgt.f32 v6, v1;
	v3 =	vsel vm0, v6, v3;
	v2 =	vsel vm0, $0x16, v2;
	v7 =	vld [tilespmem:s18+$0x6000]  }
0x15a: {  	v3 =	vsel vm1, v1, v3;
	v2 =	vsel vm1, v5, v2;
	v1 =	vsel vm1, v6, v1  }
0x15b: {  	v5 =	vsel vm1, $0x16, v5;
	vm0 =	vgt.f32 v4, v3  }
0x15c: {  	vm1 =	vgt.f32 v4, v1;
	v3 =	vsel vm0, v4, v3;
	v2 =	vsel vm0, $0x17, v2;
	v6 =	vld [tilespmem:s18+$0x6080]  }
0x15d: {  	v3 =	vsel vm1, v1, v3;
	v2 =	vsel vm1, v5, v2;
	v1 =	vsel vm1, v4, v1  }
0x15e: {  	v4 =	vsel vm1, $0x17, v5;
	vm0 =	vgt.f32 v7, v3  }
0x15f: {  	vm1 =	vgt.f32 v7, v1;
	v3 =	vsel vm0, v7, v3;
	v2 =	vsel vm0, $0x18, v2;
	v5 =	vld [tilespmem:s18+$0x6100]  }
0x160: {  	v3 =	vsel vm1, v1, v3;
	v2 =	vsel vm1, v4, v2;
	v4 =	vsel vm1, $0x18, v4  }
0x161: {  	v1 =	vsel vm1, v7, v1;
	vm0 =	vgt.f32 v6, v3  }
0x162: {  	vm1 =	vgt.f32 v6, v1;
	v3 =	vsel vm0, v6, v3;
	v2 =	vsel vm0, $0x19, v2;
	v7 =	vld [tilespmem:s18+$0x6180]  }
0x163: {  	v3 =	vsel vm1, v1, v3;
	v2 =	vsel vm1, v4, v2;
	v4 =	vsel vm1, $0x19, v4  }
0x164: {  	v1 =	vsel vm1, v6, v1;
	vm0 =	vgt.f32 v5, v3  }
0x165: {  	vm1 =	vgt.f32 v5, v1;
	v3 =	vsel vm0, v5, v3;
	v2 =	vsel vm0, $0x1A, v2;
	v6 =	vld [tilespmem:s18+$0x6200]  }
0x166: {  	v3 =	vsel vm1, v1, v3;
	v1 =	vsel vm1, v5, v1;
	v5 =	vsel vm1, $0x1A, v4  }
0x167: {  	v2 =	vsel vm1, v4, v2;
	vm0 =	vgt.f32 v7, v3  }
0x168: {  	vm1 =	vgt.f32 v7, v1;
	v3 =	vsel vm0, v7, v3;
	v2 =	vsel vm0, $0x1B, v2;
	v4 =	vld [tilespmem:s18+$0x6280]  }
0x169: {  	v3 =	vsel vm1, v1, v3;
	v1 =	vsel vm1, v7, v1;
	v7 =	vsel vm1, $0x1B, v5  }
0x16a: {  	v2 =	vsel vm1, v5, v2;
	vm0 =	vgt.f32 v6, v3  }
0x16b: {  	vm1 =	vgt.f32 v6, v1;
	v3 =	vsel vm0, v6, v3;
	v2 =	vsel vm0, $0x1C, v2;
	v5 =	vld [tilespmem:s18+$0x6300]  }
0x16c: {  	v3 =	vsel vm1, v1, v3;
	v2 =	vsel vm1, v7, v2  }
0x16d: {  	v1 =	vsel vm1, v6, v1;
	vm0 =	vgt.f32 v4, v3  }
0x16e: {  	vm2 =	vgt.f32 v4, v1;
	v3 =	vsel vm0, v4, v3;
	v2 =	vsel vm0, $0x1D, v2;
	v6 =	vld [tilespmem:s18+$0x6380]  }
0x16f: {  	v7 =	vsel vm1, $0x1C, v7;
	v3 =	vsel vm2, v1, v3;
	v1 =	vsel vm2, v4, v1  }
0x170: {  	v2 =	vsel vm2, v7, v2;
	v4 =	vsel vm2, $0x1D, v7;
	vm0 =	vgt.f32 v5, v3  }
0x171: {  	vm1 =	vgt.f32 v5, v1;
	v3 =	vsel vm0, v5, v3;
	v2 =	vsel vm0, $0x1E, v2;
	v7 =	vld [tilespmem:s18+$0x8000]  }
0x172: {  	v3 =	vsel vm1, v1, v3;
	v2 =	vsel vm1, v4, v2;
	v1 =	vsel vm1, v5, v1  }
0x173: {  	v4 =	vsel vm1, $0x1E, v4;
	vm0 =	vgt.f32 v6, v3  }
0x174: {  	vm1 =	vgt.f32 v6, v1;
	v3 =	vsel vm0, v6, v3;
	v2 =	vsel vm0, $0x1F, v2;
	v5 =	vld [tilespmem:s18+$0x8080]  }
0x175: {  	v3 =	vsel vm1, v1, v3;
	v2 =	vsel vm1, v4, v2;
	v4 =	vsel vm1, $0x1F, v4  }
0x176: {  	v1 =	vsel vm1, v6, v1;
	vm0 =	vgt.f32 v7, v3  }
0x177: {  	vm1 =	vgt.f32 v7, v1;
	v3 =	vsel vm0, v7, v3;
	v2 =	vsel vm0, $0x20, v2;
	v6 =	vld [tilespmem:s18+$0x8100]  }
0x178: {  	v3 =	vsel vm1, v1, v3;
	v2 =	vsel vm1, v4, v2;
	v4 =	vsel vm1, $0x20, v4  }
0x179: {  	v1 =	vsel vm1, v7, v1;
	vm0 =	vgt.f32 v5, v3  }
0x17a: {  	vm1 =	vgt.f32 v5, v1;
	v3 =	vsel vm0, v5, v3;
	v2 =	vsel vm0, $0x21, v2;
	v7 =	vld [tilespmem:s18+$0x8180]  }
0x17b: {  	v3 =	vsel vm1, v1, v3;
	v2 =	vsel vm1, v4, v2;
	v1 =	vsel vm1, v5, v1  }
0x17c: {  	v4 =	vsel vm1, $0x21, v4;
	vm0 =	vgt.f32 v6, v3  }
0x17d: {  	vm1 =	vgt.f32 v6, v1;
	v3 =	vsel vm0, v6, v3;
	v2 =	vsel vm0, $0x22, v2;
	v5 =	vld [tilespmem:s18+$0x8200]  }
0x17e: {  	v3 =	vsel vm1, v1, v3;
	v2 =	vsel vm1, v4, v2;
	v1 =	vsel vm1, v6, v1  }
0x17f: {  	v4 =	vsel vm1, $0x22, v4;
	vm0 =	vgt.f32 v7, v3  }
0x180: {  	vm1 =	vgt.f32 v7, v1;
	v3 =	vsel vm0, v7, v3;
	v2 =	vsel vm0, $0x23, v2;
	v6 =	vld [tilespmem:s18+$0x8280]  }
0x181: {  	v3 =	vsel vm1, v1, v3;
	v2 =	vsel vm1, v4, v2;
	v1 =	vsel vm1, v7, v1  }
0x182: {  	v4 =	vsel vm1, $0x23, v4;
	vm0 =	vgt.f32 v5, v3  }
0x183: {  	vm1 =	vgt.f32 v5, v1;
	v3 =	vsel vm0, v5, v3;
	v2 =	vsel vm0, $0x24, v2;
	v7 =	vld [tilespmem:s18+$0x8300]  }
0x184: {  	v3 =	vsel vm1, v1, v3;
	v2 =	vsel vm1, v4, v2;
	v1 =	vsel vm1, v5, v1  }
0x185: {  	v4 =	vsel vm1, $0x24, v4;
	vm0 =	vgt.f32 v6, v3  }
0x186: {  	vm1 =	vgt.f32 v6, v1;
	v3 =	vsel vm0, v6, v3;
	v2 =	vsel vm0, $0x25, v2;
	v5 =	vld [tilespmem:s18+$0x8380]  }
0x187: {  	v3 =	vsel vm1, v1, v3;
	v2 =	vsel vm1, v4, v2;
	v1 =	vsel vm1, v6, v1  }
0x188: {  	v4 =	vsel vm1, $0x25, v4;
	vm0 =	vgt.f32 v7, v3  }
0x189: {  	vm1 =	vgt.f32 v7, v1;
	v3 =	vsel vm0, v7, v3;
	v2 =	vsel vm0, $0x26, v2;
	v6 =	vld [tilespmem:s18+$0xA000]  }
0x18a: {  	v3 =	vsel vm1, v1, v3;
	v2 =	vsel vm1, v4, v2;
	v1 =	vsel vm1, v7, v1  }
0x18b: {  	v4 =	vsel vm1, $0x26, v4;
	vm0 =	vgt.f32 v5, v3  }
0x18c: {  	vm1 =	vgt.f32 v5, v1;
	v3 =	vsel vm0, v5, v3;
	v2 =	vsel vm0, $0x27, v2;
	v7 =	vld [tilespmem:s18+$0xA080]  }
0x18d: {  	v3 =	vsel vm1, v1, v3;
	v2 =	vsel vm1, v4, v2  }
0x18e: {  	v1 =	vsel vm1, v5, v1;
	v4 =	vsel vm1, $0x27, v4;
	vm0 =	vgt.f32 v6, v3  }
0x18f: {  	vm1 =	vgt.f32 v6, v1;
	v3 =	vsel vm0, v6, v3;
	v2 =	vsel vm0, $0x28, v2;
	v5 =	vld [tilespmem:s18+$0xA100]  }
0x190: {  	v3 =	vsel vm1, v1, v3;
	v2 =	vsel vm1, v4, v2  }
0x191: {  	v1 =	vsel vm1, v6, v1;
	v4 =	vsel vm1, $0x28, v4;
	vm0 =	vgt.f32 v7, v3  }
0x192: {  	vm1 =	vgt.f32 v7, v1;
	v3 =	vsel vm0, v7, v3;
	v2 =	vsel vm0, $0x29, v2;
	v6 =	vld [tilespmem:s18+$0xA180]  }
0x193: {  	v3 =	vsel vm1, v1, v3;
	v2 =	vsel vm1, v4, v2;
	v1 =	vsel vm1, v7, v1  }
0x194: {  	v4 =	vsel vm1, $0x29, v4;
	vm0 =	vgt.f32 v5, v3  }
0x195: {  	vm1 =	vgt.f32 v5, v1;
	v3 =	vsel vm0, v5, v3;
	v2 =	vsel vm0, $0x2A, v2;
	v7 =	vld [tilespmem:s18+$0xA200]  }
0x196: {  	v3 =	vsel vm1, v1, v3;
	v2 =	vsel vm1, v4, v2  }
0x197: {  	v1 =	vsel vm1, v5, v1;
	v4 =	vsel vm1, $0x2A, v4;
	vm0 =	vgt.f32 v6, v3  }
0x198: {  	vm1 =	vgt.f32 v6, v1;
	v3 =	vsel vm0, v6, v3;
	v2 =	vsel vm0, $0x2B, v2;
	v5 =	vld [tilespmem:s18+$0xA280]  }
0x199: {  	v3 =	vsel vm1, v1, v3;
	v2 =	vsel vm1, v4, v2  }
0x19a: {  	v1 =	vsel vm1, v6, v1;
	vm0 =	vgt.f32 v7, v3  }
0x19b: {  	v4 =	vsel vm1, $0x2B, v4;
	vm1 =	vgt.f32 v7, v1;
	v3 =	vsel vm0, v7, v3;
	v6 =	vld [tilespmem:s18+$0xA300]  }
0x19c: {  	v2 =	vsel vm0, $0x2C, v2;
	v3 =	vsel vm1, v1, v3;
	v1 =	vsel vm1, v7, v1  }
0x19d: {  	v2 =	vsel vm1, v4, v2;
	v4 =	vsel vm1, $0x2C, v4;
	vm0 =	vgt.f32 v5, v3  }
0x19e: {  	vm1 =	vgt.f32 v5, v1;
	v3 =	vsel vm0, v5, v3;
	v2 =	vsel vm0, $0x2D, v2;
	v7 =	vld [tilespmem:s18+$0xA380]  }
0x19f: {  	v3 =	vsel vm1, v1, v3;
	v2 =	vsel vm1, v4, v2;
	v4 =	vsel vm1, $0x2D, v4  }
0x1a0: {  	v1 =	vsel vm1, v5, v1;
	vm0 =	vgt.f32 v6, v3  }
0x1a1: {  	vm1 =	vgt.f32 v6, v1;
	v3 =	vsel vm0, v6, v3;
	v2 =	vsel vm0, $0x2E, v2;
	v5 =	vld [tilespmem:s18+$0xC000]  }
0x1a2: {  	v3 =	vsel vm1, v1, v3;
	v2 =	vsel vm1, v4, v2  }
0x1a3: {  	v1 =	vsel vm1, v6, v1;
	v4 =	vsel vm1, $0x2E, v4;
	vm0 =	vgt.f32 v7, v3  }
0x1a4: {  	vm1 =	vgt.f32 v7, v1;
	v3 =	vsel vm0, v7, v3;
	v2 =	vsel vm0, $0x2F, v2;
	v6 =	vld [tilespmem:s18+$0xC080]  }
0x1a5: {  	v3 =	vsel vm1, v1, v3;
	v2 =	vsel vm1, v4, v2;
	v1 =	vsel vm1, v7, v1  }
0x1a6: {  	vm0 =	vgt.f32 v5, v3  }
0x1a7: {  	vm2 =	vgt.f32 v5, v1;
	v3 =	vsel vm0, v5, v3;
	v2 =	vsel vm0, $0x30, v2;
	v7 =	vld [tilespmem:s18+$0xC100]  }
0x1a8: {  	v4 =	vsel vm1, $0x2F, v4;
	v3 =	vsel vm2, v1, v3;
	v1 =	vsel vm2, v5, v1  }
0x1a9: {  	v2 =	vsel vm2, v4, v2;
	v4 =	vsel vm2, $0x30, v4;
	vm0 =	vgt.f32 v6, v3  }
0x1aa: {  	vm1 =	vgt.f32 v6, v1;
	v3 =	vsel vm0, v6, v3;
	v2 =	vsel vm0, $0x31, v2;
	v5 =	vld [tilespmem:s18+$0xC180]  }
0x1ab: {  	v3 =	vsel vm1, v1, v3;
	v2 =	vsel vm1, v4, v2  }
0x1ac: {  	v1 =	vsel vm1, v6, v1;
	v4 =	vsel vm1, $0x31, v4;
	vm0 =	vgt.f32 v7, v3  }
0x1ad: {  	vm1 =	vgt.f32 v7, v1;
	v3 =	vsel vm0, v7, v3;
	v2 =	vsel vm0, $0x32, v2;
	v6 =	vld [tilespmem:s18+$0xC200]  }
0x1ae: {  	v3 =	vsel vm1, v1, v3;
	v2 =	vsel vm1, v4, v2;
	v1 =	vsel vm1, v7, v1  }
0x1af: {  	v4 =	vsel vm1, $0x32, v4;
	vm0 =	vgt.f32 v5, v3  }
0x1b0: {  	vm1 =	vgt.f32 v5, v1;
	v3 =	vsel vm0, v5, v3;
	v2 =	vsel vm0, $0x33, v2;
	v7 =	vld [tilespmem:s18+$0xC280]  }
0x1b1: {  	v3 =	vsel vm1, v1, v3;
	v1 =	vsel vm1, v5, v1;
	v5 =	vsel vm1, $0x33, v4  }
0x1b2: {  	v2 =	vsel vm1, v4, v2;
	vm0 =	vgt.f32 v6, v3  }
0x1b3: {  	vm6 =	vgt.f32 v6, v1;
	v3 =	vsel vm0, v6, v3;
	v2 =	vsel vm0, $0x34, v2;
	v4 =	vld [tilespmem:s18+$0xC300]  }
0x1b4: {  	v3 =	vsel vm6, v1, v3;
	v2 =	vsel vm6, v5, v2;
	v1 =	vsel vm6, v6, v1  }
0x1b5: {  	vm7 =	vgt.f32 v7, v3  }
0x1b6: {  	vm8 =	vgt.f32 v7, v1;
	v3 =	vsel vm7, v7, v3;
	v6 =	vld [tilespmem:s18+$0xC380]  }
0x1b7: {  	v3 =	vsel vm8, v1, v3;
	v1 =	vsel vm8, v7, v1  }
0x1b8: {  	vm3 =	vgt.f32 v4, v3  }
0x1b9: {  	vm0 =	vgt.f32 v4, v1;
	v3 =	vsel vm3, v4, v3;
	v7 =	vld [tilespmem:s18+$0xE000]  }
0x1ba: {  	v3 =	vsel vm0, v1, v3;
	v1 =	vsel vm0, v4, v1  }
0x1bb: {  	vm4 =	vgt.f32 v6, v3  }
0x1bc: {  	vm1 =	vgt.f32 v6, v1;
	v3 =	vsel vm4, v6, v3;
	v4 =	vld [tilespmem:s18+$0xE080]  }
0x1bd: {  	v3 =	vsel vm1, v1, v3;
	v1 =	vsel vm1, v6, v1  }
0x1be: {  	vm5 =	vgt.f32 v7, v3  }
0x1bf: {  	vm2 =	vgt.f32 v7, v1;
	v3 =	vsel vm5, v7, v3;
	v6 =	vld [tilespmem:s18+$0xE100]  }
0x1c0: {  	v3 =	vsel vm2, v1, v3;
	v1 =	vsel vm2, v7, v1  }
0x1c1: {  	v5 =	vsel vm6, $0x34, v5;
	v2 =	vsel vm7, $0x35, v2;
	vm7 =	vgt.f32 v4, v3  }
0x1c2: {  	v7 =	vsel vm8, $0x35, v5;
	vm6 =	vgt.f32 v4, v1;
	v3 =	vsel vm7, v4, v3;
	v8 =	vld [tilespmem:s18+$0xE180]  }
0x1c3: {  	v9 =	vsel vm0, $0x36, v7;
	v3 =	vsel vm6, v1, v3;
	v1 =	vsel vm6, v4, v1  }
0x1c4: {  	v2 =	vsel vm8, v5, v2;
	v4 =	vsel vm1, $0x37, v9;
	vm9 =	vgt.f32 v6, v3  }
0x1c5: {  	v5 =	vsel vm2, $0x38, v4;
	vm8 =	vgt.f32 v6, v1;
	v3 =	vsel vm9, v6, v3;
	v10 =	vld [tilespmem:s18+$0xE200]  }
0x1c6: {  	v11 =	vsel vm6, $0x39, v5;
	v3 =	vsel vm8, v1, v3;
	v1 =	vsel vm8, v6, v1  }
0x1c7: {  	v2 =	vsel vm3, $0x36, v2;
	v6 =	vsel vm8, $0x3A, v11;
	vm3 =	vgt.f32 v8, v3  }
0x1c8: {  	v2 =	vsel vm0, v7, v2;
	vm0 =	vgt.f32 v8, v1;
	v3 =	vsel vm3, v8, v3;
	v7 =	vld [tilespmem:s18+$0xE280]  }
0x1c9: {  	v2 =	vsel vm4, $0x37, v2;
	v3 =	vsel vm0, v1, v3;
	v1 =	vsel vm0, v8, v1  }
0x1ca: {  	v2 =	vsel vm1, v9, v2;
	v8 =	vsel vm0, $0x3B, v6;
	vm4 =	vgt.f32 v10, v3  }
0x1cb: {  	v2 =	vsel vm5, $0x38, v2;
	vm1 =	vgt.f32 v10, v1;
	v3 =	vsel vm4, v10, v3;
	v9 =	vld [tilespmem:s18+$0xE300]  }
0x1cc: {  	v2 =	vsel vm2, v4, v2;
	v4 =	vsel vm1, $0x3C, v8;
	v3 =	vsel vm1, v1, v3  }
0x1cd: {  	v2 =	vsel vm7, $0x39, v2;
	v1 =	vsel vm1, v10, v1;
	vm5 =	vgt.f32 v7, v3  }
0x1ce: {  	v2 =	vsel vm6, v5, v2;
	vm2 =	vgt.f32 v7, v1;
	v3 =	vsel vm5, v7, v3;
	v5 =	vld [tilespmem:s18+$0xE380]  }
0x1cf: {  	v2 =	vsel vm9, $0x3A, v2;
	v3 =	vsel vm2, v1, v3  }
0x1d0: {  	v1 =	vsel vm2, v7, v1;
	v7 =	vsel vm2, $0x3D, v4;
	vm7 =	vgt.f32 v9, v3  }
0x1d1: {  	v2 =	vsel vm8, v11, v2;
	vm6 =	vgt.f32 v9, v1;
	v3 =	vsel vm7, v9, v3  }
0x1d2: {  	v2 =	vsel vm3, $0x3B, v2;
	v3 =	vsel vm6, v1, v3;
	v1 =	vsel vm6, v9, v1  }
0x1d3: {  	v2 =	vsel vm0, v6, v2;
	v6 =	vsel vm6, $0x3E, v7;
	vm0 =	vgt.f32 v5, v3  }
0x1d4: {  	v2 =	vsel vm4, $0x3C, v2;
	s18 =	sshll.u32 s13, $0x5;
	s13 =	smov.u32 s17;
	vm3 =	vgt.f32 v5, v1;
	v3 =	vsel vm0, v5, v3  }
0x1d5: {  	v2 =	vsel vm1, v8, v2;
	s17 =	sand.u32 $0xFFFFFF00, s18;
	v3 =	vsel vm3, v1, v3;
	v1 =	vsel vm3, v5, v1  }
0x1d6: {  	v2 =	vsel vm5, $0x3D, v2;
	s19 =	sor.u32 s14, s17;
	v5 =	vsel vm3, $0x3F, v6;
	v1 =	vsub.f32 v3, v1  }
0x1d7: {  	v2 =	vsel vm2, v4, v2;
	[tilespmem:s19+$0x10800] =	vst v5  }
0x1d8: {  	v2 =	vsel vm7, $0x3E, v2;
	v1 =	vmul.f32 $1.442695020e+00, v1  }
0x1d9: {  	v2 =	vsel vm6, v7, v2  }
0x1da: {  	v2 =	vsel vm0, $0x3F, v2;
	(erf) = vpow2.f32 v1  }
0x1db: {  	v1 =	vsel vm3, v6, v2  }
0x1dc: {  	[tilespmem:s19+$0x10880] =	vst v1;
	_ =	sdelay $0x6  }
0x1dd: {  	v1 =	vpop (erf)  }
0x1de: {  	v2 =	vadd.f32 $1.000000000e+00, v1;
	_ =	sdelay $0x1  }
0x1df: {  	(erf) = vrcp.f32 v2;
	_ =	sdelay $0x5  }
.Ltmp0:
0x1e0: {  	(pc) =	sbr.rel @p0 .LBB2_2-.Ltmp0, $3  }
0x1e1: {  	_ =	sdelay $0x1  }
0x1e2: {  	s15 =	sadd.s32 $0x10, s15;
	s17 =	sshll.u32 s13, $0x7;
	v2 =	vpop (erf)  }
0x1e3: {  	s14 =	sand.u32 $0x70, s15;
	s17 =	sand.u32 $0x3FFFFC00, s17;
	[tilespmem:s19+$0x10000] =	vst v2;
	v1 =	vmul.f32 v2, v1  }
0x1e4: {  	_ = 	snop  }
0x1e5: {  	s15 =	sor.u32 s14, s17;
	[tilespmem:s19+$0x10080] =	vst v1  }
0x1e6: {  	v1 =	vld [tilespmem:s15+$0x0]  }
0x1e7: {  	v2 =	vld [tilespmem:s15+$0x80];
	_ =	sdelay $0x3  }
0x1e8: {  	v3 =	vld [tilespmem:s15+$0x100];
	vm0 =	vgt.f32 v1, $-Inf  }
0x1e9: {  	vm8 =	vlt.f32 v2, $-Inf;
	vm1 =	vgt.f32 v2, $-Inf;
	v1 =	vnsel vm0, $0xFF800000, v1  }
0x1ea: {  	v4 =	vimm.s32 $0x0;
	vm14 =	vmor vm1, vm8;
	vm2 =	vgt.f32 v2, v1  }
0x1eb: {  	v5 =	vld [tilespmem:s15+$0x180];
	v51 =	vnsel vm14, $0xFF800000, v2;
	v4 =	vsel vm2, $0xFFFFFFFF, v4;
	vm2 =	vmneg vm2  }
0x1ec: {  	[tilespmem:$0x1F800] =	vst v4;
	v4 =	vsel vm2, v51, v1  }
0x1ed: {  	v1 =	vsel vm2, v1, v2;
	vm15 =	vgt.f32 v3, v4  }
0x1ee: {  	vm1 =	vgt.f32 v3, v1;
	v2 =	vsel vm15, v3, v4  }
0x1ef: {  	v52 =	vld [tilespmem:s15+$0x200];
	v2 =	vsel vm1, v1, v2  }
0x1f0: {  	v1 =	vsel vm1, v3, v1;
	v3 =	vimm.s32 $0x0;
	vm9 =	vgt.f32 v5, v2  }
0x1f1: {  	v3 =	vsel vm9, $0xFFFFFFFF, v3  }
0x1f2: {  	vm3 =	vgt.f32 v5, v1;
	v2 =	vsel vm9, v5, v2;
	[tilespmem:$0x1F810] =	vst v3;
	v3 =	vld [tilespmem:s15+$0x280]  }
0x1f3: {  	v2 =	vsel vm3, v1, v2  }
0x1f4: {  	v1 =	vsel vm3, v5, v1;
	vm10 =	vgt.f32 v52, v2  }
0x1f5: {  	v54 =	vld [tilespmem:s15+$0x300];
	vm4 =	vgt.f32 v52, v1;
	v2 =	vsel vm10, v52, v2  }
0x1f6: {  	v2 =	vsel vm4, v1, v2  }
0x1f7: {  	v1 =	vsel vm4, v52, v1;
	vm11 =	vgt.f32 v3, v2  }
0x1f8: {  	vm5 =	vgt.f32 v3, v1;
	v2 =	vsel vm11, v3, v2  }
0x1f9: {  	v56 =	vld [tilespmem:s15+$0x380];
	v2 =	vsel vm5, v1, v2  }
0x1fa: {  	v1 =	vsel vm5, v3, v1;
	v3 =	vimm.s32 $0x0;
	vm12 =	vgt.f32 v54, v2  }
0x1fb: {  	v3 =	vsel vm12, $0xFFFFFFFF, v3  }
0x1fc: {  	v53 =	vimm.s32 $0x0;
	vm6 =	vgt.f32 v54, v1;
	v2 =	vsel vm12, v54, v2;
	[tilespmem:$0x1F840] =	vst v3;
	v3 =	vld [tilespmem:s15+$0x2000]  }
0x1fd: {  	v55 =	vimm.s32 $0x0;
	v57 =	vimm.s32 $0x0;
	v2 =	vsel vm6, v1, v2  }
0x1fe: {  	v59 =	vimm.s32 $0x0;
	v1 =	vsel vm6, v54, v1;
	vm13 =	vgt.f32 v56, v2  }
0x1ff: {  	v61 =	vimm.s32 $0x0;
	v58 =	vld [tilespmem:s15+$0x2080];
	vm7 =	vgt.f32 v56, v1;
	v2 =	vsel vm13, v56, v2  }
0x200: {  	v63 =	vimm.s32 $0x0;
	v9 =	vimm.s32 $0x0;
	v2 =	vsel vm7, v1, v2  }
0x201: {  	v4 =	vsel vm11, $0xFFFFFFFF, v55;
	v1 =	vsel vm7, v56, v1;
	vm8 =	vgt.f32 v3, v2  }
0x202: {  	[tilespmem:$0x1F830] =	vst v4;
	v4 =	vsel vm8, $0xFFFFFFFF, v59;
	v2 =	vsel vm8, v3, v2;
	vm8 =	vgt.f32 v3, v1  }
0x203: {  	v11 =	vimm.s32 $0x0;
	v14 =	vimm.s32 $0x0;
	v60 =	vld [tilespmem:s15+$0x2100];
	v2 =	vsel vm8, v1, v2  }
0x204: {  	v1 =	vsel vm8, v3, v1;
	v3 =	vimm.s32 $0x0;
	vm9 =	vgt.f32 v58, v2  }
0x205: {  	v17 =	vimm.s32 $0x0;
	v20 =	vimm.s32 $0x0;
	v3 =	vsel vm9, $0xFFFFFFFF, v3  }
0x206: {  	v23 =	vimm.s32 $0x0;
	v2 =	vsel vm9, v58, v2;
	vm9 =	vgt.f32 v58, v1;
	[tilespmem:$0x1F870] =	vst v3;
	v3 =	vld [tilespmem:s15+$0x2180]  }
0x207: {  	v26 =	vimm.s32 $0x0;
	v5 =	vsel vm10, $0xFFFFFFFF, v53;
	v2 =	vsel vm9, v1, v2  }
0x208: {  	[tilespmem:$0x1F820] =	vst v5;
	v5 =	vsel vm13, $0xFFFFFFFF, v57;
	v1 =	vsel vm9, v58, v1;
	vm10 =	vgt.f32 v60, v2  }
0x209: {  	v62 =	vld [tilespmem:s15+$0x2200];
	[tilespmem:$0x1F850] =	vst v5;
	v5 =	vsel vm10, $0xFFFFFFFF, v61;
	v2 =	vsel vm10, v60, v2;
	vm10 =	vgt.f32 v60, v1  }
0x20a: {  	v30 =	vimm.s32 $0x0;
	v32 =	vimm.s32 $0x0;
	v2 =	vsel vm10, v1, v2  }
0x20b: {  	v36 =	vimm.s32 $0x0;
	v1 =	vsel vm10, v60, v1;
	vm11 =	vgt.f32 v3, v2  }
0x20c: {  	v8 =	vld [tilespmem:s15+$0x2280];
	[tilespmem:$0x1F860] =	vst v4;
	v4 =	vsel vm11, $0xFFFFFFFF, v63;
	v2 =	vsel vm11, v3, v2;
	vm11 =	vgt.f32 v3, v1  }
0x20d: {  	v39 =	vimm.s32 $0x0;
	v42 =	vimm.s32 $0x0;
	v7 =	vld [tilespmem:$0x1F800];
	v2 =	vsel vm11, v1, v2  }
0x20e: {  	v1 =	vsel vm11, v3, v1;
	v3 =	vimm.s32 $0x0;
	vm12 =	vgt.f32 v62, v2  }
0x20f: {  	v45 =	vimm.s32 $0x0;
	v48 =	vimm.s32 $0x0;
	v3 =	vsel vm12, $0xFFFFFFFF, v3  }
0x210: {  	vm2 =	vmand vm14, vm2;
	v2 =	vsel vm12, v62, v2;
	vm12 =	vgt.f32 v62, v1;
	[tilespmem:$0x1F8A0] =	vst v3;
	v3 =	vld [tilespmem:s15+$0x2300]  }
0x211: {  	v51 =	vimm.s32 $0x0;
	v6 =	vsel vm2, $0x1, v0;
	v2 =	vsel vm12, v1, v2  }
0x212: {  	vm14 =	vnez.u8 v7;
	v1 =	vsel vm12, v62, v1;
	vm13 =	vgt.f32 v8, v2  }
0x213: {  	v15 =	vld [tilespmem:$0x1F810];
	[tilespmem:$0x1F880] =	vst v5;
	v5 =	vsel vm13, $0xFFFFFFFF, v9;
	v2 =	vsel vm13, v8, v2;
	vm13 =	vgt.f32 v8, v1  }
0x214: {  	v10 =	vld [tilespmem:s15+$0x2380];
	v7 =	vsel vm14, $0x1, v0;
	v56 =	vimm.s32 $0x0;
	v2 =	vsel vm13, v1, v2  }
0x215: {  	v58 =	vimm.s32 $0x0;
	v1 =	vsel vm13, v8, v1;
	vm0 =	vgt.f32 v3, v2  }
0x216: {  	v18 =	vld [tilespmem:$0x1F820];
	[tilespmem:$0x1F890] =	vst v4;
	v4 =	vsel vm0, $0xFFFFFFFF, v11;
	v2 =	vsel vm0, v3, v2;
	vm0 =	vgt.f32 v3, v1  }
0x217: {  	v61 =	vimm.s32 $0x0;
	v9 =	vimm.s32 $0x0;
	v2 =	vsel vm0, v1, v2  }
0x218: {  	v12 =	vld [tilespmem:s15+$0x4000];
	v1 =	vsel vm0, v3, v1;
	v3 =	vsel vm15, $0x2, v6;
	vm15 =	vnez.u8 v15  }
0x219: {  	v15 =	vimm.s32 $0x0;
	vm14 =	vgt.f32 v10, v2;
	vm2 =	vgt.f32 v10, v1  }
0x21a: {  	v8 =	vld [tilespmem:$0x1F830];
	v3 =	vsel vm1, v7, v3;
	v7 =	vsel vm1, $0x2, v7;
	v2 =	vsel vm14, v10, v2  }
0x21b: {  	v13 =	vld [tilespmem:s15+$0x4080];
	v3 =	vsel vm15, $0x3, v3;
	vm15 =	vnez.u8 v18;
	v18 =	vimm.s32 $0x0  }
0x21c: {  	v2 =	vsel vm2, v1, v2;
	v1 =	vsel vm2, v10, v1;
	v3 =	vsel vm3, v7, v3  }
0x21d: {  	v7 =	vsel vm3, $0x3, v7;
	vm1 =	vgt.f32 v12, v2;
	v3 =	vsel vm15, $0x4, v3  }
0x21e: {  	v16 =	vld [tilespmem:s15+$0x4100];
	[tilespmem:$0x1F8B0] =	vst v5;
	v5 =	vsel vm1, $0xFFFFFFFF, v14;
	v2 =	vsel vm1, v12, v2;
	vm1 =	vgt.f32 v12, v1  }
0x21f: {  	vm15 =	vnez.u8 v8;
	v21 =	vsel vm4, $0x4, v7;
	v2 =	vsel vm1, v1, v2  }
0x220: {  	v24 =	vld [tilespmem:$0x1F840];
	v3 =	vsel vm4, v7, v3;
	v1 =	vsel vm1, v12, v1;
	vm3 =	vgt.f32 v13, v2  }
0x221: {  	[tilespmem:$0x1F8C0] =	vst v4;
	v4 =	vsel vm3, $0xFFFFFFFF, v17;
	v2 =	vsel vm3, v13, v2;
	vm3 =	vgt.f32 v13, v1  }
0x222: {  	v27 =	vld [tilespmem:$0x1F850];
	v3 =	vsel vm15, $0x5, v3;
	v12 =	vimm.s32 $0x0;
	v2 =	vsel vm3, v1, v2  }
0x223: {  	v19 =	vld [tilespmem:s15+$0x4180];
	v3 =	vsel vm5, v21, v3;
	v1 =	vsel vm3, v13, v1;
	vm15 =	vgt.f32 v16, v2  }
0x224: {  	vm4 =	vgt.f32 v16, v1;
	v6 =	vsel vm15, $0xFFFFFFFF, v20;
	v2 =	vsel vm15, v16, v2  }
0x225: {  	v29 =	vld [tilespmem:$0x1F860];
	vm15 =	vnez.u8 v24;
	v24 =	vimm.s32 $0x0;
	v2 =	vsel vm4, v1, v2  }
0x226: {  	v22 =	vld [tilespmem:s15+$0x4200];
	[tilespmem:$0x1F8F0] =	vst v6;
	v6 =	vsel vm5, $0x5, v21;
	v1 =	vsel vm4, v16, v1;
	v3 =	vsel vm15, $0x6, v3  }
0x227: {  	vm15 =	vnez.u8 v27;
	v21 =	vimm.s32 $0x0;
	v27 =	vimm.s32 $0x0  }
0x228: {  	vm5 =	vgt.f32 v19, v2;
	v3 =	vsel vm6, v6, v3;
	v6 =	vsel vm6, $0x6, v6  }
0x229: {  	[tilespmem:$0x1F8D0] =	vst v5;
	v5 =	vsel vm5, $0xFFFFFFFF, v23;
	v2 =	vsel vm5, v19, v2;
	vm5 =	vgt.f32 v19, v1  }
0x22a: {  	v25 =	vld [tilespmem:s15+$0x4280];
	v3 =	vsel vm15, $0x7, v3;
	vm15 =	vnez.u8 v29;
	v2 =	vsel vm5, v1, v2  }
0x22b: {  	v33 =	vld [tilespmem:$0x1F870];
	v1 =	vsel vm5, v19, v1;
	v3 =	vsel vm7, v6, v3;
	vm6 =	vgt.f32 v22, v2  }
0x22c: {  	[tilespmem:$0x1F8E0] =	vst v4;
	v6 =	vsel vm7, $0x7, v6;
	v3 =	vsel vm15, $0x8, v3;
	v4 =	vsel vm6, $0xFFFFFFFF, v26  }
0x22d: {  	v28 =	vld [tilespmem:s15+$0x4300];
	v2 =	vsel vm6, v22, v2;
	vm6 =	vgt.f32 v22, v1;
	v3 =	vsel vm8, v6, v3  }
0x22e: {  	v6 =	vsel vm8, $0x8, v6;
	v2 =	vsel vm6, v1, v2;
	v1 =	vsel vm6, v22, v1  }
0x22f: {  	v35 =	vld [tilespmem:$0x1F880];
	v37 =	vsel vm9, $0x9, v6;
	vm15 =	vgt.f32 v25, v2;
	vm7 =	vgt.f32 v25, v1  }
0x230: {  	v31 =	vld [tilespmem:s15+$0x4380];
	v7 =	vsel vm15, $0xFFFFFFFF, v30;
	v2 =	vsel vm15, v25, v2;
	vm15 =	vnez.u8 v33  }
0x231: {  	v30 =	vimm.s32 $0x0;
	v33 =	vimm.s32 $0x0;
	v2 =	vsel vm7, v1, v2  }
0x232: {  	v40 =	vld [tilespmem:$0x1F890];
	v1 =	vsel vm7, v25, v1;
	v3 =	vsel vm15, $0x9, v3;
	vm8 =	vgt.f32 v28, v2  }
0x233: {  	[tilespmem:$0x1F900] =	vst v5;
	v5 =	vsel vm8, $0xFFFFFFFF, v32;
	v2 =	vsel vm8, v28, v2;
	vm8 =	vgt.f32 v28, v1  }
0x234: {  	v43 =	vld [tilespmem:$0x1F8A0];
	vm15 =	vnez.u8 v35;
	v3 =	vsel vm9, v6, v3;
	v2 =	vsel vm8, v1, v2  }
0x235: {  	v34 =	vld [tilespmem:s15+$0x6000];
	v3 =	vsel vm15, $0xA, v3;
	v1 =	vsel vm8, v28, v1;
	vm15 =	vgt.f32 v31, v2  }
0x236: {  	[tilespmem:$0x1F910] =	vst v4;
	v3 =	vsel vm10, v37, v3;
	vm9 =	vgt.f32 v31, v1;
	v4 =	vsel vm15, $0xFFFFFFFF, v36  }
0x237: {  	v46 =	vld [tilespmem:$0x1F8B0];
	v2 =	vsel vm15, v31, v2;
	vm15 =	vnez.u8 v40;
	v40 =	vimm.s32 $0x0  }
0x238: {  	[tilespmem:$0x1F940] =	vst v4;
	v2 =	vsel vm9, v1, v2;
	v4 =	vsel vm10, $0xA, v37;
	v1 =	vsel vm9, v31, v1  }
0x239: {  	v38 =	vld [tilespmem:s15+$0x6080];
	v3 =	vsel vm15, $0xB, v3;
	vm15 =	vnez.u8 v43;
	v37 =	vimm.s32 $0x0  }
0x23a: {  	v49 =	vld [tilespmem:$0x1F8C0];
	v43 =	vimm.s32 $0x0;
	vm10 =	vgt.f32 v34, v2;
	v3 =	vsel vm11, v4, v3  }
0x23b: {  	[tilespmem:$0x1F920] =	vst v7;
	v4 =	vsel vm11, $0xB, v4;
	v7 =	vsel vm10, $0xFFFFFFFF, v39;
	v2 =	vsel vm10, v34, v2  }
0x23c: {  	vm10 =	vgt.f32 v34, v1;
	v3 =	vsel vm15, $0xC, v3;
	vm15 =	vnez.u8 v46  }
0x23d: {  	v41 =	vld [tilespmem:s15+$0x6100];
	v39 =	vimm.s32 $0x0;
	v2 =	vsel vm10, v1, v2;
	v1 =	vsel vm10, v34, v1  }
0x23e: {  	v53 =	vld [tilespmem:$0x1F8D0];
	v3 =	vsel vm12, v4, v3;
	v4 =	vsel vm12, $0xC, v4;
	v34 =	vimm.s32 $0x0  }
0x23f: {  	vm11 =	vgt.f32 v38, v2;
	v3 =	vsel vm15, $0xD, v3;
	vm15 =	vnez.u8 v49  }
0x240: {  	[tilespmem:$0x1F930] =	vst v5;
	v5 =	vsel vm11, $0xFFFFFFFF, v42;
	v2 =	vsel vm11, v38, v2;
	vm11 =	vgt.f32 v38, v1  }
0x241: {  	v44 =	vld [tilespmem:s15+$0x6180];
	v3 =	vsel vm13, v4, v3;
	v4 =	vsel vm13, $0xD, v4;
	v2 =	vsel vm11, v1, v2  }
0x242: {  	v55 =	vld [tilespmem:$0x1F8E0];
	v1 =	vsel vm11, v38, v1;
	v3 =	vsel vm15, $0xE, v3;
	vm12 =	vgt.f32 v41, v2  }
0x243: {  	v3 =	vsel vm0, v4, v3;
	v4 =	vsel vm0, $0xE, v4;
	vm0 =	vnez.u8 v53  }
0x244: {  	v6 =	vsel vm12, $0xFFFFFFFF, v45;
	v2 =	vsel vm12, v41, v2;
	vm12 =	vgt.f32 v41, v1  }
0x245: {  	v47 =	vld [tilespmem:s15+$0x6200];
	v53 =	vimm.s32 $0x0;
	v3 =	vsel vm14, $0xF, v3;
	v2 =	vsel vm12, v1, v2  }
0x246: {  	v59 =	vld [tilespmem:$0x1F8F0];
	v1 =	vsel vm12, v41, v1;
	v3 =	vsel vm2, v4, v3;
	v4 =	vsel vm2, $0xF, v4  }
0x247: {  	vm13 =	vgt.f32 v44, v2;
	v3 =	vsel vm0, $0x10, v3;
	vm0 =	vnez.u8 v55  }
0x248: {  	[tilespmem:$0x1F950] =	vst v7;
	v7 =	vsel vm13, $0xFFFFFFFF, v48;
	v2 =	vsel vm13, v44, v2;
	vm13 =	vgt.f32 v44, v1  }
0x249: {  	v50 =	vld [tilespmem:s15+$0x6280];
	v3 =	vsel vm1, v4, v3;
	v4 =	vsel vm1, $0x10, v4;
	v2 =	vsel vm13, v1, v2  }
0x24a: {  	v62 =	vld [tilespmem:$0x1F900];
	v1 =	vsel vm13, v44, v1;
	v3 =	vsel vm0, $0x11, v3;
	vm15 =	vgt.f32 v47, v2  }
0x24b: {  	v3 =	vsel vm3, v4, v3;
	v4 =	vsel vm3, $0x11, v4;
	vm3 =	vnez.u8 v59  }
0x24c: {  	v10 =	vld [tilespmem:$0x1F910];
	[tilespmem:$0x1F960] =	vst v5;
	v5 =	vsel vm15, $0xFFFFFFFF, v51;
	v2 =	vsel vm15, v47, v2;
	vm15 =	vgt.f32 v47, v1  }
0x24d: {  	v44 =	vimm.s32 $0x0;
	v3 =	vsel vm3, $0x12, v3;
	v2 =	vsel vm15, v1, v2  }
0x24e: {  	v52 =	vld [tilespmem:s15+$0x6300];
	v1 =	vsel vm15, v47, v1;
	v3 =	vsel vm4, v4, v3;
	v4 =	vsel vm4, $0x12, v4  }
0x24f: {  	v13 =	vld [tilespmem:$0x1F920];
	vm4 =	vnez.u8 v62;
	v47 =	vimm.s32 $0x0;
	vm14 =	vgt.f32 v50, v2  }
0x250: {  	vm2 =	vgt.f32 v50, v1;
	v3 =	vsel vm4, $0x13, v3;
	v2 =	vsel vm14, v50, v2  }
0x251: {  	v3 =	vsel vm5, v4, v3;
	v4 =	vsel vm5, $0x13, v4;
	vm5 =	vnez.u8 v10  }
0x252: {  	v54 =	vld [tilespmem:s15+$0x6380];
	v10 =	vimm.s32 $0x0;
	v2 =	vsel vm2, v1, v2;
	v1 =	vsel vm2, v50, v1  }
0x253: {  	v16 =	vld [tilespmem:$0x1F930];
	v3 =	vsel vm5, $0x14, v3;
	v50 =	vimm.s32 $0x0;
	vm0 =	vgt.f32 v52, v2  }
0x254: {  	v3 =	vsel vm6, v4, v3;
	v4 =	vsel vm6, $0x14, v4;
	vm6 =	vnez.u8 v13  }
0x255: {  	v19 =	vld [tilespmem:$0x1F940];
	[tilespmem:$0x1F980] =	vst v7;
	v7 =	vsel vm0, $0xFFFFFFFF, v56;
	v2 =	vsel vm0, v52, v2;
	vm0 =	vgt.f32 v52, v1  }
0x256: {  	v13 =	vimm.s32 $0x0;
	v3 =	vsel vm6, $0x15, v3;
	v2 =	vsel vm0, v1, v2  }
0x257: {  	v57 =	vld [tilespmem:s15+$0x8000];
	v1 =	vsel vm0, v52, v1;
	v3 =	vsel vm7, v4, v3;
	v4 =	vsel vm7, $0x15, v4  }
0x258: {  	v22 =	vld [tilespmem:$0x1F950];
	vm7 =	vnez.u8 v16;
	vm1 =	vgt.f32 v54, v2;
	vm3 =	vgt.f32 v54, v1  }
0x259: {  	[tilespmem:$0x1F990] =	vst v5;
	v3 =	vsel vm7, $0x16, v3;
	v5 =	vsel vm1, $0xFFFFFFFF, v58;
	v2 =	vsel vm1, v54, v2  }
0x25a: {  	v3 =	vsel vm8, v4, v3;
	v4 =	vsel vm8, $0x16, v4;
	vm8 =	vnez.u8 v19  }
0x25b: {  	v60 =	vld [tilespmem:s15+$0x8080];
	v2 =	vsel vm3, v1, v2;
	v1 =	vsel vm3, v54, v1;
	v3 =	vsel vm8, $0x17, v3  }
0x25c: {  	v25 =	vld [tilespmem:$0x1F960];
	v54 =	vimm.s32 $0x0;
	vm1 =	vgt.f32 v57, v2;
	vm4 =	vgt.f32 v57, v1  }
0x25d: {  	v3 =	vsel vm9, v4, v3;
	v4 =	vsel vm9, $0x17, v4;
	vm9 =	vnez.u8 v22  }
0x25e: {  	v63 =	vld [tilespmem:s15+$0x8100];
	[tilespmem:$0x1F970] =	vst v6;
	v6 =	vsel vm1, $0xFFFFFFFF, v61;
	v2 =	vsel vm1, v57, v2;
	v3 =	vsel vm9, $0x18, v3  }
0x25f: {  	v61 =	vimm.s32 $0x0;
	v2 =	vsel vm4, v1, v2;
	v1 =	vsel vm4, v57, v1  }
0x260: {  	v28 =	vld [tilespmem:$0x1F970];
	v3 =	vsel vm10, v4, v3;
	v4 =	vsel vm10, $0x18, v4;
	vm1 =	vgt.f32 v60, v2  }
0x261: {  	v11 =	vld [tilespmem:s15+$0x8180];
	vm10 =	vnez.u8 v25;
	vm5 =	vgt.f32 v60, v1;
	v2 =	vsel vm1, v60, v2  }
0x262: {  	v57 =	vimm.s32 $0x0;
	v3 =	vsel vm10, $0x19, v3;
	v2 =	vsel vm5, v1, v2  }
0x263: {  	[tilespmem:$0x1F9A0] =	vst v7;
	v7 =	vsel vm1, $0xFFFFFFFF, v9;
	v1 =	vsel vm5, v60, v1;
	vm1 =	vgt.f32 v63, v2  }
0x264: {  	v14 =	vld [tilespmem:s15+$0x8200];
	v3 =	vsel vm11, v4, v3;
	vm6 =	vgt.f32 v63, v1;
	v2 =	vsel vm1, v63, v2  }
0x265: {  	v4 =	vsel vm11, $0x19, v4;
	vm11 =	vnez.u8 v28;
	v2 =	vsel vm6, v1, v2  }
0x266: {  	v31 =	vld [tilespmem:$0x1F980];
	[tilespmem:$0x1F9B0] =	vst v5;
	v5 =	vsel vm1, $0xFFFFFFFF, v12;
	v1 =	vsel vm6, v63, v1;
	vm1 =	vgt.f32 v11, v2  }
0x267: {  	v17 =	vld [tilespmem:s15+$0x8280];
	v3 =	vsel vm11, $0x1A, v3;
	vm7 =	vgt.f32 v11, v1;
	v2 =	vsel vm1, v11, v2  }
0x268: {  	v60 =	vimm.s32 $0x0;
	v3 =	vsel vm12, v4, v3;
	v2 =	vsel vm7, v1, v2  }
0x269: {  	[tilespmem:$0x1F9C0] =	vst v6;
	v6 =	vsel vm1, $0xFFFFFFFF, v15;
	v1 =	vsel vm7, v11, v1;
	vm1 =	vgt.f32 v14, v2  }
0x26a: {  	v20 =	vld [tilespmem:s15+$0x8300];
	[tilespmem:$0x1F9D0] =	vst v7;
	v7 =	vsel vm1, $0xFFFFFFFF, v18;
	v2 =	vsel vm1, v14, v2;
	vm1 =	vgt.f32 v14, v1  }
0x26b: {  	v4 =	vsel vm12, $0x1A, v4;
	vm12 =	vnez.u8 v31;
	v2 =	vsel vm1, v1, v2  }
0x26c: {  	v3 =	vsel vm12, $0x1B, v3;
	v1 =	vsel vm1, v14, v1;
	vm8 =	vgt.f32 v17, v2  }
0x26d: {  	v23 =	vld [tilespmem:s15+$0x8380];
	[tilespmem:$0x1F9E0] =	vst v5;
	v5 =	vsel vm8, $0xFFFFFFFF, v21;
	v2 =	vsel vm8, v17, v2;
	vm8 =	vgt.f32 v17, v1  }
0x26e: {  	v31 =	vimm.s32 $0x0;
	v3 =	vsel vm13, v4, v3;
	v2 =	vsel vm8, v1, v2  }
0x26f: {  	v4 =	vsel vm13, $0x1B, v4;
	v1 =	vsel vm8, v17, v1;
	vm9 =	vgt.f32 v20, v2  }
0x270: {  	v26 =	vld [tilespmem:s15+$0xA000];
	[tilespmem:$0x1F9F0] =	vst v6;
	v6 =	vsel vm9, $0xFFFFFFFF, v24;
	v2 =	vsel vm9, v20, v2;
	vm9 =	vgt.f32 v20, v1  }
0x271: {  	v14 =	vimm.s32 $0x0;
	v17 =	vimm.s32 $0x0;
	v2 =	vsel vm9, v1, v2  }
0x272: {  	v35 =	vld [tilespmem:$0x1F990];
	v24 =	vimm.s32 $0x0;
	v1 =	vsel vm9, v20, v1;
	vm10 =	vgt.f32 v23, v2  }
0x273: {  	v29 =	vld [tilespmem:s15+$0xA080];
	[tilespmem:$0x1FA00] =	vst v7;
	v7 =	vsel vm10, $0xFFFFFFFF, v27;
	v2 =	vsel vm10, v23, v2;
	vm10 =	vgt.f32 v23, v1  }
0x274: {  	v20 =	vimm.s32 $0x0;
	v2 =	vsel vm10, v1, v2;
	v1 =	vsel vm10, v23, v1  }
0x275: {  	v41 =	vld [tilespmem:$0x1F9A0];
	v27 =	vimm.s32 $0x0;
	vm11 =	vgt.f32 v26, v2;
	vm12 =	vgt.f32 v26, v1  }
0x276: {  	[tilespmem:$0x1FA10] =	vst v5;
	v5 =	vsel vm11, $0xFFFFFFFF, v30;
	v2 =	vsel vm11, v26, v2;
	v8 =	vsel vm12, $0xFFFFFFFF, v33  }
0x277: {  	v32 =	vld [tilespmem:s15+$0xA100];
	v2 =	vsel vm12, v1, v2;
	v1 =	vsel vm12, v26, v1;
	vm12 =	vnez.u8 v35  }
0x278: {  	v35 =	vimm.s32 $0x0;
	vm11 =	vgt.f32 v29, v2;
	v3 =	vsel vm12, $0x1C, v3  }
0x279: {  	[tilespmem:$0x1FA20] =	vst v6;
	vm13 =	vgt.f32 v29, v1;
	v6 =	vsel vm11, $0xFFFFFFFF, v34;
	v2 =	vsel vm11, v29, v2  }
0x27a: {  	v45 =	vld [tilespmem:$0x1F9B0];
	v3 =	vsel vm15, v4, v3;
	v4 =	vsel vm15, $0x1C, v4;
	vm15 =	vnez.u8 v41  }
0x27b: {  	v41 =	vimm.s32 $0x0;
	v2 =	vsel vm13, v1, v2;
	v1 =	vsel vm13, v29, v1  }
0x27c: {  	v36 =	vld [tilespmem:s15+$0xA180];
	v3 =	vsel vm14, $0x1D, v3;
	vm14 =	vgt.f32 v32, v2;
	vm12 =	vgt.f32 v32, v1  }
0x27d: {  	v51 =	vld [tilespmem:$0x1F9D0];
	[tilespmem:$0x1FA30] =	vst v7;
	v3 =	vsel vm2, v4, v3;
	v4 =	vsel vm2, $0x1D, v4;
	v7 =	vsel vm14, $0xFFFFFFFF, v37  }
0x27e: {  	[tilespmem:$0x1FA50] =	vst v8;
	v2 =	vsel vm14, v32, v2;
	v8 =	vsel vm12, $0xFFFFFFFF, v39;
	v3 =	vsel vm15, $0x1E, v3  }
0x27f: {  	v48 =	vld [tilespmem:$0x1F9C0];
	vm15 =	vnez.u8 v45;
	v45 =	vimm.s32 $0x0;
	v2 =	vsel vm12, v1, v2  }
0x280: {  	v38 =	vld [tilespmem:s15+$0xA200];
	v1 =	vsel vm12, v32, v1;
	v3 =	vsel vm0, v4, v3;
	v4 =	vsel vm0, $0x1E, v4  }
0x281: {  	v55 =	vld [tilespmem:$0x1F9E0];
	vm14 =	vgt.f32 v36, v2;
	vm12 =	vgt.f32 v36, v1;
	v3 =	vsel vm15, $0x1F, v3  }
0x282: {  	[tilespmem:$0x1FA40] =	vst v5;
	vm15 =	vnez.u8 v51;
	v5 =	vsel vm14, $0xFFFFFFFF, v40;
	v2 =	vsel vm14, v36, v2  }
0x283: {  	v58 =	vld [tilespmem:$0x1F9F0];
	[tilespmem:$0x1FA80] =	vst v8;
	v8 =	vsel vm12, $0xFFFFFFFF, v43;
	v3 =	vsel vm3, v4, v3;
	v4 =	vsel vm3, $0x1F, v4  }
0x284: {  	v42 =	vld [tilespmem:s15+$0xA280];
	v2 =	vsel vm12, v1, v2;
	v1 =	vsel vm12, v36, v1;
	vm12 =	vnez.u8 v48  }
0x285: {  	vm14 =	vgt.f32 v38, v2;
	vm0 =	vgt.f32 v38, v1;
	v3 =	vsel vm12, $0x20, v3  }
0x286: {  	[tilespmem:$0x1FA60] =	vst v6;
	vm12 =	vnez.u8 v55;
	v6 =	vsel vm14, $0xFFFFFFFF, v44;
	v2 =	vsel vm14, v38, v2  }
0x287: {  	v46 =	vld [tilespmem:s15+$0xA300];
	[tilespmem:$0x1FA90] =	vst v5;
	v3 =	vsel vm4, v4, v3;
	v4 =	vsel vm4, $0x20, v4;
	v2 =	vsel vm0, v1, v2  }
0x288: {  	v32 =	vld [tilespmem:$0x1FA90];
	v1 =	vsel vm0, v38, v1;
	v3 =	vsel vm15, $0x21, v3;
	vm15 =	vnez.u8 v58  }
0x289: {  	v38 =	vimm.s32 $0x0;
	vm11 =	vgt.f32 v42, v2;
	vm3 =	vgt.f32 v42, v1  }
0x28a: {  	v3 =	vsel vm5, v4, v3;
	v4 =	vsel vm5, $0x21, v4;
	v2 =	vsel vm11, v42, v2  }
0x28b: {  	v49 =	vld [tilespmem:s15+$0xA380];
	[tilespmem:$0x1FA70] =	vst v7;
	v7 =	vsel vm11, $0xFFFFFFFF, v47;
	v3 =	vsel vm12, $0x22, v3;
	v2 =	vsel vm3, v1, v2  }
0x28c: {  	v15 =	vld [tilespmem:$0x1FA20];
	v1 =	vsel vm3, v42, v1;
	v3 =	vsel vm6, v4, v3;
	v4 =	vsel vm6, $0x22, v4  }
0x28d: {  	v52 =	vld [tilespmem:s15+$0xC000];
	[tilespmem:$0x1FAC0] =	vst v7;
	vm6 =	vnez.u8 v32;
	vm14 =	vgt.f32 v46, v2;
	vm4 =	vgt.f32 v46, v1  }
0x28e: {  	v3 =	vsel vm15, $0x23, v3;
	v39 =	vld [tilespmem:$0x1FAC0];
	v5 =	vsel vm14, $0xFFFFFFFF, v50;
	v2 =	vsel vm14, v46, v2  }
0x28f: {  	[tilespmem:$0x1FAA0] =	vst v8;
	v8 =	vsel vm4, $0xFFFFFFFF, v53;
	v3 =	vsel vm7, v4, v3;
	v2 =	vsel vm4, v1, v2  }
0x290: {  	v62 =	vld [tilespmem:$0x1FA00];
	v4 =	vsel vm7, $0x23, v4;
	v1 =	vsel vm4, v46, v1;
	vm11 =	vgt.f32 v49, v2  }
0x291: {  	v11 =	vld [tilespmem:$0x1FA10];
	vm7 =	vnez.u8 v15;
	vm2 =	vgt.f32 v49, v1;
	v2 =	vsel vm11, v49, v2  }
0x292: {  	v56 =	vld [tilespmem:s15+$0xC080];
	[tilespmem:$0x1FAB0] =	vst v6;
	v6 =	vsel vm11, $0xFFFFFFFF, v54;
	v2 =	vsel vm2, v1, v2;
	v1 =	vsel vm2, v49, v1  }
0x293: {  	vm4 =	vnez.u8 v39;
	v49 =	vimm.s32 $0x0;
	vm14 =	vgt.f32 v52, v2  }
0x294: {  	vm11 =	vgt.f32 v52, v1;
	v7 =	vsel vm14, $0xFFFFFFFF, v57;
	v2 =	vsel vm14, v52, v2  }
0x295: {  	v59 =	vld [tilespmem:s15+$0xC100];
	[tilespmem:$0x1FAE0] =	vst v8;
	v8 =	vsel vm11, $0xFFFFFFFF, v60;
	vm14 =	vnez.u8 v62;
	v2 =	vsel vm11, v1, v2  }
0x296: {  	v21 =	vld [tilespmem:$0x1FA40];
	v1 =	vsel vm11, v52, v1;
	v3 =	vsel vm14, $0x24, v3;
	vm11 =	vnez.u8 v11  }
0x297: {  	vm12 =	vgt.f32 v56, v2;
	vm14 =	vgt.f32 v56, v1;
	v3 =	vsel vm1, v4, v3  }
0x298: {  	v18 =	vld [tilespmem:$0x1FA30];
	[tilespmem:$0x1FAD0] =	vst v5;
	v4 =	vsel vm1, $0x24, v4;
	v5 =	vsel vm12, $0xFFFFFFFF, v61;
	v2 =	vsel vm12, v56, v2  }
0x299: {  	v3 =	vsel vm11, $0x25, v3;
	v2 =	vsel vm14, v1, v2;
	v1 =	vsel vm14, v56, v1  }
0x29a: {  	v63 =	vld [tilespmem:s15+$0xC180];
	v3 =	vsel vm8, v4, v3;
	v4 =	vsel vm8, $0x25, v4;
	vm15 =	vgt.f32 v59, v2  }
0x29b: {  	v12 =	vld [tilespmem:s15+$0xC200];
	[tilespmem:$0x1FAF0] =	vst v6;
	vm12 =	vgt.f32 v59, v1;
	v3 =	vsel vm7, $0x26, v3;
	vm7 =	vnez.u8 v21  }
0x29c: {  	v25 =	vld [tilespmem:$0x1FA60];
	[tilespmem:$0x1FB10] =	vst v8;
	v6 =	vsel vm15, $0xFFFFFFFF, v10;
	v2 =	vsel vm15, v59, v2;
	v8 =	vsel vm12, $0xFFFFFFFF, v13  }
0x29d: {  	v28 =	vld [tilespmem:$0x1FA70];
	v3 =	vsel vm9, v4, v3;
	v4 =	vsel vm9, $0x26, v4;
	vm9 =	vnez.u8 v18  }
0x29e: {  	v2 =	vsel vm12, v1, v2;
	v1 =	vsel vm12, v59, v1;
	v3 =	vsel vm9, $0x27, v3  }
0x29f: {  	v23 =	vld [tilespmem:$0x1FA50];
	vm15 =	vgt.f32 v63, v2;
	v3 =	vsel vm10, v4, v3;
	v4 =	vsel vm10, $0x27, v4  }
0x2a0: {  	v16 =	vld [tilespmem:s15+$0xC280];
	[tilespmem:$0x1FB00] =	vst v7;
	v7 =	vsel vm15, $0xFFFFFFFF, v14;
	v2 =	vsel vm15, v63, v2;
	vm15 =	vgt.f32 v63, v1  }
0x2a1: {  	v30 =	vld [tilespmem:$0x1FA80];
	vm10 =	vnez.u8 v25;
	v3 =	vsel vm7, $0x28, v3;
	v2 =	vsel vm15, v1, v2  }
0x2a2: {  	vm7 =	vnez.u8 v28;
	v1 =	vsel vm15, v63, v1;
	vm8 =	vgt.f32 v12, v2  }
0x2a3: {  	v19 =	vld [tilespmem:s15+$0xC300];
	[tilespmem:$0x1FB20] =	vst v5;
	vm12 =	vgt.f32 v12, v1;
	v5 =	vsel vm8, $0xFFFFFFFF, v17;
	v2 =	vsel vm8, v12, v2  }
0x2a4: {  	v34 =	vld [tilespmem:$0x1FAA0];
	vm8 =	vnez.u8 v23;
	v2 =	vsel vm12, v1, v2;
	v1 =	vsel vm12, v12, v1  }
0x2a5: {  	v3 =	vsel vm8, v4, v3;
	v4 =	vsel vm8, $0x28, v4;
	vm11 =	vgt.f32 v16, v2  }
0x2a6: {  	[tilespmem:$0x1FB30] =	vst v6;
	vm8 =	vnez.u8 v30;
	v3 =	vsel vm10, $0x29, v3;
	v6 =	vsel vm11, $0xFFFFFFFF, v20  }
0x2a7: {  	v22 =	vld [tilespmem:s15+$0xC380];
	v2 =	vsel vm11, v16, v2;
	vm11 =	vgt.f32 v16, v1;
	v3 =	vsel vm13, v4, v3  }
0x2a8: {  	v4 =	vsel vm13, $0x29, v4;
	v2 =	vsel vm11, v1, v2;
	v1 =	vsel vm11, v16, v1  }
0x2a9: {  	v36 =	vld [tilespmem:$0x1FAB0];
	v3 =	vsel vm7, $0x2A, v3;
	vm7 =	vnez.u8 v34;
	vm9 =	vgt.f32 v19, v2  }
0x2aa: {  	v26 =	vld [tilespmem:s15+$0xE000];
	vm10 =	vgt.f32 v19, v1;
	v3 =	vsel vm8, v4, v3;
	v2 =	vsel vm9, v19, v2  }
0x2ab: {  	[tilespmem:$0x1FB50] =	vst v7;
	v4 =	vsel vm8, $0x2A, v4;
	v7 =	vsel vm9, $0xFFFFFFFF, v24;
	v2 =	vsel vm10, v1, v2  }
0x2ac: {  	v3 =	vsel vm6, $0x2B, v3;
	v1 =	vsel vm10, v19, v1;
	vm13 =	vgt.f32 v22, v2  }
0x2ad: {  	v29 =	vld [tilespmem:s15+$0xE080];
	v3 =	vsel vm7, v4, v3;
	vm9 =	vgt.f32 v22, v1;
	v2 =	vsel vm13, v22, v2  }
0x2ae: {  	v4 =	vsel vm7, $0x2B, v4;
	vm7 =	vnez.u8 v36;
	v2 =	vsel vm9, v1, v2  }
0x2af: {  	v44 =	vld [tilespmem:$0x1FAE0];
	[tilespmem:$0x1FB60] =	vst v5;
	v5 =	vsel vm13, $0xFFFFFFFF, v27;
	v1 =	vsel vm9, v22, v1;
	vm13 =	vgt.f32 v26, v2  }
0x2b0: {  	v33 =	vld [tilespmem:s15+$0xE100];
	v3 =	vsel vm7, $0x2C, v3;
	vm8 =	vgt.f32 v26, v1;
	v2 =	vsel vm13, v26, v2  }
0x2b1: {  	v3 =	vsel vm0, v4, v3;
	v4 =	vsel vm0, $0x2C, v4;
	v2 =	vsel vm8, v1, v2  }
0x2b2: {  	v42 =	vld [tilespmem:$0x1FAD0];
	[tilespmem:$0x1FB70] =	vst v6;
	v6 =	vsel vm13, $0xFFFFFFFF, v31;
	v1 =	vsel vm8, v26, v1;
	vm13 =	vgt.f32 v29, v2  }
0x2b3: {  	v37 =	vld [tilespmem:s15+$0xE180];
	v3 =	vsel vm4, $0x2D, v3;
	vm7 =	vgt.f32 v29, v1;
	v2 =	vsel vm13, v29, v2  }
0x2b4: {  	v46 =	vld [tilespmem:$0x1FAF0];
	vm4 =	vnez.u8 v44;
	v3 =	vsel vm3, v4, v3;
	v2 =	vsel vm7, v1, v2  }
0x2b5: {  	[tilespmem:$0x1FB80] =	vst v7;
	v7 =	vsel vm13, $0xFFFFFFFF, v35;
	v1 =	vsel vm7, v29, v1;
	vm13 =	vgt.f32 v33, v2  }
0x2b6: {  	v4 =	vsel vm3, $0x2D, v4;
	vm6 =	vgt.f32 v33, v1;
	v2 =	vsel vm13, v33, v2  }
0x2b7: {  	v40 =	vld [tilespmem:s15+$0xE200];
	[tilespmem:$0x1FB90] =	vst v5;
	v5 =	vsel vm13, $0xFFFFFFFF, v38;
	vm13 =	vnez.u8 v42;
	v2 =	vsel vm6, v1, v2  }
0x2b8: {  	v1 =	vsel vm6, v33, v1;
	v3 =	vsel vm13, $0x2E, v3;
	vm5 =	vgt.f32 v37, v2  }
0x2b9: {  	v48 =	vld [tilespmem:$0x1FB00];
	v3 =	vsel vm4, v4, v3;
	v4 =	vsel vm4, $0x2E, v4;
	vm4 =	vnez.u8 v46  }
0x2ba: {  	v43 =	vld [tilespmem:s15+$0xE280];
	[tilespmem:$0x1FBA0] =	vst v6;
	v6 =	vsel vm5, $0xFFFFFFFF, v41;
	v2 =	vsel vm5, v37, v2;
	vm5 =	vgt.f32 v37, v1  }
0x2bb: {  	v51 =	vld [tilespmem:$0x1FB10];
	v3 =	vsel vm4, $0x2F, v3;
	v2 =	vsel vm5, v1, v2;
	v1 =	vsel vm5, v37, v1  }
0x2bc: {  	v52 =	vld [tilespmem:$0x1FB20];
	v3 =	vsel vm2, v4, v3;
	v4 =	vsel vm2, $0x2F, v4;
	vm13 =	vgt.f32 v40, v2  }
0x2bd: {  	v47 =	vld [tilespmem:s15+$0xE300];
	[tilespmem:$0x1FBB0] =	vst v7;
	vm4 =	vgt.f32 v40, v1;
	v7 =	vsel vm13, $0xFFFFFFFF, v45;
	v2 =	vsel vm13, v40, v2  }
0x2be: {  	v53 =	vld [tilespmem:$0x1FB30];
	vm13 =	vnez.u8 v48;
	v2 =	vsel vm4, v1, v2;
	v1 =	vsel vm4, v40, v1  }
0x2bf: {  	[tilespmem:$0x1FB40] =	vst v8;
	v3 =	vsel vm13, $0x30, v3;
	vm13 =	vgt.f32 v43, v2;
	vm3 =	vgt.f32 v43, v1  }
0x2c0: {  	v50 =	vld [tilespmem:s15+$0xE380];
	[tilespmem:$0x1FBC0] =	vst v5;
	v5 =	vsel vm13, $0xFFFFFFFF, v49;
	v2 =	vsel vm13, v43, v2;
	vm13 =	vnez.u8 v51  }
0x2c1: {  	v54 =	vld [tilespmem:$0x1FB40];
	vm0 =	vnez.u8 v52;
	v3 =	vsel vm13, v4, v3;
	v2 =	vsel vm3, v1, v2  }
0x2c2: {  	v4 =	vsel vm13, $0x30, v4;
	v1 =	vsel vm3, v43, v1;
	vm13 =	vgt.f32 v47, v2  }
0x2c3: {  	v55 =	vld [tilespmem:$0x1FB50];
	v3 =	vsel vm0, $0x31, v3;
	vm2 =	vgt.f32 v47, v1;
	vm0 =	vnez.u8 v53  }
0x2c4: {  	v2 =	vsel vm13, v47, v2;
	v3 =	vsel vm14, v4, v3;
	v4 =	vsel vm14, $0x31, v4  }
0x2c5: {  	v56 =	vld [tilespmem:$0x1FB60];
	v2 =	vsel vm2, v1, v2;
	v1 =	vsel vm2, v47, v1;
	v3 =	vsel vm0, $0x32, v3  }
0x2c6: {  	vm0 =	vnez.u8 v54;
	vm14 =	vgt.f32 v50, v2;
	vm1 =	vgt.f32 v50, v1  }
0x2c7: {  	v57 =	vld [tilespmem:$0x1FB70];
	v3 =	vsel vm0, v4, v3;
	v4 =	vsel vm0, $0x32, v4;
	v2 =	vsel vm14, v50, v2  }
0x2c8: {  	vm0 =	vnez.u8 v55;
	v2 =	vsel vm1, v1, v2;
	v1 =	vsel vm1, v50, v1  }
0x2c9: {  	v3 =	vsel vm0, $0x33, v3;
	v1 =	vsub.f32 v2, v1  }
0x2ca: {  	v2 =	vsel vm15, v4, v3;
	v3 =	vsel vm15, $0x33, v4;
	vm15 =	vnez.u8 v56  }
0x2cb: {  	v2 =	vsel vm15, $0x34, v2  }
0x2cc: {  	vm15 =	vnez.u8 v57;
	v1 =	vmul.f32 $1.442695020e+00, v1;
	v2 =	vsel vm12, v3, v2  }
0x2cd: {  	v3 =	vsel vm12, $0x34, v3;
	v2 =	vsel vm15, $0x35, v2  }
0x2ce: {  	(erf) = vpow2.f32 v1;
	v1 =	vsel vm11, v3, v2;
	v2 =	vsel vm11, $0x35, v3;
	v3 =	vld [tilespmem:$0x1FB80];
	_ =	sdelay $0x4  }
0x2cf: {  	vm11 =	vnez.u8 v3;
	v3 =	vld [tilespmem:$0x1FB90];
	_ =	sdelay $0x4  }
0x2d0: {  	vm12 =	vnez.u8 v3;
	v3 =	vld [tilespmem:$0x1FBA0];
	_ =	sdelay $0x4  }
0x2d1: {  	v1 =	vsel vm11, $0x36, v1;
	vm15 =	vnez.u8 v3;
	v3 =	vld [tilespmem:$0x1FBB0]  }
0x2d2: {  	v1 =	vsel vm10, v2, v1  }
0x2d3: {  	v58 =	vld [tilespmem:$0x1FBC0];
	v2 =	vsel vm10, $0x36, v2;
	v1 =	vsel vm12, $0x37, v1  }
0x2d4: {  	[tilespmem:$0x1FBD0] =	vst v6;
	v1 =	vsel vm9, v2, v1  }
0x2d5: {  	v60 =	vld [tilespmem:$0x1FBD0];
	v2 =	vsel vm9, $0x37, v2;
	v1 =	vsel vm15, $0x38, v1  }
0x2d6: {  	[tilespmem:$0x1FBE0] =	vst v7;
	v1 =	vsel vm8, v2, v1;
	vm9 =	vnez.u8 v3  }
0x2d7: {  	v61 =	vld [tilespmem:$0x1FBE0];
	v2 =	vsel vm8, $0x38, v2;
	v1 =	vsel vm9, $0x39, v1  }
0x2d8: {  	[tilespmem:$0x1FBF0] =	vst v5;
	vm10 =	vnez.u8 v58;
	v1 =	vsel vm7, v2, v1  }
0x2d9: {  	v62 =	vld [tilespmem:$0x1FBF0];
	v3 =	vpop (erf);
	v2 =	vsel vm7, $0x39, v2;
	v1 =	vsel vm10, $0x3A, v1  }
0x2da: {  	vm11 =	vnez.u8 v60;
	v59 =	vadd.f32 $1.000000000e+00, v3;
	v1 =	vsel vm6, v2, v1  }
0x2db: {  	v2 =	vsel vm6, $0x3A, v2;
	v1 =	vsel vm11, $0x3B, v1  }
0x2dc: {  	vm12 =	vnez.u8 v61;
	(erf) = vrcp.f32 v59;
	v1 =	vsel vm5, v2, v1  }
0x2dd: {  	v2 =	vsel vm5, $0x3B, v2;
	v1 =	vsel vm12, $0x3C, v1  }
0x2de: {  	vm15 =	vnez.u8 v62;
	v1 =	vsel vm4, v2, v1  }
0x2df: {  	v2 =	vsel vm4, $0x3C, v2;
	v1 =	vsel vm15, $0x3D, v1  }
0x2e0: {  	v1 =	vsel vm3, v2, v1;
	v2 =	vsel vm3, $0x3D, v2  }
0x2e1: {  	v1 =	vsel vm13, $0x3E, v1;
	v63 =	vsel vm2, $0x3E, v2  }
0x2e2: {  	s13 =	sshll.u32 s13, $0x5;
	v1 =	vsel vm2, v2, v1;
	v2 =	vsel vm1, $0x3F, v63  }
0x2e3: {  	s13 =	sand.u32 $0xFFFFFF00, s13  }
0x2e4: {  	s13 =	sor.u32 s14, s13;
	v1 =	vsel vm14, $0x3F, v1  }
0x2e5: {  	[tilespmem:s13+$0x10800] =	vst v2;
	v1 =	vsel vm1, v63, v1;
	v2 =	vpop (erf)  }
0x2e6: {  	[tilespmem:s13+$0x10880] =	vst v1;
	v1 =	vmul.f32 v2, v3  }
0x2e7: {  	[tilespmem:s13+$0x10000] =	vst v2  }
0x2e8: {  	[tilespmem:s13+$0x10080] =	vst v1  }
0x2e9: {  	[hbm4b:s4+s2] =	stream.linear.scatter [tilespmem:s10], [sflag:$0x1], $0x800, $0x38;
	[tilespmem:$0x11000] =	vst v63  }
0x2ea: {  	s12 =	sadd.s32 $0x1, s12;
	_ =	swait.ge [sflag:s9], $0x800  }
0x2eb: {  	p0 =	sne.s32 s12, s6;
	[sflag:s9] =	ssyncset.done $0x0  }
.Ltmp1:
0x2ec: {  	[sflag:s9] =	ssyncadd.s32 $0xFFFFF800;
	(pc) =	sbr.rel @p0 .LBB2_1-.Ltmp1, $4  }
0x2ed: {  	[hbm4b:s5+s2] =	stream.linear.scatter [tilespmem:s11], [sflag:$0x1], $0x800, $0x38;
	[tilespmem:$0x11000] =	vst v63  }
0x2ee: {  	_ =	swait.ge [sflag:s9], $0x800  }
0x2ef: {  	[sflag:s9] =	ssyncset.done $0x0  }
0x2f0: {  	[sflag:s9] =	ssyncadd.s32 $0xFFFFF800  }
0x2f1: {  	_ =	sfence.sel $0x180000  }
0x2f2: {  	[bflag:$0x0] =	sbarrier.arrive $0xFFFF  }
0x2f3: {  	p0 =	sne.s32 s1, $0x0;
	_ =	strace $0x90000047  }
0x2f4: {  	s0 =	sadd.s32 @!p0 $0x100000, s0;
	[bflag:$0x2] =	sbarrier.arrive $0xFFFF  }
0x2f5: {  	[sflag:s0] =	ssyncadd.tile.s32 @!p0 $0x1;
	_ =	shalt  }
.Lfunc_end2:
_tile_overlayer_lowered:
.L_overlay_start_2:
0x2f6: {  	(tag) =	ssettag $0x2  }
0x2f7: {  	s0 =	rddreg [dreg:$0x0];
	s2 =	stileid.u32  }
0x2f8: {  	s1 =	rddreg [dreg:$0x1];
	p0 =	sne.s32 s2, $0x0  }
0x2f9: {  	s3 =	rddreg [dreg:$0x2];
	[bflag:$0x3] =	sbarrier.arrive $0xFFFF;
	s2 =	simm.s32 @!p0 $0x1C01  }
0x2fa: {  	[timem:s3], [sflag:s2] =	dma.local @!p0 [hbm:s0], s1  }
0x2fb: {  	s0 =	simm.s32 @!p0 $0x1  }
0x2fc: {  	_ =	swait.ge @!p0 [sflag:s0], s1  }
0x2fd: {  	s1 =	ssub.s32 @!p0 $0x0, s1;
	[sflag:s0] =	ssyncset.done @!p0 $0x0  }
0x2fe: {  	[sflag:s0] =	ssyncadd.s32 @!p0 s1  }
0x2ff: {  	[bflag:$0x3] =	sbarrier.arrive $0xFFFF  }
0x300: {  	_ =	shalt  }

</sc_bundles>
